<compile_context>
chip_gen: v7x
topology: tpu7x:2x2x1
jax: 0.10.2.dev20260603
libtpu: 0.0.44.dev20260713+nightly
codegen_flags: <defaults>
</compile_context>

<pallas_src>
import functools

import jax
import jax.numpy as jnp
from jax import lax
from jax.experimental import pallas as pl
from jax.experimental.pallas import tpu as pltpu
from jax.experimental.pallas import tpu_sc as plsc

N_NODES = 10000
N_EDGES = 320000
N_CITIES = 100
N_ETH = 128

NC = 2
NS = 16
L = 16
NW = NC * NS

K = 128
EPW = -(-N_EDGES // NW)
CHUNKS = -(-EPW // K)
CP = CHUNKS + 1
ROWS_PAD = 10112
ROW_CHUNKS = ROWS_PAD // K
P2_T = -(-ROW_CHUNKS // NS)
CB = 8
GRP = K // L


def _sc_body(pop, coef, n2c, src3, dst3, lap3,
             out,
             acc, rows0, rows1, lapb0, didx0, sidx0,
             sG0, sS0):
    c = lax.axis_index("c")
    s = lax.axis_index("s")
    w = c * NS + s

    zvec = jnp.zeros((L,), jnp.float32)

    def zero_row(r, _):
        for b in range(CB):
            rows0[r, pl.ds(b * L, L)] = zvec
        return 0

    lax.fori_loop(0, K, zero_row, 0)
    for t in range(P2_T):
        chunk = s + NS * t

        @pl.when(chunk < ROW_CHUNKS)
        def _():
            pltpu.sync_copy(rows0, acc.at[pl.ds(chunk * K, K)])
    plsc.subcore_barrier()

    pltpu.sync_copy(src3.at[w, 0], sidx0)
    pltpu.make_async_copy(rows0, acc.at[sidx0], sS0).start(add=True)

    def chunk_body(i, _):
        pltpu.sync_copy(dst3.at[w, i], didx0)
        pltpu.make_async_copy(rows0, acc.at[sidx0], sS0).wait()
        pltpu.async_copy(pop.at[didx0], rows0, sG0)
        pltpu.sync_copy(lap3.at[w, i], lapb0)
        pltpu.sync_copy(src3.at[w, i], sidx0)
        pltpu.make_async_copy(pop.at[didx0], rows0, sG0).wait()

        def scale_grp(g, _):
            lv16 = lapb0[pl.ds(g * L, L)]
            for u in range(L):
                e = g * L + u
                lv = lv16[u]
                for b in range(CB):
                    sl = (e, pl.ds(b * L, L))
                    rows0[sl] = rows0[sl] * lv
            return 0

        lax.fori_loop(0, GRP, scale_grp, 0)
        pltpu.make_async_copy(rows0, acc.at[sidx0], sS0).start(add=True)
        return 0

    lax.fori_loop(0, CHUNKS, chunk_body, 0)
    pltpu.make_async_copy(rows0, acc.at[sidx0], sS0).wait()
    plsc.subcore_barrier()

    def mul_body(r4, _):
        for u in range(4):
            r = r4 * 4 + u
            for b in range(CB):
                sl = (r, pl.ds(b * L, L))
                rows0[sl] = rows0[sl] * rows1[sl]
        return 0

    def p2_chunk(t, _):
        chunk = s + NS * t

        @pl.when(chunk < ROW_CHUNKS)
        def _():
            r0 = chunk * K
            pltpu.sync_copy(n2c.at[pl.ds(r0, K)], didx0)
            pltpu.async_copy(coef.at[didx0], rows1, sG0)
            pltpu.sync_copy(acc.at[pl.ds(r0, K)], rows0)
            pltpu.make_async_copy(coef.at[didx0], rows1, sG0).wait()
            lax.fori_loop(0, K // 4, mul_body, 0)
            pltpu.sync_copy(rows0, out.at[pl.ds(c * ROWS_PAD + r0, K)])
        return 0

    lax.fori_loop(0, P2_T, p2_chunk, 0)


def _add_body(a_ref, b_ref, o_ref):
    o_ref[...] = a_ref[...] + b_ref[...]


@jax.jit
def _run(pop, coef, n2c, src3, dst3, lap3):
    f32 = jnp.float32
    i32 = jnp.int32
    kern = pl.kernel(
        _sc_body,
        out_type=jax.ShapeDtypeStruct((NC * ROWS_PAD, N_ETH), f32),
        mesh=plsc.VectorSubcoreMesh(
            core_axis_name="c", subcore_axis_name="s",
            num_cores=NC, num_subcores=NS,
        ),
        scratch_types=[
            pltpu.VMEM_SHARED((ROWS_PAD, N_ETH), f32),
            pltpu.VMEM((K, N_ETH), f32),
            pltpu.VMEM((K, N_ETH), f32),
            pltpu.VMEM((K,), f32),
            pltpu.VMEM((K,), i32),
            pltpu.VMEM((K,), i32),
        ] + [pltpu.SemaphoreType.DMA] * 2,
    )
    partial = kern(pop, coef, n2c, src3, dst3, lap3)

    final = pl.pallas_call(
        _add_body,
        out_shape=jax.ShapeDtypeStruct((ROWS_PAD, N_ETH), f32),
        grid=(ROWS_PAD // K,),
        in_specs=[
            pl.BlockSpec((K, N_ETH), lambda i: (i, 0)),
            pl.BlockSpec((K, N_ETH), lambda i: (i + ROWS_PAD // K, 0)),
        ],
        out_specs=pl.BlockSpec((K, N_ETH), lambda i: (i, 0)),
    )(partial, partial)
    return final


def kernel(population, diffusion_coef, lap_values, src, dst, node_to_city):
    n2c = jnp.pad(node_to_city, (0, ROWS_PAD - N_NODES))
    pad_e = NW * EPW - N_EDGES
    src_p = jnp.pad(src, (0, pad_e), constant_values=N_NODES)
    dst_p = jnp.pad(dst, (0, pad_e))
    lap_p = jnp.pad(lap_values, (0, pad_e))
    src3 = jnp.pad(src_p.reshape(NW, EPW), ((0, 0), (0, CP * K - EPW)),
                   constant_values=N_NODES).reshape(NW, CP, K)
    dst3 = jnp.pad(dst_p.reshape(NW, EPW),
                   ((0, 0), (0, CP * K - EPW))).reshape(NW, CP, K)
    lap3 = jnp.pad(lap_p.reshape(NW, EPW),
                   ((0, 0), (0, CP * K - EPW))).reshape(NW, CP, K)
    final = _run(population, diffusion_coef, n2c, src3, dst3, lap3)
    return final[:N_NODES]

# --- scband reference (transcript-rebuilt; emitter-appended) ---
"""Pipeline reference for scband-graph-laplacian-module-34711925686410 (READ-ONLY COPY).

The authoritative reference and input builder live on the scoring server;
editing this copy changes nothing except your own understanding.
"""

import jax, jax.numpy as jnp
import numpy as np

N_NODES = 10000
N_EDGES = 320000
N_CITIES = 100
N_ETH = 128


def setup_inputs(seed: int = 0) -> dict:
    key = jax.random.key(seed)
    k1, k2, k3, k4, k5, k6 = jax.random.split(key, 6)
    # forward args
    population = jax.random.uniform(k1, (N_NODES, N_ETH), dtype=jnp.float32) * 1000.0
    diffusion_coef = jax.random.uniform(k2, (N_CITIES, N_ETH), dtype=jnp.float32) * 2.0
    # graph structure (module buffers): random COO adjacency with positive weights
    src = jax.random.randint(k3, (N_EDGES,), 0, N_NODES, dtype=jnp.int32)
    dst = jax.random.randint(k4, (N_EDGES,), 0, N_NODES, dtype=jnp.int32)
    adj_vals = jax.random.uniform(k5, (N_EDGES,), dtype=jnp.float32) + 0.1
    node_to_city = jax.random.randint(k6, (N_NODES,), 0, N_CITIES, dtype=jnp.int32)
    # _compute_laplacian: symmetric-normalized negative adjacency values
    degree = jax.ops.segment_sum(adj_vals, src, num_segments=N_NODES)
    deg_inv_sqrt = jnp.power(degree + 1e-08, -0.5)
    lap_values = -(adj_vals * deg_inv_sqrt[src] * deg_inv_sqrt[dst])
    return {
        "population": population,
        "diffusion_coef": diffusion_coef,
        "lap_values": lap_values,
        "src": src,
        "dst": dst,
        "node_to_city": node_to_city,
    }


def reference(population, diffusion_coef, lap_values, src, dst, node_to_city):
    # diffusion_term[:, eth] = diffusion_coef[node_to_city, eth] * (L @ population[:, eth])
    # SpMM via gather + scatter-add over edges (CSR/COO equivalent)
    gathered = lap_values[:, None] * jnp.take(population, dst, axis=0)
    lap_pop = jax.ops.segment_sum(gathered, src, num_segments=population.shape[0])
    city_coef = jnp.take(diffusion_coef, node_to_city, axis=0)
    return city_coef * lap_pop

if __name__ == "__main__":
    import jax
    _d = setup_inputs()
    print(jax.jit(kernel)(*tuple(_d.values())))

</pallas_src>

<mosaic_0001>
#map = affine_map<(d0, d1) -> (0, 0)>
#map1 = affine_map<(d0, d1) -> (0)>
#map2 = affine_map<(d0, d1) -> (0, 0, 0)>
module attributes {stable_mosaic.version = 14 : i64} {
  func.func @_sc_body(%arg0: i32, %arg1: i32, %arg2: memref<10000x128xf32, #tpu.memory_space<hbm>>, %arg3: memref<100x128xf32, #tpu.memory_space<hbm>>, %arg4: memref<10112xi32, #tpu.memory_space<hbm>>, %arg5: memref<32x80x128xi32, #tpu.memory_space<hbm>>, %arg6: memref<32x80x128xi32, #tpu.memory_space<hbm>>, %arg7: memref<32x80x128xf32, #tpu.memory_space<hbm>>, %arg8: memref<20224x128xf32, #tpu.memory_space<hbm>>, %arg9: memref<10112x128xf32, #tpu.memory_space<vmem_shared>>, %arg10: memref<128x128xf32, #tpu.memory_space<vmem>>, %arg11: memref<128x128xf32, #tpu.memory_space<vmem>>, %arg12: memref<128xf32, #tpu.memory_space<vmem>>, %arg13: memref<128xi32, #tpu.memory_space<vmem>>, %arg14: memref<128xi32, #tpu.memory_space<vmem>>, %arg15: memref<!tpu.dma_semaphore, #tpu.memory_space<semaphore_mem>>, %arg16: memref<!tpu.dma_semaphore, #tpu.memory_space<semaphore_mem>>) attributes {dimension_semantics = [#tpu.dimension_semantics<core_parallel>, #tpu.dimension_semantics<subcore_parallel>], iteration_bounds = array<i64: 2, 16>, scalar_prefetch = 0 : i64, scratch_operands = 8 : i64, tpu.core_type = #tpu.core_type<sc_vector_subcore>, window_params = [{transform_indices = #map}, {transform_indices = #map}, {transform_indices = #map1}, {transform_indices = #map2}, {transform_indices = #map2}, {transform_indices = #map2}, {transform_indices = #map}]} {
    %mul3A = arith.constant 16 : i32
    %mul3A_0 = arith.muli %arg0, %mul3A : i32
    %add3A = arith.addi %mul3A_0, %arg1 : i32
    %broadcast_in_dim3A = arith.constant 0.000000e+00 : f32
    %broadcast_in_dim3A_1 = vector.broadcast %broadcast_in_dim3A : f32 to vector<16xf32>
    %scan3A = arith.constant 0 : i32
    %scan3A_2 = arith.constant 0 : i32
    %scan3A_3 = arith.constant 128 : i32
    %scan3A_4 = arith.addi %scan3A_2, %scan3A_3 : i32
    %scan3A_5 = arith.constant 1 : i32
    %scan3A_6 = scf.for %scan3A_59 = %scan3A_2 to %scan3A_4 step %scan3A_5 iter_args(%scan3A_60 = %scan3A) -> (i32)  : i32 {
      %swap3A = arith.index_cast %scan3A_59 : i32 to index
      %swap3A_61 = arith.constant 0 : index
      %swap3A_62 = tpu.vector_load %arg10[%swap3A, %swap3A_61] {strides = array<i32>} : memref<128x128xf32, #tpu.memory_space<vmem>>, vector<1x16xf32>,
      %swap3A_63 = vector.shape_cast %swap3A_62 : vector<1x16xf32> to vector<16xf32>
      %swap3A_64 = vector.shape_cast %broadcast_in_dim3A_1 : vector<16xf32> to vector<1x16xf32>
      tpu.vector_store %arg10[%swap3A, %swap3A_61], %swap3A_64 {strides = array<i32>} : memref<128x128xf32, #tpu.memory_space<vmem>>, vector<1x16xf32>,
      %swap3A_65 = arith.index_cast %scan3A_59 : i32 to index
      %swap3A_66 = arith.constant 16 : index
      %swap3A_67 = tpu.vector_load %arg10[%swap3A_65, %swap3A_66] {strides = array<i32>} : memref<128x128xf32, #tpu.memory_space<vmem>>, vector<1x16xf32>,
      %swap3A_68 = vector.shape_cast %swap3A_67 : vector<1x16xf32> to vector<16xf32>
      %swap3A_69 = vector.shape_cast %broadcast_in_dim3A_1 : vector<16xf32> to vector<1x16xf32>
      tpu.vector_store %arg10[%swap3A_65, %swap3A_66], %swap3A_69 {strides = array<i32>} : memref<128x128xf32, #tpu.memory_space<vmem>>, vector<1x16xf32>,
      %swap3A_70 = arith.index_cast %scan3A_59 : i32 to index
      %swap3A_71 = arith.constant 32 : index
      %swap3A_72 = tpu.vector_load %arg10[%swap3A_70, %swap3A_71] {strides = array<i32>} : memref<128x128xf32, #tpu.memory_space<vmem>>, vector<1x16xf32>,
      %swap3A_73 = vector.shape_cast %swap3A_72 : vector<1x16xf32> to vector<16xf32>
      %swap3A_74 = vector.shape_cast %broadcast_in_dim3A_1 : vector<16xf32> to vector<1x16xf32>
      tpu.vector_store %arg10[%swap3A_70, %swap3A_71], %swap3A_74 {strides = array<i32>} : memref<128x128xf32, #tpu.memory_space<vmem>>, vector<1x16xf32>,
      %swap3A_75 = arith.index_cast %scan3A_59 : i32 to index
      %swap3A_76 = arith.constant 48 : index
      %swap3A_77 = tpu.vector_load %arg10[%swap3A_75, %swap3A_76] {strides = array<i32>} : memref<128x128xf32, #tpu.memory_space<vmem>>, vector<1x16xf32>,
      %swap3A_78 = vector.shape_cast %swap3A_77 : vector<1x16xf32> to vector<16xf32>
      %swap3A_79 = vector.shape_cast %broadcast_in_dim3A_1 : vector<16xf32> to vector<1x16xf32>
      tpu.vector_store %arg10[%swap3A_75, %swap3A_76], %swap3A_79 {strides = array<i32>} : memref<128x128xf32, #tpu.memory_space<vmem>>, vector<1x16xf32>,
      %swap3A_80 = arith.index_cast %scan3A_59 : i32 to index
      %swap3A_81 = arith.constant 64 : index
      %swap3A_82 = tpu.vector_load %arg10[%swap3A_80, %swap3A_81] {strides = array<i32>} : memref<128x128xf32, #tpu.memory_space<vmem>>, vector<1x16xf32>,
      %swap3A_83 = vector.shape_cast %swap3A_82 : vector<1x16xf32> to vector<16xf32>
      %swap3A_84 = vector.shape_cast %broadcast_in_dim3A_1 : vector<16xf32> to vector<1x16xf32>
      tpu.vector_store %arg10[%swap3A_80, %swap3A_81], %swap3A_84 {strides = array<i32>} : memref<128x128xf32, #tpu.memory_space<vmem>>, vector<1x16xf32>,
      %swap3A_85 = arith.index_cast %scan3A_59 : i32 to index
      %swap3A_86 = arith.constant 80 : index
      %swap3A_87 = tpu.vector_load %arg10[%swap3A_85, %swap3A_86] {strides = array<i32>} : memref<128x128xf32, #tpu.memory_space<vmem>>, vector<1x16xf32>,
      %swap3A_88 = vector.shape_cast %swap3A_87 : vector<1x16xf32> to vector<16xf32>
      %swap3A_89 = vector.shape_cast %broadcast_in_dim3A_1 : vector<16xf32> to vector<1x16xf32>
      tpu.vector_store %arg10[%swap3A_85, %swap3A_86], %swap3A_89 {strides = array<i32>} : memref<128x128xf32, #tpu.memory_space<vmem>>, vector<1x16xf32>,
      %swap3A_90 = arith.index_cast %scan3A_59 : i32 to index
      %swap3A_91 = arith.constant 96 : index
      %swap3A_92 = tpu.vector_load %arg10[%swap3A_90, %swap3A_91] {strides = array<i32>} : memref<128x128xf32, #tpu.memory_space<vmem>>, vector<1x16xf32>,
      %swap3A_93 = vector.shape_cast %swap3A_92 : vector<1x16xf32> to vector<16xf32>
      %swap3A_94 = vector.shape_cast %broadcast_in_dim3A_1 : vector<16xf32> to vector<1x16xf32>
      tpu.vector_store %arg10[%swap3A_90, %swap3A_91], %swap3A_94 {strides = array<i32>} : memref<128x128xf32, #tpu.memory_space<vmem>>, vector<1x16xf32>,
      %swap3A_95 = arith.index_cast %scan3A_59 : i32 to index
      %swap3A_96 = arith.constant 112 : index
      %swap3A_97 = tpu.vector_load %arg10[%swap3A_95, %swap3A_96] {strides = array<i32>} : memref<128x128xf32, #tpu.memory_space<vmem>>, vector<1x16xf32>,
      %swap3A_98 = vector.shape_cast %swap3A_97 : vector<1x16xf32> to vector<16xf32>
      %swap3A_99 = vector.shape_cast %broadcast_in_dim3A_1 : vector<16xf32> to vector<1x16xf32>
      tpu.vector_store %arg10[%swap3A_95, %swap3A_96], %swap3A_99 {strides = array<i32>} : memref<128x128xf32, #tpu.memory_space<vmem>>, vector<1x16xf32>,
      %scan3A_100 = arith.constant 0 : i32
      scf.yield %scan3A_100 : i32
    }
    %scan3A_7 = arith.constant 128 : i32
    %add3A_8 = arith.constant 0 : i32
    %add3A_9 = arith.addi %arg1, %add3A_8 : i32
    %lt3A = arith.constant 79 : i32
    %lt3A_10 = arith.cmpi slt, %add3A_9, %lt3A : i32
    %convert_element_type3A = arith.extui %lt3A_10 : i1 to i32
    %cond3A = arith.constant 0 : i32
    %cond3A_11 = arith.cmpi ne, %convert_element_type3A, %cond3A : i32
    scf.if %cond3A_11 {
      %mul3A_59 = arith.constant 128 : i32
      %mul3A_60 = arith.muli %add3A_9, %mul3A_59 : i32
      "tpu.region"() ({
        %run_scoped3A_61 = tpu.sem_alloc : memref<!tpu.dma_semaphore, #tpu.memory_space<semaphore_mem>>
        %dma_start3A_62 = arith.constant 0 : i32
        %dma_start3A_63 = tpu.memref_slice %arg9[%mul3A_60, %dma_start3A_62] : memref<10112x128xf32, #tpu.memory_space<vmem_shared>> -> memref<128x128xf32, #tpu.memory_space<vmem_shared>>
        %dma_start3A_64 = arith.constant 0 : i32
        %dma_start3A_65 = tpu.memref_slice %arg9[%mul3A_60, %dma_start3A_64] : memref<10112x128xf32, #tpu.memory_space<vmem_shared>> -> memref<128x128xf32, #tpu.memory_space<vmem_shared>>
        tpu.enqueue_dma source(%arg10 : memref<128x128xf32, #tpu.memory_space<vmem>>) target(%dma_start3A_65 : memref<128x128xf32, #tpu.memory_space<vmem_shared>>) target_semaphore(%run_scoped3A_61 : memref<!tpu.dma_semaphore, #tpu.memory_space<semaphore_mem>>)
        %dma_wait3A_66 = arith.constant 0 : i32
        %dma_wait3A_67 = tpu.memref_slice %arg9[%mul3A_60, %dma_wait3A_66] : memref<10112x128xf32, #tpu.memory_space<vmem_shared>> -> memref<128x128xf32, #tpu.memory_space<vmem_shared>>
        %dma_wait3A_68 = arith.constant 0 : i32
        %dma_wait3A_69 = tpu.memref_slice %arg9[%mul3A_60, %dma_wait3A_68] : memref<10112x128xf32, #tpu.memory_space<vmem_shared>> -> memref<128x128xf32, #tpu.memory_space<vmem_shared>>
        tpu.wait_dma2 semaphore(%run_scoped3A_61 : memref<!tpu.dma_semaphore, #tpu.memory_space<semaphore_mem>>) src(%arg10 : memref<128x128xf32, #tpu.memory_space<vmem>>) dst(%dma_wait3A_69 : memref<128x128xf32, #tpu.memory_space<vmem_shared>>)
        tpu.yield
      }) : () -> ()
    } else {
    }
    %add3A_12 = arith.constant 16 : i32
    %add3A_13 = arith.addi %arg1, %add3A_12 : i32
    %lt3A_14 = arith.constant 79 : i32
    %lt3A_15 = arith.cmpi slt, %add3A_13, %lt3A_14 : i32
    %convert_element_type3A_16 = arith.extui %lt3A_15 : i1 to i32
    %cond3A_17 = arith.constant 0 : i32
    %cond3A_18 = arith.cmpi ne, %convert_element_type3A_16, %cond3A_17 : i32
    scf.if %cond3A_18 {
      %mul3A_59 = arith.constant 128 : i32
      %mul3A_60 = arith.muli %add3A_13, %mul3A_59 : i32
      "tpu.region"() ({
        %run_scoped3A_61 = tpu.sem_alloc : memref<!tpu.dma_semaphore, #tpu.memory_space<semaphore_mem>>
        %dma_start3A_62 = arith.constant 0 : i32
        %dma_start3A_63 = tpu.memref_slice %arg9[%mul3A_60, %dma_start3A_62] : memref<10112x128xf32, #tpu.memory_space<vmem_shared>> -> memref<128x128xf32, #tpu.memory_space<vmem_shared>>
        %dma_start3A_64 = arith.constant 0 : i32
        %dma_start3A_65 = tpu.memref_slice %arg9[%mul3A_60, %dma_start3A_64] : memref<10112x128xf32, #tpu.memory_space<vmem_shared>> -> memref<128x128xf32, #tpu.memory_space<vmem_shared>>
        tpu.enqueue_dma source(%arg10 : memref<128x128xf32, #tpu.memory_space<vmem>>) target(%dma_start3A_65 : memref<128x128xf32, #tpu.memory_space<vmem_shared>>) target_semaphore(%run_scoped3A_61 : memref<!tpu.dma_semaphore, #tpu.memory_space<semaphore_mem>>)
        %dma_wait3A_66 = arith.constant 0 : i32
        %dma_wait3A_67 = tpu.memref_slice %arg9[%mul3A_60, %dma_wait3A_66] : memref<10112x128xf32, #tpu.memory_space<vmem_shared>> -> memref<128x128xf32, #tpu.memory_space<vmem_shared>>
        %dma_wait3A_68 = arith.constant 0 : i32
        %dma_wait3A_69 = tpu.memref_slice %arg9[%mul3A_60, %dma_wait3A_68] : memref<10112x128xf32, #tpu.memory_space<vmem_shared>> -> memref<128x128xf32, #tpu.memory_space<vmem_shared>>
        tpu.wait_dma2 semaphore(%run_scoped3A_61 : memref<!tpu.dma_semaphore, #tpu.memory_space<semaphore_mem>>) src(%arg10 : memref<128x128xf32, #tpu.memory_space<vmem>>) dst(%dma_wait3A_69 : memref<128x128xf32, #tpu.memory_space<vmem_shared>>)
        tpu.yield
      }) : () -> ()
    } else {
    }
    %add3A_19 = arith.constant 32 : i32
    %add3A_20 = arith.addi %arg1, %add3A_19 : i32
    %lt3A_21 = arith.constant 79 : i32
    %lt3A_22 = arith.cmpi slt, %add3A_20, %lt3A_21 : i32
    %convert_element_type3A_23 = arith.extui %lt3A_22 : i1 to i32
    %cond3A_24 = arith.constant 0 : i32
    %cond3A_25 = arith.cmpi ne, %convert_element_type3A_23, %cond3A_24 : i32
    scf.if %cond3A_25 {
      %mul3A_59 = arith.constant 128 : i32
      %mul3A_60 = arith.muli %add3A_20, %mul3A_59 : i32
      "tpu.region"() ({
        %run_scoped3A_61 = tpu.sem_alloc : memref<!tpu.dma_semaphore, #tpu.memory_space<semaphore_mem>>
        %dma_start3A_62 = arith.constant 0 : i32
        %dma_start3A_63 = tpu.memref_slice %arg9[%mul3A_60, %dma_start3A_62] : memref<10112x128xf32, #tpu.memory_space<vmem_shared>> -> memref<128x128xf32, #tpu.memory_space<vmem_shared>>
        %dma_start3A_64 = arith.constant 0 : i32
        %dma_start3A_65 = tpu.memref_slice %arg9[%mul3A_60, %dma_start3A_64] : memref<10112x128xf32, #tpu.memory_space<vmem_shared>> -> memref<128x128xf32, #tpu.memory_space<vmem_shared>>
        tpu.enqueue_dma source(%arg10 : memref<128x128xf32, #tpu.memory_space<vmem>>) target(%dma_start3A_65 : memref<128x128xf32, #tpu.memory_space<vmem_shared>>) target_semaphore(%run_scoped3A_61 : memref<!tpu.dma_semaphore, #tpu.memory_space<semaphore_mem>>)
        %dma_wait3A_66 = arith.constant 0 : i32
        %dma_wait3A_67 = tpu.memref_slice %arg9[%mul3A_60, %dma_wait3A_66] : memref<10112x128xf32, #tpu.memory_space<vmem_shared>> -> memref<128x128xf32, #tpu.memory_space<vmem_shared>>
        %dma_wait3A_68 = arith.constant 0 : i32
        %dma_wait3A_69 = tpu.memref_slice %arg9[%mul3A_60, %dma_wait3A_68] : memref<10112x128xf32, #tpu.memory_space<vmem_shared>> -> memref<128x128xf32, #tpu.memory_space<vmem_shared>>
        tpu.wait_dma2 semaphore(%run_scoped3A_61 : memref<!tpu.dma_semaphore, #tpu.memory_space<semaphore_mem>>) src(%arg10 : memref<128x128xf32, #tpu.memory_space<vmem>>) dst(%dma_wait3A_69 : memref<128x128xf32, #tpu.memory_space<vmem_shared>>)
        tpu.yield
      }) : () -> ()
    } else {
    }
    %add3A_26 = arith.constant 48 : i32
    %add3A_27 = arith.addi %arg1, %add3A_26 : i32
    %lt3A_28 = arith.constant 79 : i32
    %lt3A_29 = arith.cmpi slt, %add3A_27, %lt3A_28 : i32
    %convert_element_type3A_30 = arith.extui %lt3A_29 : i1 to i32
    %cond3A_31 = arith.constant 0 : i32
    %cond3A_32 = arith.cmpi ne, %convert_element_type3A_30, %cond3A_31 : i32
    scf.if %cond3A_32 {
      %mul3A_59 = arith.constant 128 : i32
      %mul3A_60 = arith.muli %add3A_27, %mul3A_59 : i32
      "tpu.region"() ({
        %run_scoped3A_61 = tpu.sem_alloc : memref<!tpu.dma_semaphore, #tpu.memory_space<semaphore_mem>>
        %dma_start3A_62 = arith.constant 0 : i32
        %dma_start3A_63 = tpu.memref_slice %arg9[%mul3A_60, %dma_start3A_62] : memref<10112x128xf32, #tpu.memory_space<vmem_shared>> -> memref<128x128xf32, #tpu.memory_space<vmem_shared>>
        %dma_start3A_64 = arith.constant 0 : i32
        %dma_start3A_65 = tpu.memref_slice %arg9[%mul3A_60, %dma_start3A_64] : memref<10112x128xf32, #tpu.memory_space<vmem_shared>> -> memref<128x128xf32, #tpu.memory_space<vmem_shared>>
        tpu.enqueue_dma source(%arg10 : memref<128x128xf32, #tpu.memory_space<vmem>>) target(%dma_start3A_65 : memref<128x128xf32, #tpu.memory_space<vmem_shared>>) target_semaphore(%run_scoped3A_61 : memref<!tpu.dma_semaphore, #tpu.memory_space<semaphore_mem>>)
        %dma_wait3A_66 = arith.constant 0 : i32
        %dma_wait3A_67 = tpu.memref_slice %arg9[%mul3A_60, %dma_wait3A_66] : memref<10112x128xf32, #tpu.memory_space<vmem_shared>> -> memref<128x128xf32, #tpu.memory_space<vmem_shared>>
        %dma_wait3A_68 = arith.constant 0 : i32
        %dma_wait3A_69 = tpu.memref_slice %arg9[%mul3A_60, %dma_wait3A_68] : memref<10112x128xf32, #tpu.memory_space<vmem_shared>> -> memref<128x128xf32, #tpu.memory_space<vmem_shared>>
        tpu.wait_dma2 semaphore(%run_scoped3A_61 : memref<!tpu.dma_semaphore, #tpu.memory_space<semaphore_mem>>) src(%arg10 : memref<128x128xf32, #tpu.memory_space<vmem>>) dst(%dma_wait3A_69 : memref<128x128xf32, #tpu.memory_space<vmem_shared>>)
        tpu.yield
      }) : () -> ()
    } else {
    }
    %add3A_33 = arith.constant 64 : i32
    %add3A_34 = arith.addi %arg1, %add3A_33 : i32
    %lt3A_35 = arith.constant 79 : i32
    %lt3A_36 = arith.cmpi slt, %add3A_34, %lt3A_35 : i32
    %convert_element_type3A_37 = arith.extui %lt3A_36 : i1 to i32
    %cond3A_38 = arith.constant 0 : i32
    %cond3A_39 = arith.cmpi ne, %convert_element_type3A_37, %cond3A_38 : i32
    scf.if %cond3A_39 {
      %mul3A_59 = arith.constant 128 : i32
      %mul3A_60 = arith.muli %add3A_34, %mul3A_59 : i32
      "tpu.region"() ({
        %run_scoped3A_61 = tpu.sem_alloc : memref<!tpu.dma_semaphore, #tpu.memory_space<semaphore_mem>>
        %dma_start3A_62 = arith.constant 0 : i32
        %dma_start3A_63 = tpu.memref_slice %arg9[%mul3A_60, %dma_start3A_62] : memref<10112x128xf32, #tpu.memory_space<vmem_shared>> -> memref<128x128xf32, #tpu.memory_space<vmem_shared>>
        %dma_start3A_64 = arith.constant 0 : i32
        %dma_start3A_65 = tpu.memref_slice %arg9[%mul3A_60, %dma_start3A_64] : memref<10112x128xf32, #tpu.memory_space<vmem_shared>> -> memref<128x128xf32, #tpu.memory_space<vmem_shared>>
        tpu.enqueue_dma source(%arg10 : memref<128x128xf32, #tpu.memory_space<vmem>>) target(%dma_start3A_65 : memref<128x128xf32, #tpu.memory_space<vmem_shared>>) target_semaphore(%run_scoped3A_61 : memref<!tpu.dma_semaphore, #tpu.memory_space<semaphore_mem>>)
        %dma_wait3A_66 = arith.constant 0 : i32
        %dma_wait3A_67 = tpu.memref_slice %arg9[%mul3A_60, %dma_wait3A_66] : memref<10112x128xf32, #tpu.memory_space<vmem_shared>> -> memref<128x128xf32, #tpu.memory_space<vmem_shared>>
        %dma_wait3A_68 = arith.constant 0 : i32
        %dma_wait3A_69 = tpu.memref_slice %arg9[%mul3A_60, %dma_wait3A_68] : memref<10112x128xf32, #tpu.memory_space<vmem_shared>> -> memref<128x128xf32, #tpu.memory_space<vmem_shared>>
        tpu.wait_dma2 semaphore(%run_scoped3A_61 : memref<!tpu.dma_semaphore, #tpu.memory_space<semaphore_mem>>) src(%arg10 : memref<128x128xf32, #tpu.memory_space<vmem>>) dst(%dma_wait3A_69 : memref<128x128xf32, #tpu.memory_space<vmem_shared>>)
        tpu.yield
      }) : () -> ()
    } else {
    }
    %barrier3A = arith.constant 0 : index
    tpu.barrier barrier_id(%barrier3A)
    %run_scoped3A = arith.constant 0 : i32
    "tpu.region"() ({
      %run_scoped3A_59 = tpu.sem_alloc : memref<!tpu.dma_semaphore, #tpu.memory_space<semaphore_mem>>
      %dma_start3A_60 = arith.constant 0 : i32
      %dma_start3A_61 = tpu.memref_slice %arg5[%add3A, %run_scoped3A, %dma_start3A_60] : memref<32x80x128xi32, #tpu.memory_space<hbm>> -> memref<1x1x128xi32, #tpu.memory_space<hbm>>
      %dma_start3A_62 = tpu.memref_squeeze %dma_start3A_61 : memref<1x1x128xi32, #tpu.memory_space<hbm>> -> memref<128xi32, #tpu.memory_space<hbm>>
      %dma_start3A_63 = arith.constant 0 : i32
      %dma_start3A_64 = tpu.memref_slice %arg5[%add3A, %run_scoped3A, %dma_start3A_63] : memref<32x80x128xi32, #tpu.memory_space<hbm>> -> memref<1x1x128xi32, #tpu.memory_space<hbm>>
      %dma_start3A_65 = tpu.memref_squeeze %dma_start3A_64 : memref<1x1x128xi32, #tpu.memory_space<hbm>> -> memref<128xi32, #tpu.memory_space<hbm>>
      tpu.enqueue_dma source(%dma_start3A_65 : memref<128xi32, #tpu.memory_space<hbm>>) target(%arg14 : memref<128xi32, #tpu.memory_space<vmem>>) target_semaphore(%run_scoped3A_59 : memref<!tpu.dma_semaphore, #tpu.memory_space<semaphore_mem>>)
      %dma_wait3A_66 = arith.constant 0 : i32
      %dma_wait3A_67 = tpu.memref_slice %arg5[%add3A, %run_scoped3A, %dma_wait3A_66] : memref<32x80x128xi32, #tpu.memory_space<hbm>> -> memref<1x1x128xi32, #tpu.memory_space<hbm>>
      %dma_wait3A_68 = tpu.memref_squeeze %dma_wait3A_67 : memref<1x1x128xi32, #tpu.memory_space<hbm>> -> memref<128xi32, #tpu.memory_space<hbm>>
      %dma_wait3A_69 = arith.constant 0 : i32
      %dma_wait3A_70 = tpu.memref_slice %arg5[%add3A, %run_scoped3A, %dma_wait3A_69] : memref<32x80x128xi32, #tpu.memory_space<hbm>> -> memref<1x1x128xi32, #tpu.memory_space<hbm>>
      %dma_wait3A_71 = tpu.memref_squeeze %dma_wait3A_70 : memref<1x1x128xi32, #tpu.memory_space<hbm>> -> memref<128xi32, #tpu.memory_space<hbm>>
      tpu.wait_dma2 semaphore(%run_scoped3A_59 : memref<!tpu.dma_semaphore, #tpu.memory_space<semaphore_mem>>) src(%dma_wait3A_71 : memref<128xi32, #tpu.memory_space<hbm>>) dst(%arg14 : memref<128xi32, #tpu.memory_space<vmem>>)
      tpu.yield
    }) : () -> ()
    %dma_start3A = arith.constant 0 : i32
    %dma_start3A_40 = arith.constant 0 : i32
    %dma_start3A_41 = tpu.memref_slice %arg9[%dma_start3A, %dma_start3A_40] : memref<10112x128xf32, #tpu.memory_space<vmem_shared>> -> memref<10112x128xf32, #tpu.memory_space<vmem_shared>>
    tpu.enqueue_indirect_dma source(%arg10 : memref<128x128xf32, #tpu.memory_space<vmem>>) target(%dma_start3A_41 : memref<10112x128xf32, #tpu.memory_space<vmem_shared>>) offsets(%arg14 : memref<128xi32, #tpu.memory_space<vmem>>) semaphore(%arg16 : memref<!tpu.dma_semaphore, #tpu.memory_space<semaphore_mem>>) {add = true}
    %scan3A_42 = arith.constant 0 : i32
    %scan3A_43 = arith.constant 0 : i32
    %scan3A_44 = arith.constant 79 : i32
    %scan3A_45 = arith.addi %scan3A_43, %scan3A_44 : i32
    %scan3A_46 = arith.constant 1 : i32
    %scan3A_47 = scf.for %scan3A_59 = %scan3A_43 to %scan3A_45 step %scan3A_46 iter_args(%scan3A_60 = %scan3A_42) -> (i32)  : i32 {
      "tpu.region"() ({
        %run_scoped3A_81 = tpu.sem_alloc : memref<!tpu.dma_semaphore, #tpu.memory_space<semaphore_mem>>
        %dma_start3A_82 = arith.constant 0 : i32
        %dma_start3A_83 = tpu.memref_slice %arg6[%add3A, %scan3A_59, %dma_start3A_82] : memref<32x80x128xi32, #tpu.memory_space<hbm>> -> memref<1x1x128xi32, #tpu.memory_space<hbm>>
        %dma_start3A_84 = tpu.memref_squeeze %dma_start3A_83 : memref<1x1x128xi32, #tpu.memory_space<hbm>> -> memref<128xi32, #tpu.memory_space<hbm>>
        %dma_start3A_85 = arith.constant 0 : i32
        %dma_start3A_86 = tpu.memref_slice %arg6[%add3A, %scan3A_59, %dma_start3A_85] : memref<32x80x128xi32, #tpu.memory_space<hbm>> -> memref<1x1x128xi32, #tpu.memory_space<hbm>>
        %dma_start3A_87 = tpu.memref_squeeze %dma_start3A_86 : memref<1x1x128xi32, #tpu.memory_space<hbm>> -> memref<128xi32, #tpu.memory_space<hbm>>
        tpu.enqueue_dma source(%dma_start3A_87 : memref<128xi32, #tpu.memory_space<hbm>>) target(%arg13 : memref<128xi32, #tpu.memory_space<vmem>>) target_semaphore(%run_scoped3A_81 : memref<!tpu.dma_semaphore, #tpu.memory_space<semaphore_mem>>)
        %dma_wait3A_88 = arith.constant 0 : i32
        %dma_wait3A_89 = tpu.memref_slice %arg6[%add3A, %scan3A_59, %dma_wait3A_88] : memref<32x80x128xi32, #tpu.memory_space<hbm>> -> memref<1x1x128xi32, #tpu.memory_space<hbm>>
        %dma_wait3A_90 = tpu.memref_squeeze %dma_wait3A_89 : memref<1x1x128xi32, #tpu.memory_space<hbm>> -> memref<128xi32, #tpu.memory_space<hbm>>
        %dma_wait3A_91 = arith.constant 0 : i32
        %dma_wait3A_92 = tpu.memref_slice %arg6[%add3A, %scan3A_59, %dma_wait3A_91] : memref<32x80x128xi32, #tpu.memory_space<hbm>> -> memref<1x1x128xi32, #tpu.memory_space<hbm>>
        %dma_wait3A_93 = tpu.memref_squeeze %dma_wait3A_92 : memref<1x1x128xi32, #tpu.memory_space<hbm>> -> memref<128xi32, #tpu.memory_space<hbm>>
        tpu.wait_dma2 semaphore(%run_scoped3A_81 : memref<!tpu.dma_semaphore, #tpu.memory_space<semaphore_mem>>) src(%dma_wait3A_93 : memref<128xi32, #tpu.memory_space<hbm>>) dst(%arg13 : memref<128xi32, #tpu.memory_space<vmem>>)
        tpu.yield
      }) : () -> ()
      %dma_wait3A_61 = arith.constant 0 : i32
      %dma_wait3A_62 = arith.constant 0 : i32
      %dma_wait3A_63 = tpu.memref_slice %arg9[%dma_wait3A_61, %dma_wait3A_62] : memref<10112x128xf32, #tpu.memory_space<vmem_shared>> -> memref<10112x128xf32, #tpu.memory_space<vmem_shared>>
      tpu.wait_indirect_dma semaphore(%arg16 : memref<!tpu.dma_semaphore, #tpu.memory_space<semaphore_mem>>) src(%arg10 : memref<128x128xf32, #tpu.memory_space<vmem>>) dst(%dma_wait3A_63 : memref<10112x128xf32, #tpu.memory_space<vmem_shared>>)
      %dma_start3A_64 = arith.constant 0 : i32
      %dma_start3A_65 = arith.constant 0 : i32
      %dma_start3A_66 = tpu.memref_slice %arg2[%dma_start3A_64, %dma_start3A_65] : memref<10000x128xf32, #tpu.memory_space<hbm>> -> memref<10000x128xf32, #tpu.memory_space<hbm>>
      tpu.enqueue_indirect_dma source(%dma_start3A_66 : memref<10000x128xf32, #tpu.memory_space<hbm>>) target(%arg10 : memref<128x128xf32, #tpu.memory_space<vmem>>) offsets(%arg13 : memref<128xi32, #tpu.memory_space<vmem>>) semaphore(%arg15 : memref<!tpu.dma_semaphore, #tpu.memory_space<semaphore_mem>>)
      "tpu.region"() ({
        %run_scoped3A_81 = tpu.sem_alloc : memref<!tpu.dma_semaphore, #tpu.memory_space<semaphore_mem>>
        %dma_start3A_82 = arith.constant 0 : i32
        %dma_start3A_83 = tpu.memref_slice %arg7[%add3A, %scan3A_59, %dma_start3A_82] : memref<32x80x128xf32, #tpu.memory_space<hbm>> -> memref<1x1x128xf32, #tpu.memory_space<hbm>>
        %dma_start3A_84 = tpu.memref_squeeze %dma_start3A_83 : memref<1x1x128xf32, #tpu.memory_space<hbm>> -> memref<128xf32, #tpu.memory_space<hbm>>
        %dma_start3A_85 = arith.constant 0 : i32
        %dma_start3A_86 = tpu.memref_slice %arg7[%add3A, %scan3A_59, %dma_start3A_85] : memref<32x80x128xf32, #tpu.memory_space<hbm>> -> memref<1x1x128xf32, #tpu.memory_space<hbm>>
        %dma_start3A_87 = tpu.memref_squeeze %dma_start3A_86 : memref<1x1x128xf32, #tpu.memory_space<hbm>> -> memref<128xf32, #tpu.memory_space<hbm>>
        tpu.enqueue_dma source(%dma_start3A_87 : memref<128xf32, #tpu.memory_space<hbm>>) target(%arg12 : memref<128xf32, #tpu.memory_space<vmem>>) target_semaphore(%run_scoped3A_81 : memref<!tpu.dma_semaphore, #tpu.memory_space<semaphore_mem>>)
        %dma_wait3A_88 = arith.constant 0 : i32
        %dma_wait3A_89 = tpu.memref_slice %arg7[%add3A, %scan3A_59, %dma_wait3A_88] : memref<32x80x128xf32, #tpu.memory_space<hbm>> -> memref<1x1x128xf32, #tpu.memory_space<hbm>>
        %dma_wait3A_90 = tpu.memref_squeeze %dma_wait3A_89 : memref<1x1x128xf32, #tpu.memory_space<hbm>> -> memref<128xf32, #tpu.memory_space<hbm>>
        %dma_wait3A_91 = arith.constant 0 : i32
        %dma_wait3A_92 = tpu.memref_slice %arg7[%add3A, %scan3A_59, %dma_wait3A_91] : memref<32x80x128xf32, #tpu.memory_space<hbm>> -> memref<1x1x128xf32, #tpu.memory_space<hbm>>
        %dma_wait3A_93 = tpu.memref_squeeze %dma_wait3A_92 : memref<1x1x128xf32, #tpu.memory_space<hbm>> -> memref<128xf32, #tpu.memory_space<hbm>>
        tpu.wait_dma2 semaphore(%run_scoped3A_81 : memref<!tpu.dma_semaphore, #tpu.memory_space<semaphore_mem>>) src(%dma_wait3A_93 : memref<128xf32, #tpu.memory_space<hbm>>) dst(%arg12 : memref<128xf32, #tpu.memory_space<vmem>>)
        tpu.yield
      }) : () -> ()
      "tpu.region"() ({
        %run_scoped3A_81 = tpu.sem_alloc : memref<!tpu.dma_semaphore, #tpu.memory_space<semaphore_mem>>
        %dma_start3A_82 = arith.constant 0 : i32
        %dma_start3A_83 = tpu.memref_slice %arg5[%add3A, %scan3A_59, %dma_start3A_82] : memref<32x80x128xi32, #tpu.memory_space<hbm>> -> memref<1x1x128xi32, #tpu.memory_space<hbm>>
        %dma_start3A_84 = tpu.memref_squeeze %dma_start3A_83 : memref<1x1x128xi32, #tpu.memory_space<hbm>> -> memref<128xi32, #tpu.memory_space<hbm>>
        %dma_start3A_85 = arith.constant 0 : i32
        %dma_start3A_86 = tpu.memref_slice %arg5[%add3A, %scan3A_59, %dma_start3A_85] : memref<32x80x128xi32, #tpu.memory_space<hbm>> -> memref<1x1x128xi32, #tpu.memory_space<hbm>>
        %dma_start3A_87 = tpu.memref_squeeze %dma_start3A_86 : memref<1x1x128xi32, #tpu.memory_space<hbm>> -> memref<128xi32, #tpu.memory_space<hbm>>
        tpu.enqueue_dma source(%dma_start3A_87 : memref<128xi32, #tpu.memory_space<hbm>>) target(%arg14 : memref<128xi32, #tpu.memory_space<vmem>>) target_semaphore(%run_scoped3A_81 : memref<!tpu.dma_semaphore, #tpu.memory_space<semaphore_mem>>)
        %dma_wait3A_88 = arith.constant 0 : i32
        %dma_wait3A_89 = tpu.memref_slice %arg5[%add3A, %scan3A_59, %dma_wait3A_88] : memref<32x80x128xi32, #tpu.memory_space<hbm>> -> memref<1x1x128xi32, #tpu.memory_space<hbm>>
        %dma_wait3A_90 = tpu.memref_squeeze %dma_wait3A_89 : memref<1x1x128xi32, #tpu.memory_space<hbm>> -> memref<128xi32, #tpu.memory_space<hbm>>
        %dma_wait3A_91 = arith.constant 0 : i32
        %dma_wait3A_92 = tpu.memref_slice %arg5[%add3A, %scan3A_59, %dma_wait3A_91] : memref<32x80x128xi32, #tpu.memory_space<hbm>> -> memref<1x1x128xi32, #tpu.memory_space<hbm>>
        %dma_wait3A_93 = tpu.memref_squeeze %dma_wait3A_92 : memref<1x1x128xi32, #tpu.memory_space<hbm>> -> memref<128xi32, #tpu.memory_space<hbm>>
        tpu.wait_dma2 semaphore(%run_scoped3A_81 : memref<!tpu.dma_semaphore, #tpu.memory_space<semaphore_mem>>) src(%dma_wait3A_93 : memref<128xi32, #tpu.memory_space<hbm>>) dst(%arg14 : memref<128xi32, #tpu.memory_space<vmem>>)
        tpu.yield
      }) : () -> ()
      %dma_wait3A_67 = arith.constant 0 : i32
      %dma_wait3A_68 = arith.constant 0 : i32
      %dma_wait3A_69 = tpu.memref_slice %arg2[%dma_wait3A_67, %dma_wait3A_68] : memref<10000x128xf32, #tpu.memory_space<hbm>> -> memref<10000x128xf32, #tpu.memory_space<hbm>>
      tpu.wait_indirect_dma semaphore(%arg15 : memref<!tpu.dma_semaphore, #tpu.memory_space<semaphore_mem>>) src(%dma_wait3A_69 : memref<10000x128xf32, #tpu.memory_space<hbm>>) dst(%arg10 : memref<128x128xf32, #tpu.memory_space<vmem>>)
      %scan3A_70 = arith.constant 0 : i32
      %scan3A_71 = arith.constant 0 : i32
      %scan3A_72 = arith.constant 8 : i32
      %scan3A_73 = arith.addi %scan3A_71, %scan3A_72 : i32
      %scan3A_74 = arith.constant 1 : i32
      %scan3A_75 = scf.for %scan3A_81 = %scan3A_71 to %scan3A_73 step %scan3A_74 iter_args(%scan3A_82 = %scan3A_70) -> (i32)  : i32 {
        %mul3A_83 = arith.constant 16 : i32
        %mul3A_84 = arith.muli %scan3A_81, %mul3A_83 : i32
        %get3A = arith.index_cast %mul3A_84 : i32 to index
        %get3A_85 = tpu.vector_load %arg12[%get3A] {strides = array<i32>} : memref<128xf32, #tpu.memory_space<vmem>>, vector<16xf32>,
        %get3A_86 = vector.shape_cast %get3A_85 : vector<16xf32> to vector<16xf32>
        %mul3A_87 = arith.constant 16 : i32
        %mul3A_88 = arith.muli %scan3A_81, %mul3A_87 : i32
        %add3A_89 = arith.constant 0 : i32
        %add3A_90 = arith.addi %mul3A_88, %add3A_89 : i32
        %slice3A = vector.extract_strided_slice %get3A_86 {offsets = [0], sizes = [1], strides = [1]} : vector<16xf32> to vector<1xf32>
        %squeeze3A = vector.extract %slice3A[0] : f32 from vector<1xf32>
        %get3A_91 = arith.index_cast %add3A_90 : i32 to index
        %get3A_92 = arith.constant 0 : index
        %get3A_93 = tpu.vector_load %arg10[%get3A_91, %get3A_92] {strides = array<i32>} : memref<128x128xf32, #tpu.memory_space<vmem>>, vector<1x16xf32>,
        %get3A_94 = vector.shape_cast %get3A_93 : vector<1x16xf32> to vector<16xf32>
        %mul3A_95 = vector.broadcast %squeeze3A : f32 to vector<16xf32>
        %mul3A_96 = arith.mulf %get3A_94, %mul3A_95 : vector<16xf32>
        %swap3A = arith.index_cast %add3A_90 : i32 to index
        %swap3A_97 = arith.constant 0 : index
        %swap3A_98 = tpu.vector_load %arg10[%swap3A, %swap3A_97] {strides = array<i32>} : memref<128x128xf32, #tpu.memory_space<vmem>>, vector<1x16xf32>,
        %swap3A_99 = vector.shape_cast %swap3A_98 : vector<1x16xf32> to vector<16xf32>
        %swap3A_100 = vector.shape_cast %mul3A_96 : vector<16xf32> to vector<1x16xf32>
        tpu.vector_store %arg10[%swap3A, %swap3A_97], %swap3A_100 {strides = array<i32>} : memref<128x128xf32, #tpu.memory_space<vmem>>, vector<1x16xf32>,
        %get3A_101 = arith.index_cast %add3A_90 : i32 to index
        %get3A_102 = arith.constant 16 : index
        %get3A_103 = tpu.vector_load %arg10[%get3A_101, %get3A_102] {strides = array<i32>} : memref<128x128xf32, #tpu.memory_space<vmem>>, vector<1x16xf32>,
        %get3A_104 = vector.shape_cast %get3A_103 : vector<1x16xf32> to vector<16xf32>
        %mul3A_105 = vector.broadcast %squeeze3A : f32 to vector<16xf32>
        %mul3A_106 = arith.mulf %get3A_104, %mul3A_105 : vector<16xf32>
        %swap3A_107 = arith.index_cast %add3A_90 : i32 to index
        %swap3A_108 = arith.constant 16 : index
        %swap3A_109 = tpu.vector_load %arg10[%swap3A_107, %swap3A_108] {strides = array<i32>} : memref<128x128xf32, #tpu.memory_space<vmem>>, vector<1x16xf32>,
        %swap3A_110 = vector.shape_cast %swap3A_109 : vector<1x16xf32> to vector<16xf32>
        %swap3A_111 = vector.shape_cast %mul3A_106 : vector<16xf32> to vector<1x16xf32>
        tpu.vector_store %arg10[%swap3A_107, %swap3A_108], %swap3A_111 {strides = array<i32>} : memref<128x128xf32, #tpu.memory_space<vmem>>, vector<1x16xf32>,
        %get3A_112 = arith.index_cast %add3A_90 : i32 to index
        %get3A_113 = arith.constant 32 : index
        %get3A_114 = tpu.vector_load %arg10[%get3A_112, %get3A_113] {strides = array<i32>} : memref<128x128xf32, #tpu.memory_space<vmem>>, vector<1x16xf32>,
        %get3A_115 = vector.shape_cast %get3A_114 : vector<1x16xf32> to vector<16xf32>
        %mul3A_116 = vector.broadcast %squeeze3A : f32 to vector<16xf32>
        %mul3A_117 = arith.mulf %get3A_115, %mul3A_116 : vector<16xf32>
        %swap3A_118 = arith.index_cast %add3A_90 : i32 to index
        %swap3A_119 = arith.constant 32 : index
        %swap3A_120 = tpu.vector_load %arg10[%swap3A_118, %swap3A_119] {strides = array<i32>} : memref<128x128xf32, #tpu.memory_space<vmem>>, vector<1x16xf32>,
        %swap3A_121 = vector.shape_cast %swap3A_120 : vector<1x16xf32> to vector<16xf32>
        %swap3A_122 = vector.shape_cast %mul3A_117 : vector<16xf32> to vector<1x16xf32>
        tpu.vector_store %arg10[%swap3A_118, %swap3A_119], %swap3A_122 {strides = array<i32>} : memref<128x128xf32, #tpu.memory_space<vmem>>, vector<1x16xf32>,
        %get3A_123 = arith.index_cast %add3A_90 : i32 to index
        %get3A_124 = arith.constant 48 : index
        %get3A_125 = tpu.vector_load %arg10[%get3A_123, %get3A_124] {strides = array<i32>} : memref<128x128xf32, #tpu.memory_space<vmem>>, vector<1x16xf32>,
        %get3A_126 = vector.shape_cast %get3A_125 : vector<1x16xf32> to vector<16xf32>
        %mul3A_127 = vector.broadcast %squeeze3A : f32 to vector<16xf32>
        %mul3A_128 = arith.mulf %get3A_126, %mul3A_127 : vector<16xf32>
        %swap3A_129 = arith.index_cast %add3A_90 : i32 to index
        %swap3A_130 = arith.constant 48 : index
        %swap3A_131 = tpu.vector_load %arg10[%swap3A_129, %swap3A_130] {strides = array<i32>} : memref<128x128xf32, #tpu.memory_space<vmem>>, vector<1x16xf32>,
        %swap3A_132 = vector.shape_cast %swap3A_131 : vector<1x16xf32> to vector<16xf32>
        %swap3A_133 = vector.shape_cast %mul3A_128 : vector<16xf32> to vector<1x16xf32>
        tpu.vector_store %arg10[%swap3A_129, %swap3A_130], %swap3A_133 {strides = array<i32>} : memref<128x128xf32, #tpu.memory_space<vmem>>, vector<1x16xf32>,
        %get3A_134 = arith.index_cast %add3A_90 : i32 to index
        %get3A_135 = arith.constant 64 : index
        %get3A_136 = tpu.vector_load %arg10[%get3A_134, %get3A_135] {strides = array<i32>} : memref<128x128xf32, #tpu.memory_space<vmem>>, vector<1x16xf32>,
        %get3A_137 = vector.shape_cast %get3A_136 : vector<1x16xf32> to vector<16xf32>
        %mul3A_138 = vector.broadcast %squeeze3A : f32 to vector<16xf32>
        %mul3A_139 = arith.mulf %get3A_137, %mul3A_138 : vector<16xf32>
        %swap3A_140 = arith.index_cast %add3A_90 : i32 to index
        %swap3A_141 = arith.constant 64 : index
        %swap3A_142 = tpu.vector_load %arg10[%swap3A_140, %swap3A_141] {strides = array<i32>} : memref<128x128xf32, #tpu.memory_space<vmem>>, vector<1x16xf32>,
        %swap3A_143 = vector.shape_cast %swap3A_142 : vector<1x16xf32> to vector<16xf32>
        %swap3A_144 = vector.shape_cast %mul3A_139 : vector<16xf32> to vector<1x16xf32>
        tpu.vector_store %arg10[%swap3A_140, %swap3A_141], %swap3A_144 {strides = array<i32>} : memref<128x128xf32, #tpu.memory_space<vmem>>, vector<1x16xf32>,
        %get3A_145 = arith.index_cast %add3A_90 : i32 to index
        %get3A_146 = arith.constant 80 : index
        %get3A_147 = tpu.vector_load %arg10[%get3A_145, %get3A_146] {strides = array<i32>} : memref<128x128xf32, #tpu.memory_space<vmem>>, vector<1x16xf32>,
        %get3A_148 = vector.shape_cast %get3A_147 : vector<1x16xf32> to vector<16xf32>
        %mul3A_149 = vector.broadcast %squeeze3A : f32 to vector<16xf32>
        %mul3A_150 = arith.mulf %get3A_148, %mul3A_149 : vector<16xf32>
        %swap3A_151 = arith.index_cast %add3A_90 : i32 to index
        %swap3A_152 = arith.constant 80 : index
        %swap3A_153 = tpu.vector_load %arg10[%swap3A_151, %swap3A_152] {strides = array<i32>} : memref<128x128xf32, #tpu.memory_space<vmem>>, vector<1x16xf32>,
        %swap3A_154 = vector.shape_cast %swap3A_153 : vector<1x16xf32> to vector<16xf32>
        %swap3A_155 = vector.shape_cast %mul3A_150 : vector<16xf32> to vector<1x16xf32>
        tpu.vector_store %arg10[%swap3A_151, %swap3A_152], %swap3A_155 {strides = array<i32>} : memref<128x128xf32, #tpu.memory_space<vmem>>, vector<1x16xf32>,
        %get3A_156 = arith.index_cast %add3A_90 : i32 to index
        %get3A_157 = arith.constant 96 : index
        %get3A_158 = tpu.vector_load %arg10[%get3A_156, %get3A_157] {strides = array<i32>} : memref<128x128xf32, #tpu.memory_space<vmem>>, vector<1x16xf32>,
        %get3A_159 = vector.shape_cast %get3A_158 : vector<1x16xf32> to vector<16xf32>
        %mul3A_160 = vector.broadcast %squeeze3A : f32 to vector<16xf32>
        %mul3A_161 = arith.mulf %get3A_159, %mul3A_160 : vector<16xf32>
        %swap3A_162 = arith.index_cast %add3A_90 : i32 to index
        %swap3A_163 = arith.constant 96 : index
        %swap3A_164 = tpu.vector_load %arg10[%swap3A_162, %swap3A_163] {strides = array<i32>} : memref<128x128xf32, #tpu.memory_space<vmem>>, vector<1x16xf32>,
        %swap3A_165 = vector.shape_cast %swap3A_164 : vector<1x16xf32> to vector<16xf32>
        %swap3A_166 = vector.shape_cast %mul3A_161 : vector<16xf32> to vector<1x16xf32>
        tpu.vector_store %arg10[%swap3A_162, %swap3A_163], %swap3A_166 {strides = array<i32>} : memref<128x128xf32, #tpu.memory_space<vmem>>, vector<1x16xf32>,
        %get3A_167 = arith.index_cast %add3A_90 : i32 to index
        %get3A_168 = arith.constant 112 : index
        %get3A_169 = tpu.vector_load %arg10[%get3A_167, %get3A_168] {strides = array<i32>} : memref<128x128xf32, #tpu.memory_space<vmem>>, vector<1x16xf32>,
        %get3A_170 = vector.shape_cast %get3A_169 : vector<1x16xf32> to vector<16xf32>
        %mul3A_171 = vector.broadcast %squeeze3A : f32 to vector<16xf32>
        %mul3A_172 = arith.mulf %get3A_170, %mul3A_171 : vector<16xf32>
        %swap3A_173 = arith.index_cast %add3A_90 : i32 to index
        %swap3A_174 = arith.constant 112 : index
        %swap3A_175 = tpu.vector_load %arg10[%swap3A_173, %swap3A_174] {strides = array<i32>} : memref<128x128xf32, #tpu.memory_space<vmem>>, vector<1x16xf32>,
        %swap3A_176 = vector.shape_cast %swap3A_175 : vector<1x16xf32> to vector<16xf32>
        %swap3A_177 = vector.shape_cast %mul3A_172 : vector<16xf32> to vector<1x16xf32>
        tpu.vector_store %arg10[%swap3A_173, %swap3A_174], %swap3A_177 {strides = array<i32>} : memref<128x128xf32, #tpu.memory_space<vmem>>, vector<1x16xf32>,
        %mul3A_178 = arith.constant 16 : i32
        %mul3A_179 = arith.muli %scan3A_81, %mul3A_178 : i32
        %add3A_180 = arith.constant 1 : i32
        %add3A_181 = arith.addi %mul3A_179, %add3A_180 : i32
        %slice3A_182 = vector.extract_strided_slice %get3A_86 {offsets = [1], sizes = [1], strides = [1]} : vector<16xf32> to vector<1xf32>
        %squeeze3A_183 = vector.extract %slice3A_182[0] : f32 from vector<1xf32>
        %get3A_184 = arith.index_cast %add3A_181 : i32 to index
        %get3A_185 = arith.constant 0 : index
        %get3A_186 = tpu.vector_load %arg10[%get3A_184, %get3A_185] {strides = array<i32>} : memref<128x128xf32, #tpu.memory_space<vmem>>, vector<1x16xf32>,
        %get3A_187 = vector.shape_cast %get3A_186 : vector<1x16xf32> to vector<16xf32>
        %mul3A_188 = vector.broadcast %squeeze3A_183 : f32 to vector<16xf32>
        %mul3A_189 = arith.mulf %get3A_187, %mul3A_188 : vector<16xf32>
        %swap3A_190 = arith.index_cast %add3A_181 : i32 to index
        %swap3A_191 = arith.constant 0 : index
        %swap3A_192 = tpu.vector_load %arg10[%swap3A_190, %swap3A_191] {strides = array<i32>} : memref<128x128xf32, #tpu.memory_space<vmem>>, vector<1x16xf32>,
        %swap3A_193 = vector.shape_cast %swap3A_192 : vector<1x16xf32> to vector<16xf32>
        %swap3A_194 = vector.shape_cast %mul3A_189 : vector<16xf32> to vector<1x16xf32>
        tpu.vector_store %arg10[%swap3A_190, %swap3A_191], %swap3A_194 {strides = array<i32>} : memref<128x128xf32, #tpu.memory_space<vmem>>, vector<1x16xf32>,
        %get3A_195 = arith.index_cast %add3A_181 : i32 to index
        %get3A_196 = arith.constant 16 : index
        %get3A_197 = tpu.vector_load %arg10[%get3A_195, %get3A_196] {strides = array<i32>} : memref<128x128xf32, #tpu.memory_space<vmem>>, vector<1x16xf32>,
        %get3A_198 = vector.shape_cast %get3A_197 : vector<1x16xf32> to vector<16xf32>
        %mul3A_199 = vector.broadcast %squeeze3A_183 : f32 to vector<16xf32>
        %mul3A_200 = arith.mulf %get3A_198, %mul3A_199 : vector<16xf32>
        %swap3A_201 = arith.index_cast %add3A_181 : i32 to index
        %swap3A_202 = arith.constant 16 : index
        %swap3A_203 = tpu.vector_load %arg10[%swap3A_201, %swap3A_202] {strides = array<i32>} : memref<128x128xf32, #tpu.memory_space<vmem>>, vector<1x16xf32>,
        %swap3A_204 = vector.shape_cast %swap3A_203 : vector<1x16xf32> to vector<16xf32>
        %swap3A_205 = vector.shape_cast %mul3A_200 : vector<16xf32> to vector<1x16xf32>
        tpu.vector_store %arg10[%swap3A_201, %swap3A_202], %swap3A_205 {strides = array<i32>} : memref<128x128xf32, #tpu.memory_space<vmem>>, vector<1x16xf32>,
        %get3A_206 = arith.index_cast %add3A_181 : i32 to index
        %get3A_207 = arith.constant 32 : index
        %get3A_208 = tpu.vector_load %arg10[%get3A_206, %get3A_207] {strides = array<i32>} : memref<128x128xf32, #tpu.memory_space<vmem>>, vector<1x16xf32>,
        %get3A_209 = vector.shape_cast %get3A_208 : vector<1x16xf32> to vector<16xf32>
        %mul3A_210 = vector.broadcast %squeeze3A_183 : f32 to vector<16xf32>
        %mul3A_211 = arith.mulf %get3A_209, %mul3A_210 : vector<16xf32>
        %swap3A_212 = arith.index_cast %add3A_181 : i32 to index
        %swap3A_213 = arith.constant 32 : index
        %swap3A_214 = tpu.vector_load %arg10[%swap3A_212, %swap3A_213] {strides = array<i32>} : memref<128x128xf32, #tpu.memory_space<vmem>>, vector<1x16xf32>,
        %swap3A_215 = vector.shape_cast %swap3A_214 : vector<1x16xf32> to vector<16xf32>
        %swap3A_216 = vector.shape_cast %mul3A_211 : vector<16xf32> to vector<1x16xf32>
        tpu.vector_store %arg10[%swap3A_212, %swap3A_213], %swap3A_216 {strides = array<i32>} : memref<128x128xf32, #tpu.memory_space<vmem>>, vector<1x16xf32>,
        %get3A_217 = arith.index_cast %add3A_181 : i32 to index
        %get3A_218 = arith.constant 48 : index
        %get3A_219 = tpu.vector_load %arg10[%get3A_217, %get3A_218] {strides = array<i32>} : memref<128x128xf32, #tpu.memory_space<vmem>>, vector<1x16xf32>,
        %get3A_220 = vector.shape_cast %get3A_219 : vector<1x16xf32> to vector<16xf32>
        %mul3A_221 = vector.broadcast %squeeze3A_183 : f32 to vector<16xf32>
        %mul3A_222 = arith.mulf %get3A_220, %mul3A_221 : vector<16xf32>
        %swap3A_223 = arith.index_cast %add3A_181 : i32 to index
        %swap3A_224 = arith.constant 48 : index
        %swap3A_225 = tpu.vector_load %arg10[%swap3A_223, %swap3A_224] {strides = array<i32>} : memref<128x128xf32, #tpu.memory_space<vmem>>, vector<1x16xf32>,
        %swap3A_226 = vector.shape_cast %swap3A_225 : vector<1x16xf32> to vector<16xf32>
        %swap3A_227 = vector.shape_cast %mul3A_222 : vector<16xf32> to vector<1x16xf32>
        tpu.vector_store %arg10[%swap3A_223, %swap3A_224], %swap3A_227 {strides = array<i32>} : memref<128x128xf32, #tpu.memory_space<vmem>>, vector<1x16xf32>,
        %get3A_228 = arith.index_cast %add3A_181 : i32 to index
        %get3A_229 = arith.constant 64 : index
        %get3A_230 = tpu.vector_load %arg10[%get3A_228, %get3A_229] {strides = array<i32>} : memref<128x128xf32, #tpu.memory_space<vmem>>, vector<1x16xf32>,
        %get3A_231 = vector.shape_cast %get3A_230 : vector<1x16xf32> to vector<16xf32>
        %mul3A_232 = vector.broadcast %squeeze3A_183 : f32 to vector<16xf32>
        %mul3A_233 = arith.mulf %get3A_231, %mul3A_232 : vector<16xf32>
        %swap3A_234 = arith.index_cast %add3A_181 : i32 to index
        %swap3A_235 = arith.constant 64 : index
        %swap3A_236 = tpu.vector_load %arg10[%swap3A_234, %swap3A_235] {strides = array<i32>} : memref<128x128xf32, #tpu.memory_space<vmem>>, vector<1x16xf32>,
        %swap3A_237 = vector.shape_cast %swap3A_236 : vector<1x16xf32> to vector<16xf32>
        %swap3A_238 = vector.shape_cast %mul3A_233 : vector<16xf32> to vector<1x16xf32>
        tpu.vector_store %arg10[%swap3A_234, %swap3A_235], %swap3A_238 {strides = array<i32>} : memref<128x128xf32, #tpu.memory_space<vmem>>, vector<1x16xf32>,
        %get3A_239 = arith.index_cast %add3A_181 : i32 to index
        %get3A_240 = arith.constant 80 : index
        %get3A_241 = tpu.vector_load %arg10[%get3A_239, %get3A_240] {strides = array<i32>} : memref<128x128xf32, #tpu.memory_space<vmem>>, vector<1x16xf32>,
        %get3A_242 = vector.shape_cast %get3A_241 : vector<1x16xf32> to vector<16xf32>
        %mul3A_243 = vector.broadcast %squeeze3A_183 : f32 to vector<16xf32>
        %mul3A_244 = arith.mulf %get3A_242, %mul3A_243 : vector<16xf32>
        %swap3A_245 = arith.index_cast %add3A_181 : i32 to index
        %swap3A_246 = arith.constant 80 : index
        %swap3A_247 = tpu.vector_load %arg10[%swap3A_245, %swap3A_246] {strides = array<i32>} : memref<128x128xf32, #tpu.memory_space<vmem>>, vector<1x16xf32>,
        %swap3A_248 = vector.shape_cast %swap3A_247 : vector<1x16xf32> to vector<16xf32>
        %swap3A_249 = vector.shape_cast %mul3A_244 : vector<16xf32> to vector<1x16xf32>
        tpu.vector_store %arg10[%swap3A_245, %swap3A_246], %swap3A_249 {strides = array<i32>} : memref<128x128xf32, #tpu.memory_space<vmem>>, vector<1x16xf32>,
        %get3A_250 = arith.index_cast %add3A_181 : i32 to index
        %get3A_251 = arith.constant 96 : index
        %get3A_252 = tpu.vector_load %arg10[%get3A_250, %get3A_251] {strides = array<i32>} : memref<128x128xf32, #tpu.memory_space<vmem>>, vector<1x16xf32>,
        %get3A_253 = vector.shape_cast %get3A_252 : vector<1x16xf32> to vector<16xf32>
        %mul3A_254 = vector.broadcast %squeeze3A_183 : f32 to vector<16xf32>
        %mul3A_255 = arith.mulf %get3A_253, %mul3A_254 : vector<16xf32>
        %swap3A_256 = arith.index_cast %add3A_181 : i32 to index
        %swap3A_257 = arith.constant 96 : index
        %swap3A_258 = tpu.vector_load %arg10[%swap3A_256, %swap3A_257] {strides = array<i32>} : memref<128x128xf32, #tpu.memory_space<vmem>>, vector<1x16xf32>,
        %swap3A_259 = vector.shape_cast %swap3A_258 : vector<1x16xf32> to vector<16xf32>
        %swap3A_260 = vector.shape_cast %mul3A_255 : vector<16xf32> to vector<1x16xf32>
        tpu.vector_store %arg10[%swap3A_256, %swap3A_257], %swap3A_260 {strides = array<i32>} : memref<128x128xf32, #tpu.memory_space<vmem>>, vector<1x16xf32>,
        %get3A_261 = arith.index_cast %add3A_181 : i32 to index
        %get3A_262 = arith.constant 112 : index
        %get3A_263 = tpu.vector_load %arg10[%get3A_261, %get3A_262] {strides = array<i32>} : memref<128x128xf32, #tpu.memory_space<vmem>>, vector<1x16xf32>,
        %get3A_264 = vector.shape_cast %get3A_263 : vector<1x16xf32> to vector<16xf32>
        %mul3A_265 = vector.broadcast %squeeze3A_183 : f32 to vector<16xf32>
        %mul3A_266 = arith.mulf %get3A_264, %mul3A_265 : vector<16xf32>
        %swap3A_267 = arith.index_cast %add3A_181 : i32 to index
        %swap3A_268 = arith.constant 112 : index
        %swap3A_269 = tpu.vector_load %arg10[%swap3A_267, %swap3A_268] {strides = array<i32>} : memref<128x128xf32, #tpu.memory_space<vmem>>, vector<1x16xf32>,
        %swap3A_270 = vector.shape_cast %swap3A_269 : vector<1x16xf32> to vector<16xf32>
        %swap3A_271 = vector.shape_cast %mul3A_266 : vector<16xf32> to vector<1x16xf32>
        tpu.vector_store %arg10[%swap3A_267, %swap3A_268], %swap3A_271 {strides = array<i32>} : memref<128x128xf32, #tpu.memory_space<vmem>>, vector<1x16xf32>,
        %mul3A_272 = arith.constant 16 : i32
        %mul3A_273 = arith.muli %scan3A_81, %mul3A_272 : i32
        %add3A_274 = arith.constant 2 : i32
        %add3A_275 = arith.addi %mul3A_273, %add3A_274 : i32
        %slice3A_276 = vector.extract_strided_slice %get3A_86 {offsets = [2], sizes = [1], strides = [1]} : vector<16xf32> to vector<1xf32>
        %squeeze3A_277 = vector.extract %slice3A_276[0] : f32 from vector<1xf32>
        %get3A_278 = arith.index_cast %add3A_275 : i32 to index
        %get3A_279 = arith.constant 0 : index
        %get3A_280 = tpu.vector_load %arg10[%get3A_278, %get3A_279] {strides = array<i32>} : memref<128x128xf32, #tpu.memory_space<vmem>>, vector<1x16xf32>,
        %get3A_281 = vector.shape_cast %get3A_280 : vector<1x16xf32> to vector<16xf32>
        %mul3A_282 = vector.broadcast %squeeze3A_277 : f32 to vector<16xf32>
        %mul3A_283 = arith.mulf %get3A_281, %mul3A_282 : vector<16xf32>
        %swap3A_284 = arith.index_cast %add3A_275 : i32 to index
        %swap3A_285 = arith.constant 0 : index
        %swap3A_286 = tpu.vector_load %arg10[%swap3A_284, %swap3A_285] {strides = array<i32>} : memref<128x128xf32, #tpu.memory_space<vmem>>, vector<1x16xf32>,
        %swap3A_287 = vector.shape_cast %swap3A_286 : vector<1x16xf32> to vector<16xf32>
        %swap3A_288 = vector.shape_cast %mul3A_283 : vector<16xf32> to vector<1x16xf32>
        tpu.vector_store %arg10[%swap3A_284, %swap3A_285], %swap3A_288 {strides = array<i32>} : memref<128x128xf32, #tpu.memory_space<vmem>>, vector<1x16xf32>,
        %get3A_289 = arith.index_cast %add3A_275 : i32 to index
        %get3A_290 = arith.constant 16 : index
        %get3A_291 = tpu.vector_load %arg10[%get3A_289, %get3A_290] {strides = array<i32>} : memref<128x128xf32, #tpu.memory_space<vmem>>, vector<1x16xf32>,
        %get3A_292 = vector.shape_cast %get3A_291 : vector<1x16xf32> to vector<16xf32>
        %mul3A_293 = vector.broadcast %squeeze3A_277 : f32 to vector<16xf32>
        %mul3A_294 = arith.mulf %get3A_292, %mul3A_293 : vector<16xf32>
        %swap3A_295 = arith.index_cast %add3A_275 : i32 to index
        %swap3A_296 = arith.constant 16 : index
        %swap3A_297 = tpu.vector_load %arg10[%swap3A_295, %swap3A_296] {strides = array<i32>} : memref<128x128xf32, #tpu.memory_space<vmem>>, vector<1x16xf32>,
        %swap3A_298 = vector.shape_cast %swap3A_297 : vector<1x16xf32> to vector<16xf32>
        %swap3A_299 = vector.shape_cast %mul3A_294 : vector<16xf32> to vector<1x16xf32>
        tpu.vector_store %arg10[%swap3A_295, %swap3A_296], %swap3A_299 {strides = array<i32>} : memref<128x128xf32, #tpu.memory_space<vmem>>, vector<1x16xf32>,
        %get3A_300 = arith.index_cast %add3A_275 : i32 to index
        %get3A_301 = arith.constant 32 : index
        %get3A_302 = tpu.vector_load %arg10[%get3A_300, %get3A_301] {strides = array<i32>} : memref<128x128xf32, #tpu.memory_space<vmem>>, vector<1x16xf32>,
        %get3A_303 = vector.shape_cast %get3A_302 : vector<1x16xf32> to vector<16xf32>
        %mul3A_304 = vector.broadcast %squeeze3A_277 : f32 to vector<16xf32>
        %mul3A_305 = arith.mulf %get3A_303, %mul3A_304 : vector<16xf32>
        %swap3A_306 = arith.index_cast %add3A_275 : i32 to index
        %swap3A_307 = arith.constant 32 : index
        %swap3A_308 = tpu.vector_load %arg10[%swap3A_306, %swap3A_307] {strides = array<i32>} : memref<128x128xf32, #tpu.memory_space<vmem>>, vector<1x16xf32>,
        %swap3A_309 = vector.shape_cast %swap3A_308 : vector<1x16xf32> to vector<16xf32>
        %swap3A_310 = vector.shape_cast %mul3A_305 : vector<16xf32> to vector<1x16xf32>
        tpu.vector_store %arg10[%swap3A_306, %swap3A_307], %swap3A_310 {strides = array<i32>} : memref<128x128xf32, #tpu.memory_space<vmem>>, vector<1x16xf32>,
        %get3A_311 = arith.index_cast %add3A_275 : i32 to index
        %get3A_312 = arith.constant 48 : index
        %get3A_313 = tpu.vector_load %arg10[%get3A_311, %get3A_312] {strides = array<i32>} : memref<128x128xf32, #tpu.memory_space<vmem>>, vector<1x16xf32>,
        %get3A_314 = vector.shape_cast %get3A_313 : vector<1x16xf32> to vector<16xf32>
        %mul3A_315 = vector.broadcast %squeeze3A_277 : f32 to vector<16xf32>
        %mul3A_316 = arith.mulf %get3A_314, %mul3A_315 : vector<16xf32>
        %swap3A_317 = arith.index_cast %add3A_275 : i32 to index
        %swap3A_318 = arith.constant 48 : index
        %swap3A_319 = tpu.vector_load %arg10[%swap3A_317, %swap3A_318] {strides = array<i32>} : memref<128x128xf32, #tpu.memory_space<vmem>>, vector<1x16xf32>,
        %swap3A_320 = vector.shape_cast %swap3A_319 : vector<1x16xf32> to vector<16xf32>
        %swap3A_321 = vector.shape_cast %mul3A_316 : vector<16xf32> to vector<1x16xf32>
        tpu.vector_store %arg10[%swap3A_317, %swap3A_318], %swap3A_321 {strides = array<i32>} : memref<128x128xf32, #tpu.memory_space<vmem>>, vector<1x16xf32>,
        %get3A_322 = arith.index_cast %add3A_275 : i32 to index
        %get3A_323 = arith.constant 64 : index
        %get3A_324 = tpu.vector_load %arg10[%get3A_322, %get3A_323] {strides = array<i32>} : memref<128x128xf32, #tpu.memory_space<vmem>>, vector<1x16xf32>,
        %get3A_325 = vector.shape_cast %get3A_324 : vector<1x16xf32> to vector<16xf32>
        %mul3A_326 = vector.broadcast %squeeze3A_277 : f32 to vector<16xf32>
        %mul3A_327 = arith.mulf %get3A_325, %mul3A_326 : vector<16xf32>
        %swap3A_328 = arith.index_cast %add3A_275 : i32 to index
        %swap3A_329 = arith.constant 64 : index
        %swap3A_330 = tpu.vector_load %arg10[%swap3A_328, %swap3A_329] {strides = array<i32>} : memref<128x128xf32, #tpu.memory_space<vmem>>, vector<1x16xf32>,
        %swap3A_331 = vector.shape_cast %swap3A_330 : vector<1x16xf32> to vector<16xf32>
        %swap3A_332 = vector.shape_cast %mul3A_327 : vector<16xf32> to vector<1x16xf32>
        tpu.vector_store %arg10[%swap3A_328, %swap3A_329], %swap3A_332 {strides = array<i32>} : memref<128x128xf32, #tpu.memory_space<vmem>>, vector<1x16xf32>,
        %get3A_333 = arith.index_cast %add3A_275 : i32 to index
        %get3A_334 = arith.constant 80 : index
        %get3A_335 = tpu.vector_load %arg10[%get3A_333, %get3A_334] {strides = array<i32>} : memref<128x128xf32, #tpu.memory_space<vmem>>, vector<1x16xf32>,
        %get3A_336 = vector.shape_cast %get3A_335 : vector<1x16xf32> to vector<16xf32>
        %mul3A_337 = vector.broadcast %squeeze3A_277 : f32 to vector<16xf32>
        %mul3A_338 = arith.mulf %get3A_336, %mul3A_337 : vector<16xf32>
        %swap3A_339 = arith.index_cast %add3A_275 : i32 to index
        %swap3A_340 = arith.constant 80 : index
        %swap3A_341 = tpu.vector_load %arg10[%swap3A_339, %swap3A_340] {strides = array<i32>} : memref<128x128xf32, #tpu.memory_space<vmem>>, vector<1x16xf32>,
        %swap3A_342 = vector.shape_cast %swap3A_341 : vector<1x16xf32> to vector<16xf32>
        %swap3A_343 = vector.shape_cast %mul3A_338 : vector<16xf32> to vector<1x16xf32>
        tpu.vector_store %arg10[%swap3A_339, %swap3A_340], %swap3A_343 {strides = array<i32>} : memref<128x128xf32, #tpu.memory_space<vmem>>, vector<1x16xf32>,
        %get3A_344 = arith.index_cast %add3A_275 : i32 to index
        %get3A_345 = arith.constant 96 : index
        %get3A_346 = tpu.vector_load %arg10[%get3A_344, %get3A_345] {strides = array<i32>} : memref<128x128xf32, #tpu.memory_space<vmem>>, vector<1x16xf32>,
        %get3A_347 = vector.shape_cast %get3A_346 : vector<1x16xf32> to vector<16xf32>
        %mul3A_348 = vector.broadcast %squeeze3A_277 : f32 to vector<16xf32>
        %mul3A_349 = arith.mulf %get3A_347, %mul3A_348 : vector<16xf32>
        %swap3A_350 = arith.index_cast %add3A_275 : i32 to index
        %swap3A_351 = arith.constant 96 : index
        %swap3A_352 = tpu.vector_load %arg10[%swap3A_350, %swap3A_351] {strides = array<i32>} : memref<128x128xf32, #tpu.memory_space<vmem>>, vector<1x16xf32>,
        %swap3A_353 = vector.shape_cast %swap3A_352 : vector<1x16xf32> to vector<16xf32>
        %swap3A_354 = vector.shape_cast %mul3A_349 : vector<16xf32> to vector<1x16xf32>
        tpu.vector_store %arg10[%swap3A_350, %swap3A_351], %swap3A_354 {strides = array<i32>} : memref<128x128xf32, #tpu.memory_space<vmem>>, vector<1x16xf32>,
        %get3A_355 = arith.index_cast %add3A_275 : i32 to index
        %get3A_356 = arith.constant 112 : index
        %get3A_357 = tpu.vector_load %arg10[%get3A_355, %get3A_356] {strides = array<i32>} : memref<128x128xf32, #tpu.memory_space<vmem>>, vector<1x16xf32>,
        %get3A_358 = vector.shape_cast %get3A_357 : vector<1x16xf32> to vector<16xf32>
        %mul3A_359 = vector.broadcast %squeeze3A_277 : f32 to vector<16xf32>
        %mul3A_360 = arith.mulf %get3A_358, %mul3A_359 : vector<16xf32>
        %swap3A_361 = arith.index_cast %add3A_275 : i32 to index
        %swap3A_362 = arith.constant 112 : index
        %swap3A_363 = tpu.vector_load %arg10[%swap3A_361, %swap3A_362] {strides = array<i32>} : memref<128x128xf32, #tpu.memory_space<vmem>>, vector<1x16xf32>,
        %swap3A_364 = vector.shape_cast %swap3A_363 : vector<1x16xf32> to vector<16xf32>
        %swap3A_365 = vector.shape_cast %mul3A_360 : vector<16xf32> to vector<1x16xf32>
        tpu.vector_store %arg10[%swap3A_361, %swap3A_362], %swap3A_365 {strides = array<i32>} : memref<128x128xf32, #tpu.memory_space<vmem>>, vector<1x16xf32>,
        %mul3A_366 = arith.constant 16 : i32
        %mul3A_367 = arith.muli %scan3A_81, %mul3A_366 : i32
        %add3A_368 = arith.constant 3 : i32
        %add3A_369 = arith.addi %mul3A_367, %add3A_368 : i32
        %slice3A_370 = vector.extract_strided_slice %get3A_86 {offsets = [3], sizes = [1], strides = [1]} : vector<16xf32> to vector<1xf32>
        %squeeze3A_371 = vector.extract %slice3A_370[0] : f32 from vector<1xf32>
        %get3A_372 = arith.index_cast %add3A_369 : i32 to index
        %get3A_373 = arith.constant 0 : index
        %get3A_374 = tpu.vector_load %arg10[%get3A_372, %get3A_373] {strides = array<i32>} : memref<128x128xf32, #tpu.memory_space<vmem>>, vector<1x16xf32>,
        %get3A_375 = vector.shape_cast %get3A_374 : vector<1x16xf32> to vector<16xf32>
        %mul3A_376 = vector.broadcast %squeeze3A_371 : f32 to vector<16xf32>
        %mul3A_377 = arith.mulf %get3A_375, %mul3A_376 : vector<16xf32>
        %swap3A_378 = arith.index_cast %add3A_369 : i32 to index
        %swap3A_379 = arith.constant 0 : index
        %swap3A_380 = tpu.vector_load %arg10[%swap3A_378, %swap3A_379] {strides = array<i32>} : memref<128x128xf32, #tpu.memory_space<vmem>>, vector<1x16xf32>,
        %swap3A_381 = vector.shape_cast %swap3A_380 : vector<1x16xf32> to vector<16xf32>
        %swap3A_382 = vector.shape_cast %mul3A_377 : vector<16xf32> to vector<1x16xf32>
        tpu.vector_store %arg10[%swap3A_378, %swap3A_379], %swap3A_382 {strides = array<i32>} : memref<128x128xf32, #tpu.memory_space<vmem>>, vector<1x16xf32>,
        %get3A_383 = arith.index_cast %add3A_369 : i32 to index
        %get3A_384 = arith.constant 16 : index
        %get3A_385 = tpu.vector_load %arg10[%get3A_383, %get3A_384] {strides = array<i32>} : memref<128x128xf32, #tpu.memory_space<vmem>>, vector<1x16xf32>,
        %get3A_386 = vector.shape_cast %get3A_385 : vector<1x16xf32> to vector<16xf32>
        %mul3A_387 = vector.broadcast %squeeze3A_371 : f32 to vector<16xf32>
        %mul3A_388 = arith.mulf %get3A_386, %mul3A_387 : vector<16xf32>
        %swap3A_389 = arith.index_cast %add3A_369 : i32 to index
        %swap3A_390 = arith.constant 16 : index
        %swap3A_391 = tpu.vector_load %arg10[%swap3A_389, %swap3A_390] {strides = array<i32>} : memref<128x128xf32, #tpu.memory_space<vmem>>, vector<1x16xf32>,
        %swap3A_392 = vector.shape_cast %swap3A_391 : vector<1x16xf32> to vector<16xf32>
        %swap3A_393 = vector.shape_cast %mul3A_388 : vector<16xf32> to vector<1x16xf32>
        tpu.vector_store %arg10[%swap3A_389, %swap3A_390], %swap3A_393 {strides = array<i32>} : memref<128x128xf32, #tpu.memory_space<vmem>>, vector<1x16xf32>,
        %get3A_394 = arith.index_cast %add3A_369 : i32 to index
        %get3A_395 = arith.constant 32 : index
        %get3A_396 = tpu.vector_load %arg10[%get3A_394, %get3A_395] {strides = array<i32>} : memref<128x128xf32, #tpu.memory_space<vmem>>, vector<1x16xf32>,
        %get3A_397 = vector.shape_cast %get3A_396 : vector<1x16xf32> to vector<16xf32>
        %mul3A_398 = vector.broadcast %squeeze3A_371 : f32 to vector<16xf32>
        %mul3A_399 = arith.mulf %get3A_397, %mul3A_398 : vector<16xf32>
        %swap3A_400 = arith.index_cast %add3A_369 : i32 to index
        %swap3A_401 = arith.constant 32 : index
        %swap3A_402 = tpu.vector_load %arg10[%swap3A_400, %swap3A_401] {strides = array<i32>} : memref<128x128xf32, #tpu.memory_space<vmem>>, vector<1x16xf32>,
        %swap3A_403 = vector.shape_cast %swap3A_402 : vector<1x16xf32> to vector<16xf32>
        %swap3A_404 = vector.shape_cast %mul3A_399 : vector<16xf32> to vector<1x16xf32>
        tpu.vector_store %arg10[%swap3A_400, %swap3A_401], %swap3A_404 {strides = array<i32>} : memref<128x128xf32, #tpu.memory_space<vmem>>, vector<1x16xf32>,
        %get3A_405 = arith.index_cast %add3A_369 : i32 to index
        %get3A_406 = arith.constant 48 : index
        %get3A_407 = tpu.vector_load %arg10[%get3A_405, %get3A_406] {strides = array<i32>} : memref<128x128xf32, #tpu.memory_space<vmem>>, vector<1x16xf32>,
        %get3A_408 = vector.shape_cast %get3A_407 : vector<1x16xf32> to vector<16xf32>
        %mul3A_409 = vector.broadcast %squeeze3A_371 : f32 to vector<16xf32>
        %mul3A_410 = arith.mulf %get3A_408, %mul3A_409 : vector<16xf32>
        %swap3A_411 = arith.index_cast %add3A_369 : i32 to index
        %swap3A_412 = arith.constant 48 : index
        %swap3A_413 = tpu.vector_load %arg10[%swap3A_411, %swap3A_412] {strides = array<i32>} : memref<128x128xf32, #tpu.memory_space<vmem>>, vector<1x16xf32>,
        %swap3A_414 = vector.shape_cast %swap3A_413 : vector<1x16xf32> to vector<16xf32>
        %swap3A_415 = vector.shape_cast %mul3A_410 : vector<16xf32> to vector<1x16xf32>
        tpu.vector_store %arg10[%swap3A_411, %swap3A_412], %swap3A_415 {strides = array<i32>} : memref<128x128xf32, #tpu.memory_space<vmem>>, vector<1x16xf32>,
        %get3A_416 = arith.index_cast %add3A_369 : i32 to index
        %get3A_417 = arith.constant 64 : index
        %get3A_418 = tpu.vector_load %arg10[%get3A_416, %get3A_417] {strides = array<i32>} : memref<128x128xf32, #tpu.memory_space<vmem>>, vector<1x16xf32>,
        %get3A_419 = vector.shape_cast %get3A_418 : vector<1x16xf32> to vector<16xf32>
        %mul3A_420 = vector.broadcast %squeeze3A_371 : f32 to vector<16xf32>
        %mul3A_421 = arith.mulf %get3A_419, %mul3A_420 : vector<16xf32>
        %swap3A_422 = arith.index_cast %add3A_369 : i32 to index
        %swap3A_423 = arith.constant 64 : index
        %swap3A_424 = tpu.vector_load %arg10[%swap3A_422, %swap3A_423] {strides = array<i32>} : memref<128x128xf32, #tpu.memory_space<vmem>>, vector<1x16xf32>,
        %swap3A_425 = vector.shape_cast %swap3A_424 : vector<1x16xf32> to vector<16xf32>
        %swap3A_426 = vector.shape_cast %mul3A_421 : vector<16xf32> to vector<1x16xf32>
        tpu.vector_store %arg10[%swap3A_422, %swap3A_423], %swap3A_426 {strides = array<i32>} : memref<128x128xf32, #tpu.memory_space<vmem>>, vector<1x16xf32>,
        %get3A_427 = arith.index_cast %add3A_369 : i32 to index
        %get3A_428 = arith.constant 80 : index
        %get3A_429 = tpu.vector_load %arg10[%get3A_427, %get3A_428] {strides = array<i32>} : memref<128x128xf32, #tpu.memory_space<vmem>>, vector<1x16xf32>,
        %get3A_430 = vector.shape_cast %get3A_429 : vector<1x16xf32> to vector<16xf32>
        %mul3A_431 = vector.broadcast %squeeze3A_371 : f32 to vector<16xf32>
        %mul3A_432 = arith.mulf %get3A_430, %mul3A_431 : vector<16xf32>
        %swap3A_433 = arith.index_cast %add3A_369 : i32 to index
        %swap3A_434 = arith.constant 80 : index
        %swap3A_435 = tpu.vector_load %arg10[%swap3A_433, %swap3A_434] {strides = array<i32>} : memref<128x128xf32, #tpu.memory_space<vmem>>, vector<1x16xf32>,
        %swap3A_436 = vector.shape_cast %swap3A_435 : vector<1x16xf32> to vector<16xf32>
        %swap3A_437 = vector.shape_cast %mul3A_432 : vector<16xf32> to vector<1x16xf32>
        tpu.vector_store %arg10[%swap3A_433, %swap3A_434], %swap3A_437 {strides = array<i32>} : memref<128x128xf32, #tpu.memory_space<vmem>>, vector<1x16xf32>,
        %get3A_438 = arith.index_cast %add3A_369 : i32 to index
        %get3A_439 = arith.constant 96 : index
        %get3A_440 = tpu.vector_load %arg10[%get3A_438, %get3A_439] {strides = array<i32>} : memref<128x128xf32, #tpu.memory_space<vmem>>, vector<1x16xf32>,
        %get3A_441 = vector.shape_cast %get3A_440 : vector<1x16xf32> to vector<16xf32>
        %mul3A_442 = vector.broadcast %squeeze3A_371 : f32 to vector<16xf32>
        %mul3A_443 = arith.mulf %get3A_441, %mul3A_442 : vector<16xf32>
        %swap3A_444 = arith.index_cast %add3A_369 : i32 to index
        %swap3A_445 = arith.constant 96 : index
        %swap3A_446 = tpu.vector_load %arg10[%swap3A_444, %swap3A_445] {strides = array<i32>} : memref<128x128xf32, #tpu.memory_space<vmem>>, vector<1x16xf32>,
        %swap3A_447 = vector.shape_cast %swap3A_446 : vector<1x16xf32> to vector<16xf32>
        %swap3A_448 = vector.shape_cast %mul3A_443 : vector<16xf32> to vector<1x16xf32>
        tpu.vector_store %arg10[%swap3A_444, %swap3A_445], %swap3A_448 {strides = array<i32>} : memref<128x128xf32, #tpu.memory_space<vmem>>, vector<1x16xf32>,
        %get3A_449 = arith.index_cast %add3A_369 : i32 to index
        %get3A_450 = arith.constant 112 : index
        %get3A_451 = tpu.vector_load %arg10[%get3A_449, %get3A_450] {strides = array<i32>} : memref<128x128xf32, #tpu.memory_space<vmem>>, vector<1x16xf32>,
        %get3A_452 = vector.shape_cast %get3A_451 : vector<1x16xf32> to vector<16xf32>
        %mul3A_453 = vector.broadcast %squeeze3A_371 : f32 to vector<16xf32>
        %mul3A_454 = arith.mulf %get3A_452, %mul3A_453 : vector<16xf32>
        %swap3A_455 = arith.index_cast %add3A_369 : i32 to index
        %swap3A_456 = arith.constant 112 : index
        %swap3A_457 = tpu.vector_load %arg10[%swap3A_455, %swap3A_456] {strides = array<i32>} : memref<128x128xf32, #tpu.memory_space<vmem>>, vector<1x16xf32>,
        %swap3A_458 = vector.shape_cast %swap3A_457 : vector<1x16xf32> to vector<16xf32>
        %swap3A_459 = vector.shape_cast %mul3A_454 : vector<16xf32> to vector<1x16xf32>
        tpu.vector_store %arg10[%swap3A_455, %swap3A_456], %swap3A_459 {strides = array<i32>} : memref<128x128xf32, #tpu.memory_space<vmem>>, vector<1x16xf32>,
        %mul3A_460 = arith.constant 16 : i32
        %mul3A_461 = arith.muli %scan3A_81, %mul3A_460 : i32
        %add3A_462 = arith.constant 4 : i32
        %add3A_463 = arith.addi %mul3A_461, %add3A_462 : i32
        %slice3A_464 = vector.extract_strided_slice %get3A_86 {offsets = [4], sizes = [1], strides = [1]} : vector<16xf32> to vector<1xf32>
        %squeeze3A_465 = vector.extract %slice3A_464[0] : f32 from vector<1xf32>
        %get3A_466 = arith.index_cast %add3A_463 : i32 to index
        %get3A_467 = arith.constant 0 : index
        %get3A_468 = tpu.vector_load %arg10[%get3A_466, %get3A_467] {strides = array<i32>} : memref<128x128xf32, #tpu.memory_space<vmem>>, vector<1x16xf32>,
        %get3A_469 = vector.shape_cast %get3A_468 : vector<1x16xf32> to vector<16xf32>
        %mul3A_470 = vector.broadcast %squeeze3A_465 : f32 to vector<16xf32>
        %mul3A_471 = arith.mulf %get3A_469, %mul3A_470 : vector<16xf32>
        %swap3A_472 = arith.index_cast %add3A_463 : i32 to index
        %swap3A_473 = arith.constant 0 : index
        %swap3A_474 = tpu.vector_load %arg10[%swap3A_472, %swap3A_473] {strides = array<i32>} : memref<128x128xf32, #tpu.memory_space<vmem>>, vector<1x16xf32>,
        %swap3A_475 = vector.shape_cast %swap3A_474 : vector<1x16xf32> to vector<16xf32>
        %swap3A_476 = vector.shape_cast %mul3A_471 : vector<16xf32> to vector<1x16xf32>
        tpu.vector_store %arg10[%swap3A_472, %swap3A_473], %swap3A_476 {strides = array<i32>} : memref<128x128xf32, #tpu.memory_space<vmem>>, vector<1x16xf32>,
        %get3A_477 = arith.index_cast %add3A_463 : i32 to index
        %get3A_478 = arith.constant 16 : index
        %get3A_479 = tpu.vector_load %arg10[%get3A_477, %get3A_478] {strides = array<i32>} : memref<128x128xf32, #tpu.memory_space<vmem>>, vector<1x16xf32>,
        %get3A_480 = vector.shape_cast %get3A_479 : vector<1x16xf32> to vector<16xf32>
        %mul3A_481 = vector.broadcast %squeeze3A_465 : f32 to vector<16xf32>
        %mul3A_482 = arith.mulf %get3A_480, %mul3A_481 : vector<16xf32>
        %swap3A_483 = arith.index_cast %add3A_463 : i32 to index
        %swap3A_484 = arith.constant 16 : index
        %swap3A_485 = tpu.vector_load %arg10[%swap3A_483, %swap3A_484] {strides = array<i32>} : memref<128x128xf32, #tpu.memory_space<vmem>>, vector<1x16xf32>,
        %swap3A_486 = vector.shape_cast %swap3A_485 : vector<1x16xf32> to vector<16xf32>
        %swap3A_487 = vector.shape_cast %mul3A_482 : vector<16xf32> to vector<1x16xf32>
        tpu.vector_store %arg10[%swap3A_483, %swap3A_484], %swap3A_487 {strides = array<i32>} : memref<128x128xf32, #tpu.memory_space<vmem>>, vector<1x16xf32>,
        %get3A_488 = arith.index_cast %add3A_463 : i32 to index
        %get3A_489 = arith.constant 32 : index
        %get3A_490 = tpu.vector_load %arg10[%get3A_488, %get3A_489] {strides = array<i32>} : memref<128x128xf32, #tpu.memory_space<vmem>>, vector<1x16xf32>,
        %get3A_491 = vector.shape_cast %get3A_490 : vector<1x16xf32> to vector<16xf32>
        %mul3A_492 = vector.broadcast %squeeze3A_465 : f32 to vector<16xf32>
        %mul3A_493 = arith.mulf %get3A_491, %mul3A_492 : vector<16xf32>
        %swap3A_494 = arith.index_cast %add3A_463 : i32 to index
        %swap3A_495 = arith.constant 32 : index
        %swap3A_496 = tpu.vector_load %arg10[%swap3A_494, %swap3A_495] {strides = array<i32>} : memref<128x128xf32, #tpu.memory_space<vmem>>, vector<1x16xf32>,
        %swap3A_497 = vector.shape_cast %swap3A_496 : vector<1x16xf32> to vector<16xf32>
        %swap3A_498 = vector.shape_cast %mul3A_493 : vector<16xf32> to vector<1x16xf32>
        tpu.vector_store %arg10[%swap3A_494, %swap3A_495], %swap3A_498 {strides = array<i32>} : memref<128x128xf32, #tpu.memory_space<vmem>>, vector<1x16xf32>,
        %get3A_499 = arith.index_cast %add3A_463 : i32 to index
        %get3A_500 = arith.constant 48 : index
        %get3A_501 = tpu.vector_load %arg10[%get3A_499, %get3A_500] {strides = array<i32>} : memref<128x128xf32, #tpu.memory_space<vmem>>, vector<1x16xf32>,
        %get3A_502 = vector.shape_cast %get3A_501 : vector<1x16xf32> to vector<16xf32>
        %mul3A_503 = vector.broadcast %squeeze3A_465 : f32 to vector<16xf32>
        %mul3A_504 = arith.mulf %get3A_502, %mul3A_503 : vector<16xf32>
        %swap3A_505 = arith.index_cast %add3A_463 : i32 to index
        %swap3A_506 = arith.constant 48 : index
        %swap3A_507 = tpu.vector_load %arg10[%swap3A_505, %swap3A_506] {strides = array<i32>} : memref<128x128xf32, #tpu.memory_space<vmem>>, vector<1x16xf32>,
        %swap3A_508 = vector.shape_cast %swap3A_507 : vector<1x16xf32> to vector<16xf32>
        %swap3A_509 = vector.shape_cast %mul3A_504 : vector<16xf32> to vector<1x16xf32>
        tpu.vector_store %arg10[%swap3A_505, %swap3A_506], %swap3A_509 {strides = array<i32>} : memref<128x128xf32, #tpu.memory_space<vmem>>, vector<1x16xf32>,
        %get3A_510 = arith.index_cast %add3A_463 : i32 to index
        %get3A_511 = arith.constant 64 : index
        %get3A_512 = tpu.vector_load %arg10[%get3A_510, %get3A_511] {strides = array<i32>} : memref<128x128xf32, #tpu.memory_space<vmem>>, vector<1x16xf32>,
        %get3A_513 = vector.shape_cast %get3A_512 : vector<1x16xf32> to vector<16xf32>
        %mul3A_514 = vector.broadcast %squeeze3A_465 : f32 to vector<16xf32>
        %mul3A_515 = arith.mulf %get3A_513, %mul3A_514 : vector<16xf32>
        %swap3A_516 = arith.index_cast %add3A_463 : i32 to index
        %swap3A_517 = arith.constant 64 : index
        %swap3A_518 = tpu.vector_load %arg10[%swap3A_516, %swap3A_517] {strides = array<i32>} : memref<128x128xf32, #tpu.memory_space<vmem>>, vector<1x16xf32>,
        %swap3A_519 = vector.shape_cast %swap3A_518 : vector<1x16xf32> to vector<16xf32>
        %swap3A_520 = vector.shape_cast %mul3A_515 : vector<16xf32> to vector<1x16xf32>
        tpu.vector_store %arg10[%swap3A_516, %swap3A_517], %swap3A_520 {strides = array<i32>} : memref<128x128xf32, #tpu.memory_space<vmem>>, vector<1x16xf32>,
        %get3A_521 = arith.index_cast %add3A_463 : i32 to index
        %get3A_522 = arith.constant 80 : index
        %get3A_523 = tpu.vector_load %arg10[%get3A_521, %get3A_522] {strides = array<i32>} : memref<128x128xf32, #tpu.memory_space<vmem>>, vector<1x16xf32>,
        %get3A_524 = vector.shape_cast %get3A_523 : vector<1x16xf32> to vector<16xf32>
        %mul3A_525 = vector.broadcast %squeeze3A_465 : f32 to vector<16xf32>
        %mul3A_526 = arith.mulf %get3A_524, %mul3A_525 : vector<16xf32>
        %swap3A_527 = arith.index_cast %add3A_463 : i32 to index
        %swap3A_528 = arith.constant 80 : index
        %swap3A_529 = tpu.vector_load %arg10[%swap3A_527, %swap3A_528] {strides = array<i32>} : memref<128x128xf32, #tpu.memory_space<vmem>>, vector<1x16xf32>,
        %swap3A_530 = vector.shape_cast %swap3A_529 : vector<1x16xf32> to vector<16xf32>
        %swap3A_531 = vector.shape_cast %mul3A_526 : vector<16xf32> to vector<1x16xf32>
        tpu.vector_store %arg10[%swap3A_527, %swap3A_528], %swap3A_531 {strides = array<i32>} : memref<128x128xf32, #tpu.memory_space<vmem>>, vector<1x16xf32>,
        %get3A_532 = arith.index_cast %add3A_463 : i32 to index
        %get3A_533 = arith.constant 96 : index
        %get3A_534 = tpu.vector_load %arg10[%get3A_532, %get3A_533] {strides = array<i32>} : memref<128x128xf32, #tpu.memory_space<vmem>>, vector<1x16xf32>,
        %get3A_535 = vector.shape_cast %get3A_534 : vector<1x16xf32> to vector<16xf32>
        %mul3A_536 = vector.broadcast %squeeze3A_465 : f32 to vector<16xf32>
        %mul3A_537 = arith.mulf %get3A_535, %mul3A_536 : vector<16xf32>
        %swap3A_538 = arith.index_cast %add3A_463 : i32 to index
        %swap3A_539 = arith.constant 96 : index
        %swap3A_540 = tpu.vector_load %arg10[%swap3A_538, %swap3A_539] {strides = array<i32>} : memref<128x128xf32, #tpu.memory_space<vmem>>, vector<1x16xf32>,
        %swap3A_541 = vector.shape_cast %swap3A_540 : vector<1x16xf32> to vector<16xf32>
        %swap3A_542 = vector.shape_cast %mul3A_537 : vector<16xf32> to vector<1x16xf32>
        tpu.vector_store %arg10[%swap3A_538, %swap3A_539], %swap3A_542 {strides = array<i32>} : memref<128x128xf32, #tpu.memory_space<vmem>>, vector<1x16xf32>,
        %get3A_543 = arith.index_cast %add3A_463 : i32 to index
        %get3A_544 = arith.constant 112 : index
        %get3A_545 = tpu.vector_load %arg10[%get3A_543, %get3A_544] {strides = array<i32>} : memref<128x128xf32, #tpu.memory_space<vmem>>, vector<1x16xf32>,
        %get3A_546 = vector.shape_cast %get3A_545 : vector<1x16xf32> to vector<16xf32>
        %mul3A_547 = vector.broadcast %squeeze3A_465 : f32 to vector<16xf32>
        %mul3A_548 = arith.mulf %get3A_546, %mul3A_547 : vector<16xf32>
        %swap3A_549 = arith.index_cast %add3A_463 : i32 to index
        %swap3A_550 = arith.constant 112 : index
        %swap3A_551 = tpu.vector_load %arg10[%swap3A_549, %swap3A_550] {strides = array<i32>} : memref<128x128xf32, #tpu.memory_space<vmem>>, vector<1x16xf32>,
        %swap3A_552 = vector.shape_cast %swap3A_551 : vector<1x16xf32> to vector<16xf32>
        %swap3A_553 = vector.shape_cast %mul3A_548 : vector<16xf32> to vector<1x16xf32>
        tpu.vector_store %arg10[%swap3A_549, %swap3A_550], %swap3A_553 {strides = array<i32>} : memref<128x128xf32, #tpu.memory_space<vmem>>, vector<1x16xf32>,
        %mul3A_554 = arith.constant 16 : i32
        %mul3A_555 = arith.muli %scan3A_81, %mul3A_554 : i32
        %add3A_556 = arith.constant 5 : i32
        %add3A_557 = arith.addi %mul3A_555, %add3A_556 : i32
        %slice3A_558 = vector.extract_strided_slice %get3A_86 {offsets = [5], sizes = [1], strides = [1]} : vector<16xf32> to vector<1xf32>
        %squeeze3A_559 = vector.extract %slice3A_558[0] : f32 from vector<1xf32>
        %get3A_560 = arith.index_cast %add3A_557 : i32 to index
        %get3A_561 = arith.constant 0 : index
        %get3A_562 = tpu.vector_load %arg10[%get3A_560, %get3A_561] {strides = array<i32>} : memref<128x128xf32, #tpu.memory_space<vmem>>, vector<1x16xf32>,
        %get3A_563 = vector.shape_cast %get3A_562 : vector<1x16xf32> to vector<16xf32>
        %mul3A_564 = vector.broadcast %squeeze3A_559 : f32 to vector<16xf32>
        %mul3A_565 = arith.mulf %get3A_563, %mul3A_564 : vector<16xf32>
        %swap3A_566 = arith.index_cast %add3A_557 : i32 to index
        %swap3A_567 = arith.constant 0 : index
        %swap3A_568 = tpu.vector_load %arg10[%swap3A_566, %swap3A_567] {strides = array<i32>} : memref<128x128xf32, #tpu.memory_space<vmem>>, vector<1x16xf32>,
        %swap3A_569 = vector.shape_cast %swap3A_568 : vector<1x16xf32> to vector<16xf32>
        %swap3A_570 = vector.shape_cast %mul3A_565 : vector<16xf32> to vector<1x16xf32>
        tpu.vector_store %arg10[%swap3A_566, %swap3A_567], %swap3A_570 {strides = array<i32>} : memref<128x128xf32, #tpu.memory_space<vmem>>, vector<1x16xf32>,
        %get3A_571 = arith.index_cast %add3A_557 : i32 to index
        %get3A_572 = arith.constant 16 : index
        %get3A_573 = tpu.vector_load %arg10[%get3A_571, %get3A_572] {strides = array<i32>} : memref<128x128xf32, #tpu.memory_space<vmem>>, vector<1x16xf32>,
        %get3A_574 = vector.shape_cast %get3A_573 : vector<1x16xf32> to vector<16xf32>
        %mul3A_575 = vector.broadcast %squeeze3A_559 : f32 to vector<16xf32>
        %mul3A_576 = arith.mulf %get3A_574, %mul3A_575 : vector<16xf32>
        %swap3A_577 = arith.index_cast %add3A_557 : i32 to index
        %swap3A_578 = arith.constant 16 : index
        %swap3A_579 = tpu.vector_load %arg10[%swap3A_577, %swap3A_578] {strides = array<i32>} : memref<128x128xf32, #tpu.memory_space<vmem>>, vector<1x16xf32>,
        %swap3A_580 = vector.shape_cast %swap3A_579 : vector<1x16xf32> to vector<16xf32>
        %swap3A_581 = vector.shape_cast %mul3A_576 : vector<16xf32> to vector<1x16xf32>
        tpu.vector_store %arg10[%swap3A_577, %swap3A_578], %swap3A_581 {strides = array<i32>} : memref<128x128xf32, #tpu.memory_space<vmem>>, vector<1x16xf32>,
        %get3A_582 = arith.index_cast %add3A_557 : i32 to index
        %get3A_583 = arith.constant 32 : index
        %get3A_584 = tpu.vector_load %arg10[%get3A_582, %get3A_583] {strides = array<i32>} : memref<128x128xf32, #tpu.memory_space<vmem>>, vector<1x16xf32>,
        %get3A_585 = vector.shape_cast %get3A_584 : vector<1x16xf32> to vector<16xf32>
        %mul3A_586 = vector.broadcast %squeeze3A_559 : f32 to vector<16xf32>
        %mul3A_587 = arith.mulf %get3A_585, %mul3A_586 : vector<16xf32>
        %swap3A_588 = arith.index_cast %add3A_557 : i32 to index
        %swap3A_589 = arith.constant 32 : index
        %swap3A_590 = tpu.vector_load %arg10[%swap3A_588, %swap3A_589] {strides = array<i32>} : memref<128x128xf32, #tpu.memory_space<vmem>>, vector<1x16xf32>,
        %swap3A_591 = vector.shape_cast %swap3A_590 : vector<1x16xf32> to vector<16xf32>
        %swap3A_592 = vector.shape_cast %mul3A_587 : vector<16xf32> to vector<1x16xf32>
        tpu.vector_store %arg10[%swap3A_588, %swap3A_589], %swap3A_592 {strides = array<i32>} : memref<128x128xf32, #tpu.memory_space<vmem>>, vector<1x16xf32>,
        %get3A_593 = arith.index_cast %add3A_557 : i32 to index
        %get3A_594 = arith.constant 48 : index
        %get3A_595 = tpu.vector_load %arg10[%get3A_593, %get3A_594] {strides = array<i32>} : memref<128x128xf32, #tpu.memory_space<vmem>>, vector<1x16xf32>,
        %get3A_596 = vector.shape_cast %get3A_595 : vector<1x16xf32> to vector<16xf32>
        %mul3A_597 = vector.broadcast %squeeze3A_559 : f32 to vector<16xf32>
        %mul3A_598 = arith.mulf %get3A_596, %mul3A_597 : vector<16xf32>
        %swap3A_599 = arith.index_cast %add3A_557 : i32 to index
        %swap3A_600 = arith.constant 48 : index
        %swap3A_601 = tpu.vector_load %arg10[%swap3A_599, %swap3A_600] {strides = array<i32>} : memref<128x128xf32, #tpu.memory_space<vmem>>, vector<1x16xf32>,
        %swap3A_602 = vector.shape_cast %swap3A_601 : vector<1x16xf32> to vector<16xf32>
        %swap3A_603 = vector.shape_cast %mul3A_598 : vector<16xf32> to vector<1x16xf32>
        tpu.vector_store %arg10[%swap3A_599, %swap3A_600], %swap3A_603 {strides = array<i32>} : memref<128x128xf32, #tpu.memory_space<vmem>>, vector<1x16xf32>,
        %get3A_604 = arith.index_cast %add3A_557 : i32 to index
        %get3A_605 = arith.constant 64 : index
        %get3A_606 = tpu.vector_load %arg10[%get3A_604, %get3A_605] {strides = array<i32>} : memref<128x128xf32, #tpu.memory_space<vmem>>, vector<1x16xf32>,
        %get3A_607 = vector.shape_cast %get3A_606 : vector<1x16xf32> to vector<16xf32>
        %mul3A_608 = vector.broadcast %squeeze3A_559 : f32 to vector<16xf32>
        %mul3A_609 = arith.mulf %get3A_607, %mul3A_608 : vector<16xf32>
        %swap3A_610 = arith.index_cast %add3A_557 : i32 to index
        %swap3A_611 = arith.constant 64 : index
        %swap3A_612 = tpu.vector_load %arg10[%swap3A_610, %swap3A_611] {strides = array<i32>} : memref<128x128xf32, #tpu.memory_space<vmem>>, vector<1x16xf32>,
        %swap3A_613 = vector.shape_cast %swap3A_612 : vector<1x16xf32> to vector<16xf32>
        %swap3A_614 = vector.shape_cast %mul3A_609 : vector<16xf32> to vector<1x16xf32>
        tpu.vector_store %arg10[%swap3A_610, %swap3A_611], %swap3A_614 {strides = array<i32>} : memref<128x128xf32, #tpu.memory_space<vmem>>, vector<1x16xf32>,
        %get3A_615 = arith.index_cast %add3A_557 : i32 to index
        %get3A_616 = arith.constant 80 : index
        %get3A_617 = tpu.vector_load %arg10[%get3A_615, %get3A_616] {strides = array<i32>} : memref<128x128xf32, #tpu.memory_space<vmem>>, vector<1x16xf32>,
        %get3A_618 = vector.shape_cast %get3A_617 : vector<1x16xf32> to vector<16xf32>
        %mul3A_619 = vector.broadcast %squeeze3A_559 : f32 to vector<16xf32>
        %mul3A_620 = arith.mulf %get3A_618, %mul3A_619 : vector<16xf32>
        %swap3A_621 = arith.index_cast %add3A_557 : i32 to index
        %swap3A_622 = arith.constant 80 : index
        %swap3A_623 = tpu.vector_load %arg10[%swap3A_621, %swap3A_622] {strides = array<i32>} : memref<128x128xf32, #tpu.memory_space<vmem>>, vector<1x16xf32>,
        %swap3A_624 = vector.shape_cast %swap3A_623 : vector<1x16xf32> to vector<16xf32>
        %swap3A_625 = vector.shape_cast %mul3A_620 : vector<16xf32> to vector<1x16xf32>
        tpu.vector_store %arg10[%swap3A_621, %swap3A_622], %swap3A_625 {strides = array<i32>} : memref<128x128xf32, #tpu.memory_space<vmem>>, vector<1x16xf32>,
        %get3A_626 = arith.index_cast %add3A_557 : i32 to index
        %get3A_627 = arith.constant 96 : index
        %get3A_628 = tpu.vector_load %arg10[%get3A_626, %get3A_627] {strides = array<i32>} : memref<128x128xf32, #tpu.memory_space<vmem>>, vector<1x16xf32>,
        %get3A_629 = vector.shape_cast %get3A_628 : vector<1x16xf32> to vector<16xf32>
        %mul3A_630 = vector.broadcast %squeeze3A_559 : f32 to vector<16xf32>
        %mul3A_631 = arith.mulf %get3A_629, %mul3A_630 : vector<16xf32>
        %swap3A_632 = arith.index_cast %add3A_557 : i32 to index
        %swap3A_633 = arith.constant 96 : index
        %swap3A_634 = tpu.vector_load %arg10[%swap3A_632, %swap3A_633] {strides = array<i32>} : memref<128x128xf32, #tpu.memory_space<vmem>>, vector<1x16xf32>,
        %swap3A_635 = vector.shape_cast %swap3A_634 : vector<1x16xf32> to vector<16xf32>
        %swap3A_636 = vector.shape_cast %mul3A_631 : vector<16xf32> to vector<1x16xf32>
        tpu.vector_store %arg10[%swap3A_632, %swap3A_633], %swap3A_636 {strides = array<i32>} : memref<128x128xf32, #tpu.memory_space<vmem>>, vector<1x16xf32>,
        %get3A_637 = arith.index_cast %add3A_557 : i32 to index
        %get3A_638 = arith.constant 112 : index
        %get3A_639 = tpu.vector_load %arg10[%get3A_637, %get3A_638] {strides = array<i32>} : memref<128x128xf32, #tpu.memory_space<vmem>>, vector<1x16xf32>,
        %get3A_640 = vector.shape_cast %get3A_639 : vector<1x16xf32> to vector<16xf32>
        %mul3A_641 = vector.broadcast %squeeze3A_559 : f32 to vector<16xf32>
        %mul3A_642 = arith.mulf %get3A_640, %mul3A_641 : vector<16xf32>
        %swap3A_643 = arith.index_cast %add3A_557 : i32 to index
        %swap3A_644 = arith.constant 112 : index
        %swap3A_645 = tpu.vector_load %arg10[%swap3A_643, %swap3A_644] {strides = array<i32>} : memref<128x128xf32, #tpu.memory_space<vmem>>, vector<1x16xf32>,
        %swap3A_646 = vector.shape_cast %swap3A_645 : vector<1x16xf32> to vector<16xf32>
        %swap3A_647 = vector.shape_cast %mul3A_642 : vector<16xf32> to vector<1x16xf32>
        tpu.vector_store %arg10[%swap3A_643, %swap3A_644], %swap3A_647 {strides = array<i32>} : memref<128x128xf32, #tpu.memory_space<vmem>>, vector<1x16xf32>,
        %mul3A_648 = arith.constant 16 : i32
        %mul3A_649 = arith.muli %scan3A_81, %mul3A_648 : i32
        %add3A_650 = arith.constant 6 : i32
        %add3A_651 = arith.addi %mul3A_649, %add3A_650 : i32
        %slice3A_652 = vector.extract_strided_slice %get3A_86 {offsets = [6], sizes = [1], strides = [1]} : vector<16xf32> to vector<1xf32>
        %squeeze3A_653 = vector.extract %slice3A_652[0] : f32 from vector<1xf32>
        %get3A_654 = arith.index_cast %add3A_651 : i32 to index
        %get3A_655 = arith.constant 0 : index
        %get3A_656 = tpu.vector_load %arg10[%get3A_654, %get3A_655] {strides = array<i32>} : memref<128x128xf32, #tpu.memory_space<vmem>>, vector<1x16xf32>,
        %get3A_657 = vector.shape_cast %get3A_656 : vector<1x16xf32> to vector<16xf32>
        %mul3A_658 = vector.broadcast %squeeze3A_653 : f32 to vector<16xf32>
        %mul3A_659 = arith.mulf %get3A_657, %mul3A_658 : vector<16xf32>
        %swap3A_660 = arith.index_cast %add3A_651 : i32 to index
        %swap3A_661 = arith.constant 0 : index
        %swap3A_662 = tpu.vector_load %arg10[%swap3A_660, %swap3A_661] {strides = array<i32>} : memref<128x128xf32, #tpu.memory_space<vmem>>, vector<1x16xf32>,
        %swap3A_663 = vector.shape_cast %swap3A_662 : vector<1x16xf32> to vector<16xf32>
        %swap3A_664 = vector.shape_cast %mul3A_659 : vector<16xf32> to vector<1x16xf32>
        tpu.vector_store %arg10[%swap3A_660, %swap3A_661], %swap3A_664 {strides = array<i32>} : memref<128x128xf32, #tpu.memory_space<vmem>>, vector<1x16xf32>,
        %get3A_665 = arith.index_cast %add3A_651 : i32 to index
        %get3A_666 = arith.constant 16 : index
        %get3A_667 = tpu.vector_load %arg10[%get3A_665, %get3A_666] {strides = array<i32>} : memref<128x128xf32, #tpu.memory_space<vmem>>, vector<1x16xf32>,
        %get3A_668 = vector.shape_cast %get3A_667 : vector<1x16xf32> to vector<16xf32>
        %mul3A_669 = vector.broadcast %squeeze3A_653 : f32 to vector<16xf32>
        %mul3A_670 = arith.mulf %get3A_668, %mul3A_669 : vector<16xf32>
        %swap3A_671 = arith.index_cast %add3A_651 : i32 to index
        %swap3A_672 = arith.constant 16 : index
        %swap3A_673 = tpu.vector_load %arg10[%swap3A_671, %swap3A_672] {strides = array<i32>} : memref<128x128xf32, #tpu.memory_space<vmem>>, vector<1x16xf32>,
        %swap3A_674 = vector.shape_cast %swap3A_673 : vector<1x16xf32> to vector<16xf32>
        %swap3A_675 = vector.shape_cast %mul3A_670 : vector<16xf32> to vector<1x16xf32>
        tpu.vector_store %arg10[%swap3A_671, %swap3A_672], %swap3A_675 {strides = array<i32>} : memref<128x128xf32, #tpu.memory_space<vmem>>, vector<1x16xf32>,
        %get3A_676 = arith.index_cast %add3A_651 : i32 to index
        %get3A_677 = arith.constant 32 : index
        %get3A_678 = tpu.vector_load %arg10[%get3A_676, %get3A_677] {strides = array<i32>} : memref<128x128xf32, #tpu.memory_space<vmem>>, vector<1x16xf32>,
        %get3A_679 = vector.shape_cast %get3A_678 : vector<1x16xf32> to vector<16xf32>
        %mul3A_680 = vector.broadcast %squeeze3A_653 : f32 to vector<16xf32>
        %mul3A_681 = arith.mulf %get3A_679, %mul3A_680 : vector<16xf32>
        %swap3A_682 = arith.index_cast %add3A_651 : i32 to index
        %swap3A_683 = arith.constant 32 : index
        %swap3A_684 = tpu.vector_load %arg10[%swap3A_682, %swap3A_683] {strides = array<i32>} : memref<128x128xf32, #tpu.memory_space<vmem>>, vector<1x16xf32>,
        %swap3A_685 = vector.shape_cast %swap3A_684 : vector<1x16xf32> to vector<16xf32>
        %swap3A_686 = vector.shape_cast %mul3A_681 : vector<16xf32> to vector<1x16xf32>
        tpu.vector_store %arg10[%swap3A_682, %swap3A_683], %swap3A_686 {strides = array<i32>} : memref<128x128xf32, #tpu.memory_space<vmem>>, vector<1x16xf32>,
        %get3A_687 = arith.index_cast %add3A_651 : i32 to index
        %get3A_688 = arith.constant 48 : index
        %get3A_689 = tpu.vector_load %arg10[%get3A_687, %get3A_688] {strides = array<i32>} : memref<128x128xf32, #tpu.memory_space<vmem>>, vector<1x16xf32>,
        %get3A_690 = vector.shape_cast %get3A_689 : vector<1x16xf32> to vector<16xf32>
        %mul3A_691 = vector.broadcast %squeeze3A_653 : f32 to vector<16xf32>
        %mul3A_692 = arith.mulf %get3A_690, %mul3A_691 : vector<16xf32>
        %swap3A_693 = arith.index_cast %add3A_651 : i32 to index
        %swap3A_694 = arith.constant 48 : index
        %swap3A_695 = tpu.vector_load %arg10[%swap3A_693, %swap3A_694] {strides = array<i32>} : memref<128x128xf32, #tpu.memory_space<vmem>>, vector<1x16xf32>,
        %swap3A_696 = vector.shape_cast %swap3A_695 : vector<1x16xf32> to vector<16xf32>
        %swap3A_697 = vector.shape_cast %mul3A_692 : vector<16xf32> to vector<1x16xf32>
        tpu.vector_store %arg10[%swap3A_693, %swap3A_694], %swap3A_697 {strides = array<i32>} : memref<128x128xf32, #tpu.memory_space<vmem>>, vector<1x16xf32>,
        %get3A_698 = arith.index_cast %add3A_651 : i32 to index
        %get3A_699 = arith.constant 64 : index
        %get3A_700 = tpu.vector_load %arg10[%get3A_698, %get3A_699] {strides = array<i32>} : memref<128x128xf32, #tpu.memory_space<vmem>>, vector<1x16xf32>,
        %get3A_701 = vector.shape_cast %get3A_700 : vector<1x16xf32> to vector<16xf32>
        %mul3A_702 = vector.broadcast %squeeze3A_653 : f32 to vector<16xf32>
        %mul3A_703 = arith.mulf %get3A_701, %mul3A_702 : vector<16xf32>
        %swap3A_704 = arith.index_cast %add3A_651 : i32 to index
        %swap3A_705 = arith.constant 64 : index
        %swap3A_706 = tpu.vector_load %arg10[%swap3A_704, %swap3A_705] {strides = array<i32>} : memref<128x128xf32, #tpu.memory_space<vmem>>, vector<1x16xf32>,
        %swap3A_707 = vector.shape_cast %swap3A_706 : vector<1x16xf32> to vector<16xf32>
        %swap3A_708 = vector.shape_cast %mul3A_703 : vector<16xf32> to vector<1x16xf32>
        tpu.vector_store %arg10[%swap3A_704, %swap3A_705], %swap3A_708 {strides = array<i32>} : memref<128x128xf32, #tpu.memory_space<vmem>>, vector<1x16xf32>,
        %get3A_709 = arith.index_cast %add3A_651 : i32 to index
        %get3A_710 = arith.constant 80 : index
        %get3A_711 = tpu.vector_load %arg10[%get3A_709, %get3A_710] {strides = array<i32>} : memref<128x128xf32, #tpu.memory_space<vmem>>, vector<1x16xf32>,
        %get3A_712 = vector.shape_cast %get3A_711 : vector<1x16xf32> to vector<16xf32>
        %mul3A_713 = vector.broadcast %squeeze3A_653 : f32 to vector<16xf32>
        %mul3A_714 = arith.mulf %get3A_712, %mul3A_713 : vector<16xf32>
        %swap3A_715 = arith.index_cast %add3A_651 : i32 to index
        %swap3A_716 = arith.constant 80 : index
        %swap3A_717 = tpu.vector_load %arg10[%swap3A_715, %swap3A_716] {strides = array<i32>} : memref<128x128xf32, #tpu.memory_space<vmem>>, vector<1x16xf32>,
        %swap3A_718 = vector.shape_cast %swap3A_717 : vector<1x16xf32> to vector<16xf32>
        %swap3A_719 = vector.shape_cast %mul3A_714 : vector<16xf32> to vector<1x16xf32>
        tpu.vector_store %arg10[%swap3A_715, %swap3A_716], %swap3A_719 {strides = array<i32>} : memref<128x128xf32, #tpu.memory_space<vmem>>, vector<1x16xf32>,
        %get3A_720 = arith.index_cast %add3A_651 : i32 to index
        %get3A_721 = arith.constant 96 : index
        %get3A_722 = tpu.vector_load %arg10[%get3A_720, %get3A_721] {strides = array<i32>} : memref<128x128xf32, #tpu.memory_space<vmem>>, vector<1x16xf32>,
        %get3A_723 = vector.shape_cast %get3A_722 : vector<1x16xf32> to vector<16xf32>
        %mul3A_724 = vector.broadcast %squeeze3A_653 : f32 to vector<16xf32>
        %mul3A_725 = arith.mulf %get3A_723, %mul3A_724 : vector<16xf32>
        %swap3A_726 = arith.index_cast %add3A_651 : i32 to index
        %swap3A_727 = arith.constant 96 : index
        %swap3A_728 = tpu.vector_load %arg10[%swap3A_726, %swap3A_727] {strides = array<i32>} : memref<128x128xf32, #tpu.memory_space<vmem>>, vector<1x16xf32>,
        %swap3A_729 = vector.shape_cast %swap3A_728 : vector<1x16xf32> to vector<16xf32>
        %swap3A_730 = vector.shape_cast %mul3A_725 : vector<16xf32> to vector<1x16xf32>
        tpu.vector_store %arg10[%swap3A_726, %swap3A_727], %swap3A_730 {strides = array<i32>} : memref<128x128xf32, #tpu.memory_space<vmem>>, vector<1x16xf32>,
        %get3A_731 = arith.index_cast %add3A_651 : i32 to index
        %get3A_732 = arith.constant 112 : index
        %get3A_733 = tpu.vector_load %arg10[%get3A_731, %get3A_732] {strides = array<i32>} : memref<128x128xf32, #tpu.memory_space<vmem>>, vector<1x16xf32>,
        %get3A_734 = vector.shape_cast %get3A_733 : vector<1x16xf32> to vector<16xf32>
        %mul3A_735 = vector.broadcast %squeeze3A_653 : f32 to vector<16xf32>
        %mul3A_736 = arith.mulf %get3A_734, %mul3A_735 : vector<16xf32>
        %swap3A_737 = arith.index_cast %add3A_651 : i32 to index
        %swap3A_738 = arith.constant 112 : index
        %swap3A_739 = tpu.vector_load %arg10[%swap3A_737, %swap3A_738] {strides = array<i32>} : memref<128x128xf32, #tpu.memory_space<vmem>>, vector<1x16xf32>,
        %swap3A_740 = vector.shape_cast %swap3A_739 : vector<1x16xf32> to vector<16xf32>
        %swap3A_741 = vector.shape_cast %mul3A_736 : vector<16xf32> to vector<1x16xf32>
        tpu.vector_store %arg10[%swap3A_737, %swap3A_738], %swap3A_741 {strides = array<i32>} : memref<128x128xf32, #tpu.memory_space<vmem>>, vector<1x16xf32>,
        %mul3A_742 = arith.constant 16 : i32
        %mul3A_743 = arith.muli %scan3A_81, %mul3A_742 : i32
        %add3A_744 = arith.constant 7 : i32
        %add3A_745 = arith.addi %mul3A_743, %add3A_744 : i32
        %slice3A_746 = vector.extract_strided_slice %get3A_86 {offsets = [7], sizes = [1], strides = [1]} : vector<16xf32> to vector<1xf32>
        %squeeze3A_747 = vector.extract %slice3A_746[0] : f32 from vector<1xf32>
        %get3A_748 = arith.index_cast %add3A_745 : i32 to index
        %get3A_749 = arith.constant 0 : index
        %get3A_750 = tpu.vector_load %arg10[%get3A_748, %get3A_749] {strides = array<i32>} : memref<128x128xf32, #tpu.memory_space<vmem>>, vector<1x16xf32>,
        %get3A_751 = vector.shape_cast %get3A_750 : vector<1x16xf32> to vector<16xf32>
        %mul3A_752 = vector.broadcast %squeeze3A_747 : f32 to vector<16xf32>
        %mul3A_753 = arith.mulf %get3A_751, %mul3A_752 : vector<16xf32>
        %swap3A_754 = arith.index_cast %add3A_745 : i32 to index
        %swap3A_755 = arith.constant 0 : index
        %swap3A_756 = tpu.vector_load %arg10[%swap3A_754, %swap3A_755] {strides = array<i32>} : memref<128x128xf32, #tpu.memory_space<vmem>>, vector<1x16xf32>,
        %swap3A_757 = vector.shape_cast %swap3A_756 : vector<1x16xf32> to vector<16xf32>
        %swap3A_758 = vector.shape_cast %mul3A_753 : vector<16xf32> to vector<1x16xf32>
        tpu.vector_store %arg10[%swap3A_754, %swap3A_755], %swap3A_758 {strides = array<i32>} : memref<128x128xf32, #tpu.memory_space<vmem>>, vector<1x16xf32>,
        %get3A_759 = arith.index_cast %add3A_745 : i32 to index
        %get3A_760 = arith.constant 16 : index
        %get3A_761 = tpu.vector_load %arg10[%get3A_759, %get3A_760] {strides = array<i32>} : memref<128x128xf32, #tpu.memory_space<vmem>>, vector<1x16xf32>,
        %get3A_762 = vector.shape_cast %get3A_761 : vector<1x16xf32> to vector<16xf32>
        %mul3A_763 = vector.broadcast %squeeze3A_747 : f32 to vector<16xf32>
        %mul3A_764 = arith.mulf %get3A_762, %mul3A_763 : vector<16xf32>
        %swap3A_765 = arith.index_cast %add3A_745 : i32 to index
        %swap3A_766 = arith.constant 16 : index
        %swap3A_767 = tpu.vector_load %arg10[%swap3A_765, %swap3A_766] {strides = array<i32>} : memref<128x128xf32, #tpu.memory_space<vmem>>, vector<1x16xf32>,
        %swap3A_768 = vector.shape_cast %swap3A_767 : vector<1x16xf32> to vector<16xf32>
        %swap3A_769 = vector.shape_cast %mul3A_764 : vector<16xf32> to vector<1x16xf32>
        tpu.vector_store %arg10[%swap3A_765, %swap3A_766], %swap3A_769 {strides = array<i32>} : memref<128x128xf32, #tpu.memory_space<vmem>>, vector<1x16xf32>,
        %get3A_770 = arith.index_cast %add3A_745 : i32 to index
        %get3A_771 = arith.constant 32 : index
        %get3A_772 = tpu.vector_load %arg10[%get3A_770, %get3A_771] {strides = array<i32>} : memref<128x128xf32, #tpu.memory_space<vmem>>, vector<1x16xf32>,
        %get3A_773 = vector.shape_cast %get3A_772 : vector<1x16xf32> to vector<16xf32>
        %mul3A_774 = vector.broadcast %squeeze3A_747 : f32 to vector<16xf32>
        %mul3A_775 = arith.mulf %get3A_773, %mul3A_774 : vector<16xf32>
        %swap3A_776 = arith.index_cast %add3A_745 : i32 to index
        %swap3A_777 = arith.constant 32 : index
        %swap3A_778 = tpu.vector_load %arg10[%swap3A_776, %swap3A_777] {strides = array<i32>} : memref<128x128xf32, #tpu.memory_space<vmem>>, vector<1x16xf32>,
        %swap3A_779 = vector.shape_cast %swap3A_778 : vector<1x16xf32> to vector<16xf32>
        %swap3A_780 = vector.shape_cast %mul3A_775 : vector<16xf32> to vector<1x16xf32>
        tpu.vector_store %arg10[%swap3A_776, %swap3A_777], %swap3A_780 {strides = array<i32>} : memref<128x128xf32, #tpu.memory_space<vmem>>, vector<1x16xf32>,
        %get3A_781 = arith.index_cast %add3A_745 : i32 to index
        %get3A_782 = arith.constant 48 : index
        %get3A_783 = tpu.vector_load %arg10[%get3A_781, %get3A_782] {strides = array<i32>} : memref<128x128xf32, #tpu.memory_space<vmem>>, vector<1x16xf32>,
        %get3A_784 = vector.shape_cast %get3A_783 : vector<1x16xf32> to vector<16xf32>
        %mul3A_785 = vector.broadcast %squeeze3A_747 : f32 to vector<16xf32>
        %mul3A_786 = arith.mulf %get3A_784, %mul3A_785 : vector<16xf32>
        %swap3A_787 = arith.index_cast %add3A_745 : i32 to index
        %swap3A_788 = arith.constant 48 : index
        %swap3A_789 = tpu.vector_load %arg10[%swap3A_787, %swap3A_788] {strides = array<i32>} : memref<128x128xf32, #tpu.memory_space<vmem>>, vector<1x16xf32>,
        %swap3A_790 = vector.shape_cast %swap3A_789 : vector<1x16xf32> to vector<16xf32>
        %swap3A_791 = vector.shape_cast %mul3A_786 : vector<16xf32> to vector<1x16xf32>
        tpu.vector_store %arg10[%swap3A_787, %swap3A_788], %swap3A_791 {strides = array<i32>} : memref<128x128xf32, #tpu.memory_space<vmem>>, vector<1x16xf32>,
        %get3A_792 = arith.index_cast %add3A_745 : i32 to index
        %get3A_793 = arith.constant 64 : index
        %get3A_794 = tpu.vector_load %arg10[%get3A_792, %get3A_793] {strides = array<i32>} : memref<128x128xf32, #tpu.memory_space<vmem>>, vector<1x16xf32>,
        %get3A_795 = vector.shape_cast %get3A_794 : vector<1x16xf32> to vector<16xf32>
        %mul3A_796 = vector.broadcast %squeeze3A_747 : f32 to vector<16xf32>
        %mul3A_797 = arith.mulf %get3A_795, %mul3A_796 : vector<16xf32>
        %swap3A_798 = arith.index_cast %add3A_745 : i32 to index
        %swap3A_799 = arith.constant 64 : index
        %swap3A_800 = tpu.vector_load %arg10[%swap3A_798, %swap3A_799] {strides = array<i32>} : memref<128x128xf32, #tpu.memory_space<vmem>>, vector<1x16xf32>,
        %swap3A_801 = vector.shape_cast %swap3A_800 : vector<1x16xf32> to vector<16xf32>
        %swap3A_802 = vector.shape_cast %mul3A_797 : vector<16xf32> to vector<1x16xf32>
        tpu.vector_store %arg10[%swap3A_798, %swap3A_799], %swap3A_802 {strides = array<i32>} : memref<128x128xf32, #tpu.memory_space<vmem>>, vector<1x16xf32>,
        %get3A_803 = arith.index_cast %add3A_745 : i32 to index
        %get3A_804 = arith.constant 80 : index
        %get3A_805 = tpu.vector_load %arg10[%get3A_803, %get3A_804] {strides = array<i32>} : memref<128x128xf32, #tpu.memory_space<vmem>>, vector<1x16xf32>,
        %get3A_806 = vector.shape_cast %get3A_805 : vector<1x16xf32> to vector<16xf32>
        %mul3A_807 = vector.broadcast %squeeze3A_747 : f32 to vector<16xf32>
        %mul3A_808 = arith.mulf %get3A_806, %mul3A_807 : vector<16xf32>
        %swap3A_809 = arith.index_cast %add3A_745 : i32 to index
        %swap3A_810 = arith.constant 80 : index
        %swap3A_811 = tpu.vector_load %arg10[%swap3A_809, %swap3A_810] {strides = array<i32>} : memref<128x128xf32, #tpu.memory_space<vmem>>, vector<1x16xf32>,
        %swap3A_812 = vector.shape_cast %swap3A_811 : vector<1x16xf32> to vector<16xf32>
        %swap3A_813 = vector.shape_cast %mul3A_808 : vector<16xf32> to vector<1x16xf32>
        tpu.vector_store %arg10[%swap3A_809, %swap3A_810], %swap3A_813 {strides = array<i32>} : memref<128x128xf32, #tpu.memory_space<vmem>>, vector<1x16xf32>,
        %get3A_814 = arith.index_cast %add3A_745 : i32 to index
        %get3A_815 = arith.constant 96 : index
        %get3A_816 = tpu.vector_load %arg10[%get3A_814, %get3A_815] {strides = array<i32>} : memref<128x128xf32, #tpu.memory_space<vmem>>, vector<1x16xf32>,
        %get3A_817 = vector.shape_cast %get3A_816 : vector<1x16xf32> to vector<16xf32>
        %mul3A_818 = vector.broadcast %squeeze3A_747 : f32 to vector<16xf32>
        %mul3A_819 = arith.mulf %get3A_817, %mul3A_818 : vector<16xf32>
        %swap3A_820 = arith.index_cast %add3A_745 : i32 to index
        %swap3A_821 = arith.constant 96 : index
        %swap3A_822 = tpu.vector_load %arg10[%swap3A_820, %swap3A_821] {strides = array<i32>} : memref<128x128xf32, #tpu.memory_space<vmem>>, vector<1x16xf32>,
        %swap3A_823 = vector.shape_cast %swap3A_822 : vector<1x16xf32> to vector<16xf32>
        %swap3A_824 = vector.shape_cast %mul3A_819 : vector<16xf32> to vector<1x16xf32>
        tpu.vector_store %arg10[%swap3A_820, %swap3A_821], %swap3A_824 {strides = array<i32>} : memref<128x128xf32, #tpu.memory_space<vmem>>, vector<1x16xf32>,
        %get3A_825 = arith.index_cast %add3A_745 : i32 to index
        %get3A_826 = arith.constant 112 : index
        %get3A_827 = tpu.vector_load %arg10[%get3A_825, %get3A_826] {strides = array<i32>} : memref<128x128xf32, #tpu.memory_space<vmem>>, vector<1x16xf32>,
        %get3A_828 = vector.shape_cast %get3A_827 : vector<1x16xf32> to vector<16xf32>
        %mul3A_829 = vector.broadcast %squeeze3A_747 : f32 to vector<16xf32>
        %mul3A_830 = arith.mulf %get3A_828, %mul3A_829 : vector<16xf32>
        %swap3A_831 = arith.index_cast %add3A_745 : i32 to index
        %swap3A_832 = arith.constant 112 : index
        %swap3A_833 = tpu.vector_load %arg10[%swap3A_831, %swap3A_832] {strides = array<i32>} : memref<128x128xf32, #tpu.memory_space<vmem>>, vector<1x16xf32>,
        %swap3A_834 = vector.shape_cast %swap3A_833 : vector<1x16xf32> to vector<16xf32>
        %swap3A_835 = vector.shape_cast %mul3A_830 : vector<16xf32> to vector<1x16xf32>
        tpu.vector_store %arg10[%swap3A_831, %swap3A_832], %swap3A_835 {strides = array<i32>} : memref<128x128xf32, #tpu.memory_space<vmem>>, vector<1x16xf32>,
        %mul3A_836 = arith.constant 16 : i32
        %mul3A_837 = arith.muli %scan3A_81, %mul3A_836 : i32
        %add3A_838 = arith.constant 8 : i32
        %add3A_839 = arith.addi %mul3A_837, %add3A_838 : i32
        %slice3A_840 = vector.extract_strided_slice %get3A_86 {offsets = [8], sizes = [1], strides = [1]} : vector<16xf32> to vector<1xf32>
        %squeeze3A_841 = vector.extract %slice3A_840[0] : f32 from vector<1xf32>
        %get3A_842 = arith.index_cast %add3A_839 : i32 to index
        %get3A_843 = arith.constant 0 : index
        %get3A_844 = tpu.vector_load %arg10[%get3A_842, %get3A_843] {strides = array<i32>} : memref<128x128xf32, #tpu.memory_space<vmem>>, vector<1x16xf32>,
        %get3A_845 = vector.shape_cast %get3A_844 : vector<1x16xf32> to vector<16xf32>
        %mul3A_846 = vector.broadcast %squeeze3A_841 : f32 to vector<16xf32>
        %mul3A_847 = arith.mulf %get3A_845, %mul3A_846 : vector<16xf32>
        %swap3A_848 = arith.index_cast %add3A_839 : i32 to index
        %swap3A_849 = arith.constant 0 : index
        %swap3A_850 = tpu.vector_load %arg10[%swap3A_848, %swap3A_849] {strides = array<i32>} : memref<128x128xf32, #tpu.memory_space<vmem>>, vector<1x16xf32>,
        %swap3A_851 = vector.shape_cast %swap3A_850 : vector<1x16xf32> to vector<16xf32>
        %swap3A_852 = vector.shape_cast %mul3A_847 : vector<16xf32> to vector<1x16xf32>
        tpu.vector_store %arg10[%swap3A_848, %swap3A_849], %swap3A_852 {strides = array<i32>} : memref<128x128xf32, #tpu.memory_space<vmem>>, vector<1x16xf32>,
        %get3A_853 = arith.index_cast %add3A_839 : i32 to index
        %get3A_854 = arith.constant 16 : index
        %get3A_855 = tpu.vector_load %arg10[%get3A_853, %get3A_854] {strides = array<i32>} : memref<128x128xf32, #tpu.memory_space<vmem>>, vector<1x16xf32>,
        %get3A_856 = vector.shape_cast %get3A_855 : vector<1x16xf32> to vector<16xf32>
        %mul3A_857 = vector.broadcast %squeeze3A_841 : f32 to vector<16xf32>
        %mul3A_858 = arith.mulf %get3A_856, %mul3A_857 : vector<16xf32>
        %swap3A_859 = arith.index_cast %add3A_839 : i32 to index
        %swap3A_860 = arith.constant 16 : index
        %swap3A_861 = tpu.vector_load %arg10[%swap3A_859, %swap3A_860] {strides = array<i32>} : memref<128x128xf32, #tpu.memory_space<vmem>>, vector<1x16xf32>,
        %swap3A_862 = vector.shape_cast %swap3A_861 : vector<1x16xf32> to vector<16xf32>
        %swap3A_863 = vector.shape_cast %mul3A_858 : vector<16xf32> to vector<1x16xf32>
        tpu.vector_store %arg10[%swap3A_859, %swap3A_860], %swap3A_863 {strides = array<i32>} : memref<128x128xf32, #tpu.memory_space<vmem>>, vector<1x16xf32>,
        %get3A_864 = arith.index_cast %add3A_839 : i32 to index
        %get3A_865 = arith.constant 32 : index
        %get3A_866 = tpu.vector_load %arg10[%get3A_864, %get3A_865] {strides = array<i32>} : memref<128x128xf32, #tpu.memory_space<vmem>>, vector<1x16xf32>,
        %get3A_867 = vector.shape_cast %get3A_866 : vector<1x16xf32> to vector<16xf32>
        %mul3A_868 = vector.broadcast %squeeze3A_841 : f32 to vector<16xf32>
        %mul3A_869 = arith.mulf %get3A_867, %mul3A_868 : vector<16xf32>
        %swap3A_870 = arith.index_cast %add3A_839 : i32 to index
        %swap3A_871 = arith.constant 32 : index
        %swap3A_872 = tpu.vector_load %arg10[%swap3A_870, %swap3A_871] {strides = array<i32>} : memref<128x128xf32, #tpu.memory_space<vmem>>, vector<1x16xf32>,
        %swap3A_873 = vector.shape_cast %swap3A_872 : vector<1x16xf32> to vector<16xf32>
        %swap3A_874 = vector.shape_cast %mul3A_869 : vector<16xf32> to vector<1x16xf32>
        tpu.vector_store %arg10[%swap3A_870, %swap3A_871], %swap3A_874 {strides = array<i32>} : memref<128x128xf32, #tpu.memory_space<vmem>>, vector<1x16xf32>,
        %get3A_875 = arith.index_cast %add3A_839 : i32 to index
        %get3A_876 = arith.constant 48 : index
        %get3A_877 = tpu.vector_load %arg10[%get3A_875, %get3A_876] {strides = array<i32>} : memref<128x128xf32, #tpu.memory_space<vmem>>, vector<1x16xf32>,
        %get3A_878 = vector.shape_cast %get3A_877 : vector<1x16xf32> to vector<16xf32>
        %mul3A_879 = vector.broadcast %squeeze3A_841 : f32 to vector<16xf32>
        %mul3A_880 = arith.mulf %get3A_878, %mul3A_879 : vector<16xf32>
        %swap3A_881 = arith.index_cast %add3A_839 : i32 to index
        %swap3A_882 = arith.constant 48 : index
        %swap3A_883 = tpu.vector_load %arg10[%swap3A_881, %swap3A_882] {strides = array<i32>} : memref<128x128xf32, #tpu.memory_space<vmem>>, vector<1x16xf32>,
        %swap3A_884 = vector.shape_cast %swap3A_883 : vector<1x16xf32> to vector<16xf32>
        %swap3A_885 = vector.shape_cast %mul3A_880 : vector<16xf32> to vector<1x16xf32>
        tpu.vector_store %arg10[%swap3A_881, %swap3A_882], %swap3A_885 {strides = array<i32>} : memref<128x128xf32, #tpu.memory_space<vmem>>, vector<1x16xf32>,
        %get3A_886 = arith.index_cast %add3A_839 : i32 to index
        %get3A_887 = arith.constant 64 : index
        %get3A_888 = tpu.vector_load %arg10[%get3A_886, %get3A_887] {strides = array<i32>} : memref<128x128xf32, #tpu.memory_space<vmem>>, vector<1x16xf32>,
        %get3A_889 = vector.shape_cast %get3A_888 : vector<1x16xf32> to vector<16xf32>
        %mul3A_890 = vector.broadcast %squeeze3A_841 : f32 to vector<16xf32>
        %mul3A_891 = arith.mulf %get3A_889, %mul3A_890 : vector<16xf32>
        %swap3A_892 = arith.index_cast %add3A_839 : i32 to index
        %swap3A_893 = arith.constant 64 : index
        %swap3A_894 = tpu.vector_load %arg10[%swap3A_892, %swap3A_893] {strides = array<i32>} : memref<128x128xf32, #tpu.memory_space<vmem>>, vector<1x16xf32>,
        %swap3A_895 = vector.shape_cast %swap3A_894 : vector<1x16xf32> to vector<16xf32>
        %swap3A_896 = vector.shape_cast %mul3A_891 : vector<16xf32> to vector<1x16xf32>
        tpu.vector_store %arg10[%swap3A_892, %swap3A_893], %swap3A_896 {strides = array<i32>} : memref<128x128xf32, #tpu.memory_space<vmem>>, vector<1x16xf32>,
        %get3A_897 = arith.index_cast %add3A_839 : i32 to index
        %get3A_898 = arith.constant 80 : index
        %get3A_899 = tpu.vector_load %arg10[%get3A_897, %get3A_898] {strides = array<i32>} : memref<128x128xf32, #tpu.memory_space<vmem>>, vector<1x16xf32>,
        %get3A_900 = vector.shape_cast %get3A_899 : vector<1x16xf32> to vector<16xf32>
        %mul3A_901 = vector.broadcast %squeeze3A_841 : f32 to vector<16xf32>
        %mul3A_902 = arith.mulf %get3A_900, %mul3A_901 : vector<16xf32>
        %swap3A_903 = arith.index_cast %add3A_839 : i32 to index
        %swap3A_904 = arith.constant 80 : index
        %swap3A_905 = tpu.vector_load %arg10[%swap3A_903, %swap3A_904] {strides = array<i32>} : memref<128x128xf32, #tpu.memory_space<vmem>>, vector<1x16xf32>,
        %swap3A_906 = vector.shape_cast %swap3A_905 : vector<1x16xf32> to vector<16xf32>
        %swap3A_907 = vector.shape_cast %mul3A_902 : vector<16xf32> to vector<1x16xf32>
        tpu.vector_store %arg10[%swap3A_903, %swap3A_904], %swap3A_907 {strides = array<i32>} : memref<128x128xf32, #tpu.memory_space<vmem>>, vector<1x16xf32>,
        %get3A_908 = arith.index_cast %add3A_839 : i32 to index
        %get3A_909 = arith.constant 96 : index
        %get3A_910 = tpu.vector_load %arg10[%get3A_908, %get3A_909] {strides = array<i32>} : memref<128x128xf32, #tpu.memory_space<vmem>>, vector<1x16xf32>,
        %get3A_911 = vector.shape_cast %get3A_910 : vector<1x16xf32> to vector<16xf32>
        %mul3A_912 = vector.broadcast %squeeze3A_841 : f32 to vector<16xf32>
        %mul3A_913 = arith.mulf %get3A_911, %mul3A_912 : vector<16xf32>
        %swap3A_914 = arith.index_cast %add3A_839 : i32 to index
        %swap3A_915 = arith.constant 96 : index
        %swap3A_916 = tpu.vector_load %arg10[%swap3A_914, %swap3A_915] {strides = array<i32>} : memref<128x128xf32, #tpu.memory_space<vmem>>, vector<1x16xf32>,
        %swap3A_917 = vector.shape_cast %swap3A_916 : vector<1x16xf32> to vector<16xf32>
        %swap3A_918 = vector.shape_cast %mul3A_913 : vector<16xf32> to vector<1x16xf32>
        tpu.vector_store %arg10[%swap3A_914, %swap3A_915], %swap3A_918 {strides = array<i32>} : memref<128x128xf32, #tpu.memory_space<vmem>>, vector<1x16xf32>,
        %get3A_919 = arith.index_cast %add3A_839 : i32 to index
        %get3A_920 = arith.constant 112 : index
        %get3A_921 = tpu.vector_load %arg10[%get3A_919, %get3A_920] {strides = array<i32>} : memref<128x128xf32, #tpu.memory_space<vmem>>, vector<1x16xf32>,
        %get3A_922 = vector.shape_cast %get3A_921 : vector<1x16xf32> to vector<16xf32>
        %mul3A_923 = vector.broadcast %squeeze3A_841 : f32 to vector<16xf32>
        %mul3A_924 = arith.mulf %get3A_922, %mul3A_923 : vector<16xf32>
        %swap3A_925 = arith.index_cast %add3A_839 : i32 to index
        %swap3A_926 = arith.constant 112 : index
        %swap3A_927 = tpu.vector_load %arg10[%swap3A_925, %swap3A_926] {strides = array<i32>} : memref<128x128xf32, #tpu.memory_space<vmem>>, vector<1x16xf32>,
        %swap3A_928 = vector.shape_cast %swap3A_927 : vector<1x16xf32> to vector<16xf32>
        %swap3A_929 = vector.shape_cast %mul3A_924 : vector<16xf32> to vector<1x16xf32>
        tpu.vector_store %arg10[%swap3A_925, %swap3A_926], %swap3A_929 {strides = array<i32>} : memref<128x128xf32, #tpu.memory_space<vmem>>, vector<1x16xf32>,
        %mul3A_930 = arith.constant 16 : i32
        %mul3A_931 = arith.muli %scan3A_81, %mul3A_930 : i32
        %add3A_932 = arith.constant 9 : i32
        %add3A_933 = arith.addi %mul3A_931, %add3A_932 : i32
        %slice3A_934 = vector.extract_strided_slice %get3A_86 {offsets = [9], sizes = [1], strides = [1]} : vector<16xf32> to vector<1xf32>
        %squeeze3A_935 = vector.extract %slice3A_934[0] : f32 from vector<1xf32>
        %get3A_936 = arith.index_cast %add3A_933 : i32 to index
        %get3A_937 = arith.constant 0 : index
        %get3A_938 = tpu.vector_load %arg10[%get3A_936, %get3A_937] {strides = array<i32>} : memref<128x128xf32, #tpu.memory_space<vmem>>, vector<1x16xf32>,
        %get3A_939 = vector.shape_cast %get3A_938 : vector<1x16xf32> to vector<16xf32>
        %mul3A_940 = vector.broadcast %squeeze3A_935 : f32 to vector<16xf32>
        %mul3A_941 = arith.mulf %get3A_939, %mul3A_940 : vector<16xf32>
        %swap3A_942 = arith.index_cast %add3A_933 : i32 to index
        %swap3A_943 = arith.constant 0 : index
        %swap3A_944 = tpu.vector_load %arg10[%swap3A_942, %swap3A_943] {strides = array<i32>} : memref<128x128xf32, #tpu.memory_space<vmem>>, vector<1x16xf32>,
        %swap3A_945 = vector.shape_cast %swap3A_944 : vector<1x16xf32> to vector<16xf32>
        %swap3A_946 = vector.shape_cast %mul3A_941 : vector<16xf32> to vector<1x16xf32>
        tpu.vector_store %arg10[%swap3A_942, %swap3A_943], %swap3A_946 {strides = array<i32>} : memref<128x128xf32, #tpu.memory_space<vmem>>, vector<1x16xf32>,
        %get3A_947 = arith.index_cast %add3A_933 : i32 to index
        %get3A_948 = arith.constant 16 : index
        %get3A_949 = tpu.vector_load %arg10[%get3A_947, %get3A_948] {strides = array<i32>} : memref<128x128xf32, #tpu.memory_space<vmem>>, vector<1x16xf32>,
        %get3A_950 = vector.shape_cast %get3A_949 : vector<1x16xf32> to vector<16xf32>
        %mul3A_951 = vector.broadcast %squeeze3A_935 : f32 to vector<16xf32>
        %mul3A_952 = arith.mulf %get3A_950, %mul3A_951 : vector<16xf32>
        %swap3A_953 = arith.index_cast %add3A_933 : i32 to index
        %swap3A_954 = arith.constant 16 : index
        %swap3A_955 = tpu.vector_load %arg10[%swap3A_953, %swap3A_954] {strides = array<i32>} : memref<128x128xf32, #tpu.memory_space<vmem>>, vector<1x16xf32>,
        %swap3A_956 = vector.shape_cast %swap3A_955 : vector<1x16xf32> to vector<16xf32>
        %swap3A_957 = vector.shape_cast %mul3A_952 : vector<16xf32> to vector<1x16xf32>
        tpu.vector_store %arg10[%swap3A_953, %swap3A_954], %swap3A_957 {strides = array<i32>} : memref<128x128xf32, #tpu.memory_space<vmem>>, vector<1x16xf32>,
        %get3A_958 = arith.index_cast %add3A_933 : i32 to index
        %get3A_959 = arith.constant 32 : index
        %get3A_960 = tpu.vector_load %arg10[%get3A_958, %get3A_959] {strides = array<i32>} : memref<128x128xf32, #tpu.memory_space<vmem>>, vector<1x16xf32>,
        %get3A_961 = vector.shape_cast %get3A_960 : vector<1x16xf32> to vector<16xf32>
        %mul3A_962 = vector.broadcast %squeeze3A_935 : f32 to vector<16xf32>
        %mul3A_963 = arith.mulf %get3A_961, %mul3A_962 : vector<16xf32>
        %swap3A_964 = arith.index_cast %add3A_933 : i32 to index
        %swap3A_965 = arith.constant 32 : index
        %swap3A_966 = tpu.vector_load %arg10[%swap3A_964, %swap3A_965] {strides = array<i32>} : memref<128x128xf32, #tpu.memory_space<vmem>>, vector<1x16xf32>,
        %swap3A_967 = vector.shape_cast %swap3A_966 : vector<1x16xf32> to vector<16xf32>
        %swap3A_968 = vector.shape_cast %mul3A_963 : vector<16xf32> to vector<1x16xf32>
        tpu.vector_store %arg10[%swap3A_964, %swap3A_965], %swap3A_968 {strides = array<i32>} : memref<128x128xf32, #tpu.memory_space<vmem>>, vector<1x16xf32>,
        %get3A_969 = arith.index_cast %add3A_933 : i32 to index
        %get3A_970 = arith.constant 48 : index
        %get3A_971 = tpu.vector_load %arg10[%get3A_969, %get3A_970] {strides = array<i32>} : memref<128x128xf32, #tpu.memory_space<vmem>>, vector<1x16xf32>,
        %get3A_972 = vector.shape_cast %get3A_971 : vector<1x16xf32> to vector<16xf32>
        %mul3A_973 = vector.broadcast %squeeze3A_935 : f32 to vector<16xf32>
        %mul3A_974 = arith.mulf %get3A_972, %mul3A_973 : vector<16xf32>
        %swap3A_975 = arith.index_cast %add3A_933 : i32 to index
        %swap3A_976 = arith.constant 48 : index
        %swap3A_977 = tpu.vector_load %arg10[%swap3A_975, %swap3A_976] {strides = array<i32>} : memref<128x128xf32, #tpu.memory_space<vmem>>, vector<1x16xf32>,
        %swap3A_978 = vector.shape_cast %swap3A_977 : vector<1x16xf32> to vector<16xf32>
        %swap3A_979 = vector.shape_cast %mul3A_974 : vector<16xf32> to vector<1x16xf32>
        tpu.vector_store %arg10[%swap3A_975, %swap3A_976], %swap3A_979 {strides = array<i32>} : memref<128x128xf32, #tpu.memory_space<vmem>>, vector<1x16xf32>,
        %get3A_980 = arith.index_cast %add3A_933 : i32 to index
        %get3A_981 = arith.constant 64 : index
        %get3A_982 = tpu.vector_load %arg10[%get3A_980, %get3A_981] {strides = array<i32>} : memref<128x128xf32, #tpu.memory_space<vmem>>, vector<1x16xf32>,
        %get3A_983 = vector.shape_cast %get3A_982 : vector<1x16xf32> to vector<16xf32>
        %mul3A_984 = vector.broadcast %squeeze3A_935 : f32 to vector<16xf32>
        %mul3A_985 = arith.mulf %get3A_983, %mul3A_984 : vector<16xf32>
        %swap3A_986 = arith.index_cast %add3A_933 : i32 to index
        %swap3A_987 = arith.constant 64 : index
        %swap3A_988 = tpu.vector_load %arg10[%swap3A_986, %swap3A_987] {strides = array<i32>} : memref<128x128xf32, #tpu.memory_space<vmem>>, vector<1x16xf32>,
        %swap3A_989 = vector.shape_cast %swap3A_988 : vector<1x16xf32> to vector<16xf32>
        %swap3A_990 = vector.shape_cast %mul3A_985 : vector<16xf32> to vector<1x16xf32>
        tpu.vector_store %arg10[%swap3A_986, %swap3A_987], %swap3A_990 {strides = array<i32>} : memref<128x128xf32, #tpu.memory_space<vmem>>, vector<1x16xf32>,
        %get3A_991 = arith.index_cast %add3A_933 : i32 to index
        %get3A_992 = arith.constant 80 : index
        %get3A_993 = tpu.vector_load %arg10[%get3A_991, %get3A_992] {strides = array<i32>} : memref<128x128xf32, #tpu.memory_space<vmem>>, vector<1x16xf32>,
        %get3A_994 = vector.shape_cast %get3A_993 : vector<1x16xf32> to vector<16xf32>
        %mul3A_995 = vector.broadcast %squeeze3A_935 : f32 to vector<16xf32>
        %mul3A_996 = arith.mulf %get3A_994, %mul3A_995 : vector<16xf32>
        %swap3A_997 = arith.index_cast %add3A_933 : i32 to index
        %swap3A_998 = arith.constant 80 : index
        %swap3A_999 = tpu.vector_load %arg10[%swap3A_997, %swap3A_998] {strides = array<i32>} : memref<128x128xf32, #tpu.memory_space<vmem>>, vector<1x16xf32>,
        %swap3A_1000 = vector.shape_cast %swap3A_999 : vector<1x16xf32> to vector<16xf32>
        %swap3A_1001 = vector.shape_cast %mul3A_996 : vector<16xf32> to vector<1x16xf32>
        tpu.vector_store %arg10[%swap3A_997, %swap3A_998], %swap3A_1001 {strides = array<i32>} : memref<128x128xf32, #tpu.memory_space<vmem>>, vector<1x16xf32>,
        %get3A_1002 = arith.index_cast %add3A_933 : i32 to index
        %get3A_1003 = arith.constant 96 : index
        %get3A_1004 = tpu.vector_load %arg10[%get3A_1002, %get3A_1003] {strides = array<i32>} : memref<128x128xf32, #tpu.memory_space<vmem>>, vector<1x16xf32>,
        %get3A_1005 = vector.shape_cast %get3A_1004 : vector<1x16xf32> to vector<16xf32>
        %mul3A_1006 = vector.broadcast %squeeze3A_935 : f32 to vector<16xf32>
        %mul3A_1007 = arith.mulf %get3A_1005, %mul3A_1006 : vector<16xf32>
        %swap3A_1008 = arith.index_cast %add3A_933 : i32 to index
        %swap3A_1009 = arith.constant 96 : index
        %swap3A_1010 = tpu.vector_load %arg10[%swap3A_1008, %swap3A_1009] {strides = array<i32>} : memref<128x128xf32, #tpu.memory_space<vmem>>, vector<1x16xf32>,
        %swap3A_1011 = vector.shape_cast %swap3A_1010 : vector<1x16xf32> to vector<16xf32>
        %swap3A_1012 = vector.shape_cast %mul3A_1007 : vector<16xf32> to vector<1x16xf32>
        tpu.vector_store %arg10[%swap3A_1008, %swap3A_1009], %swap3A_1012 {strides = array<i32>} : memref<128x128xf32, #tpu.memory_space<vmem>>, vector<1x16xf32>,
        %get3A_1013 = arith.index_cast %add3A_933 : i32 to index
        %get3A_1014 = arith.constant 112 : index
        %get3A_1015 = tpu.vector_load %arg10[%get3A_1013, %get3A_1014] {strides = array<i32>} : memref<128x128xf32, #tpu.memory_space<vmem>>, vector<1x16xf32>,
        %get3A_1016 = vector.shape_cast %get3A_1015 : vector<1x16xf32> to vector<16xf32>
        %mul3A_1017 = vector.broadcast %squeeze3A_935 : f32 to vector<16xf32>
        %mul3A_1018 = arith.mulf %get3A_1016, %mul3A_1017 : vector<16xf32>
        %swap3A_1019 = arith.index_cast %add3A_933 : i32 to index
        %swap3A_1020 = arith.constant 112 : index
        %swap3A_1021 = tpu.vector_load %arg10[%swap3A_1019, %swap3A_1020] {strides = array<i32>} : memref<128x128xf32, #tpu.memory_space<vmem>>, vector<1x16xf32>,
        %swap3A_1022 = vector.shape_cast %swap3A_1021 : vector<1x16xf32> to vector<16xf32>
        %swap3A_1023 = vector.shape_cast %mul3A_1018 : vector<16xf32> to vector<1x16xf32>
        tpu.vector_store %arg10[%swap3A_1019, %swap3A_1020], %swap3A_1023 {strides = array<i32>} : memref<128x128xf32, #tpu.memory_space<vmem>>, vector<1x16xf32>,
        %mul3A_1024 = arith.constant 16 : i32
        %mul3A_1025 = arith.muli %scan3A_81, %mul3A_1024 : i32
        %add3A_1026 = arith.constant 10 : i32
        %add3A_1027 = arith.addi %mul3A_1025, %add3A_1026 : i32
        %slice3A_1028 = vector.extract_strided_slice %get3A_86 {offsets = [10], sizes = [1], strides = [1]} : vector<16xf32> to vector<1xf32>
        %squeeze3A_1029 = vector.extract %slice3A_1028[0] : f32 from vector<1xf32>
        %get3A_1030 = arith.index_cast %add3A_1027 : i32 to index
        %get3A_1031 = arith.constant 0 : index
        %get3A_1032 = tpu.vector_load %arg10[%get3A_1030, %get3A_1031] {strides = array<i32>} : memref<128x128xf32, #tpu.memory_space<vmem>>, vector<1x16xf32>,
        %get3A_1033 = vector.shape_cast %get3A_1032 : vector<1x16xf32> to vector<16xf32>
        %mul3A_1034 = vector.broadcast %squeeze3A_1029 : f32 to vector<16xf32>
        %mul3A_1035 = arith.mulf %get3A_1033, %mul3A_1034 : vector<16xf32>
        %swap3A_1036 = arith.index_cast %add3A_1027 : i32 to index
        %swap3A_1037 = arith.constant 0 : index
        %swap3A_1038 = tpu.vector_load %arg10[%swap3A_1036, %swap3A_1037] {strides = array<i32>} : memref<128x128xf32, #tpu.memory_space<vmem>>, vector<1x16xf32>,
        %swap3A_1039 = vector.shape_cast %swap3A_1038 : vector<1x16xf32> to vector<16xf32>
        %swap3A_1040 = vector.shape_cast %mul3A_1035 : vector<16xf32> to vector<1x16xf32>
        tpu.vector_store %arg10[%swap3A_1036, %swap3A_1037], %swap3A_1040 {strides = array<i32>} : memref<128x128xf32, #tpu.memory_space<vmem>>, vector<1x16xf32>,
        %get3A_1041 = arith.index_cast %add3A_1027 : i32 to index
        %get3A_1042 = arith.constant 16 : index
        %get3A_1043 = tpu.vector_load %arg10[%get3A_1041, %get3A_1042] {strides = array<i32>} : memref<128x128xf32, #tpu.memory_space<vmem>>, vector<1x16xf32>,
        %get3A_1044 = vector.shape_cast %get3A_1043 : vector<1x16xf32> to vector<16xf32>
        %mul3A_1045 = vector.broadcast %squeeze3A_1029 : f32 to vector<16xf32>
        %mul3A_1046 = arith.mulf %get3A_1044, %mul3A_1045 : vector<16xf32>
        %swap3A_1047 = arith.index_cast %add3A_1027 : i32 to index
        %swap3A_1048 = arith.constant 16 : index
        %swap3A_1049 = tpu.vector_load %arg10[%swap3A_1047, %swap3A_1048] {strides = array<i32>} : memref<128x128xf32, #tpu.memory_space<vmem>>, vector<1x16xf32>,
        %swap3A_1050 = vector.shape_cast %swap3A_1049 : vector<1x16xf32> to vector<16xf32>
        %swap3A_1051 = vector.shape_cast %mul3A_1046 : vector<16xf32> to vector<1x16xf32>
        tpu.vector_store %arg10[%swap3A_1047, %swap3A_1048], %swap3A_1051 {strides = array<i32>} : memref<128x128xf32, #tpu.memory_space<vmem>>, vector<1x16xf32>,
        %get3A_1052 = arith.index_cast %add3A_1027 : i32 to index
        %get3A_1053 = arith.constant 32 : index
        %get3A_1054 = tpu.vector_load %arg10[%get3A_1052, %get3A_1053] {strides = array<i32>} : memref<128x128xf32, #tpu.memory_space<vmem>>, vector<1x16xf32>,
        %get3A_1055 = vector.shape_cast %get3A_1054 : vector<1x16xf32> to vector<16xf32>
        %mul3A_1056 = vector.broadcast %squeeze3A_1029 : f32 to vector<16xf32>
        %mul3A_1057 = arith.mulf %get3A_1055, %mul3A_1056 : vector<16xf32>
        %swap3A_1058 = arith.index_cast %add3A_1027 : i32 to index
        %swap3A_1059 = arith.constant 32 : index
        %swap3A_1060 = tpu.vector_load %arg10[%swap3A_1058, %swap3A_1059] {strides = array<i32>} : memref<128x128xf32, #tpu.memory_space<vmem>>, vector<1x16xf32>,
        %swap3A_1061 = vector.shape_cast %swap3A_1060 : vector<1x16xf32> to vector<16xf32>
        %swap3A_1062 = vector.shape_cast %mul3A_1057 : vector<16xf32> to vector<1x16xf32>
        tpu.vector_store %arg10[%swap3A_1058, %swap3A_1059], %swap3A_1062 {strides = array<i32>} : memref<128x128xf32, #tpu.memory_space<vmem>>, vector<1x16xf32>,
        %get3A_1063 = arith.index_cast %add3A_1027 : i32 to index
        %get3A_1064 = arith.constant 48 : index
        %get3A_1065 = tpu.vector_load %arg10[%get3A_1063, %get3A_1064] {strides = array<i32>} : memref<128x128xf32, #tpu.memory_space<vmem>>, vector<1x16xf32>,
        %get3A_1066 = vector.shape_cast %get3A_1065 : vector<1x16xf32> to vector<16xf32>
        %mul3A_1067 = vector.broadcast %squeeze3A_1029 : f32 to vector<16xf32>
        %mul3A_1068 = arith.mulf %get3A_1066, %mul3A_1067 : vector<16xf32>
        %swap3A_1069 = arith.index_cast %add3A_1027 : i32 to index
        %swap3A_1070 = arith.constant 48 : index
        %swap3A_1071 = tpu.vector_load %arg10[%swap3A_1069, %swap3A_1070] {strides = array<i32>} : memref<128x128xf32, #tpu.memory_space<vmem>>, vector<1x16xf32>,
        %swap3A_1072 = vector.shape_cast %swap3A_1071 : vector<1x16xf32> to vector<16xf32>
        %swap3A_1073 = vector.shape_cast %mul3A_1068 : vector<16xf32> to vector<1x16xf32>
        tpu.vector_store %arg10[%swap3A_1069, %swap3A_1070], %swap3A_1073 {strides = array<i32>} : memref<128x128xf32, #tpu.memory_space<vmem>>, vector<1x16xf32>,
        %get3A_1074 = arith.index_cast %add3A_1027 : i32 to index
        %get3A_1075 = arith.constant 64 : index
        %get3A_1076 = tpu.vector_load %arg10[%get3A_1074, %get3A_1075] {strides = array<i32>} : memref<128x128xf32, #tpu.memory_space<vmem>>, vector<1x16xf32>,
        %get3A_1077 = vector.shape_cast %get3A_1076 : vector<1x16xf32> to vector<16xf32>
        %mul3A_1078 = vector.broadcast %squeeze3A_1029 : f32 to vector<16xf32>
        %mul3A_1079 = arith.mulf %get3A_1077, %mul3A_1078 : vector<16xf32>
        %swap3A_1080 = arith.index_cast %add3A_1027 : i32 to index
        %swap3A_1081 = arith.constant 64 : index
        %swap3A_1082 = tpu.vector_load %arg10[%swap3A_1080, %swap3A_1081] {strides = array<i32>} : memref<128x128xf32, #tpu.memory_space<vmem>>, vector<1x16xf32>,
        %swap3A_1083 = vector.shape_cast %swap3A_1082 : vector<1x16xf32> to vector<16xf32>
        %swap3A_1084 = vector.shape_cast %mul3A_1079 : vector<16xf32> to vector<1x16xf32>
        tpu.vector_store %arg10[%swap3A_1080, %swap3A_1081], %swap3A_1084 {strides = array<i32>} : memref<128x128xf32, #tpu.memory_space<vmem>>, vector<1x16xf32>,
        %get3A_1085 = arith.index_cast %add3A_1027 : i32 to index
        %get3A_1086 = arith.constant 80 : index
        %get3A_1087 = tpu.vector_load %arg10[%get3A_1085, %get3A_1086] {strides = array<i32>} : memref<128x128xf32, #tpu.memory_space<vmem>>, vector<1x16xf32>,
        %get3A_1088 = vector.shape_cast %get3A_1087 : vector<1x16xf32> to vector<16xf32>
        %mul3A_1089 = vector.broadcast %squeeze3A_1029 : f32 to vector<16xf32>
        %mul3A_1090 = arith.mulf %get3A_1088, %mul3A_1089 : vector<16xf32>
        %swap3A_1091 = arith.index_cast %add3A_1027 : i32 to index
        %swap3A_1092 = arith.constant 80 : index
        %swap3A_1093 = tpu.vector_load %arg10[%swap3A_1091, %swap3A_1092] {strides = array<i32>} : memref<128x128xf32, #tpu.memory_space<vmem>>, vector<1x16xf32>,
        %swap3A_1094 = vector.shape_cast %swap3A_1093 : vector<1x16xf32> to vector<16xf32>
        %swap3A_1095 = vector.shape_cast %mul3A_1090 : vector<16xf32> to vector<1x16xf32>
        tpu.vector_store %arg10[%swap3A_1091, %swap3A_1092], %swap3A_1095 {strides = array<i32>} : memref<128x128xf32, #tpu.memory_space<vmem>>, vector<1x16xf32>,
        %get3A_1096 = arith.index_cast %add3A_1027 : i32 to index
        %get3A_1097 = arith.constant 96 : index
        %get3A_1098 = tpu.vector_load %arg10[%get3A_1096, %get3A_1097] {strides = array<i32>} : memref<128x128xf32, #tpu.memory_space<vmem>>, vector<1x16xf32>,
        %get3A_1099 = vector.shape_cast %get3A_1098 : vector<1x16xf32> to vector<16xf32>
        %mul3A_1100 = vector.broadcast %squeeze3A_1029 : f32 to vector<16xf32>
        %mul3A_1101 = arith.mulf %get3A_1099, %mul3A_1100 : vector<16xf32>
        %swap3A_1102 = arith.index_cast %add3A_1027 : i32 to index
        %swap3A_1103 = arith.constant 96 : index
        %swap3A_1104 = tpu.vector_load %arg10[%swap3A_1102, %swap3A_1103] {strides = array<i32>} : memref<128x128xf32, #tpu.memory_space<vmem>>, vector<1x16xf32>,
        %swap3A_1105 = vector.shape_cast %swap3A_1104 : vector<1x16xf32> to vector<16xf32>
        %swap3A_1106 = vector.shape_cast %mul3A_1101 : vector<16xf32> to vector<1x16xf32>
        tpu.vector_store %arg10[%swap3A_1102, %swap3A_1103], %swap3A_1106 {strides = array<i32>} : memref<128x128xf32, #tpu.memory_space<vmem>>, vector<1x16xf32>,
        %get3A_1107 = arith.index_cast %add3A_1027 : i32 to index
        %get3A_1108 = arith.constant 112 : index
        %get3A_1109 = tpu.vector_load %arg10[%get3A_1107, %get3A_1108] {strides = array<i32>} : memref<128x128xf32, #tpu.memory_space<vmem>>, vector<1x16xf32>,
        %get3A_1110 = vector.shape_cast %get3A_1109 : vector<1x16xf32> to vector<16xf32>
        %mul3A_1111 = vector.broadcast %squeeze3A_1029 : f32 to vector<16xf32>
        %mul3A_1112 = arith.mulf %get3A_1110, %mul3A_1111 : vector<16xf32>
        %swap3A_1113 = arith.index_cast %add3A_1027 : i32 to index
        %swap3A_1114 = arith.constant 112 : index
        %swap3A_1115 = tpu.vector_load %arg10[%swap3A_1113, %swap3A_1114] {strides = array<i32>} : memref<128x128xf32, #tpu.memory_space<vmem>>, vector<1x16xf32>,
        %swap3A_1116 = vector.shape_cast %swap3A_1115 : vector<1x16xf32> to vector<16xf32>
        %swap3A_1117 = vector.shape_cast %mul3A_1112 : vector<16xf32> to vector<1x16xf32>
        tpu.vector_store %arg10[%swap3A_1113, %swap3A_1114], %swap3A_1117 {strides = array<i32>} : memref<128x128xf32, #tpu.memory_space<vmem>>, vector<1x16xf32>,
        %mul3A_1118 = arith.constant 16 : i32
        %mul3A_1119 = arith.muli %scan3A_81, %mul3A_1118 : i32
        %add3A_1120 = arith.constant 11 : i32
        %add3A_1121 = arith.addi %mul3A_1119, %add3A_1120 : i32
        %slice3A_1122 = vector.extract_strided_slice %get3A_86 {offsets = [11], sizes = [1], strides = [1]} : vector<16xf32> to vector<1xf32>
        %squeeze3A_1123 = vector.extract %slice3A_1122[0] : f32 from vector<1xf32>
        %get3A_1124 = arith.index_cast %add3A_1121 : i32 to index
        %get3A_1125 = arith.constant 0 : index
        %get3A_1126 = tpu.vector_load %arg10[%get3A_1124, %get3A_1125] {strides = array<i32>} : memref<128x128xf32, #tpu.memory_space<vmem>>, vector<1x16xf32>,
        %get3A_1127 = vector.shape_cast %get3A_1126 : vector<1x16xf32> to vector<16xf32>
        %mul3A_1128 = vector.broadcast %squeeze3A_1123 : f32 to vector<16xf32>
        %mul3A_1129 = arith.mulf %get3A_1127, %mul3A_1128 : vector<16xf32>
        %swap3A_1130 = arith.index_cast %add3A_1121 : i32 to index
        %swap3A_1131 = arith.constant 0 : index
        %swap3A_1132 = tpu.vector_load %arg10[%swap3A_1130, %swap3A_1131] {strides = array<i32>} : memref<128x128xf32, #tpu.memory_space<vmem>>, vector<1x16xf32>,
        %swap3A_1133 = vector.shape_cast %swap3A_1132 : vector<1x16xf32> to vector<16xf32>
        %swap3A_1134 = vector.shape_cast %mul3A_1129 : vector<16xf32> to vector<1x16xf32>
        tpu.vector_store %arg10[%swap3A_1130, %swap3A_1131], %swap3A_1134 {strides = array<i32>} : memref<128x128xf32, #tpu.memory_space<vmem>>, vector<1x16xf32>,
        %get3A_1135 = arith.index_cast %add3A_1121 : i32 to index
        %get3A_1136 = arith.constant 16 : index
        %get3A_1137 = tpu.vector_load %arg10[%get3A_1135, %get3A_1136] {strides = array<i32>} : memref<128x128xf32, #tpu.memory_space<vmem>>, vector<1x16xf32>,
        %get3A_1138 = vector.shape_cast %get3A_1137 : vector<1x16xf32> to vector<16xf32>
        %mul3A_1139 = vector.broadcast %squeeze3A_1123 : f32 to vector<16xf32>
        %mul3A_1140 = arith.mulf %get3A_1138, %mul3A_1139 : vector<16xf32>
        %swap3A_1141 = arith.index_cast %add3A_1121 : i32 to index
        %swap3A_1142 = arith.constant 16 : index
        %swap3A_1143 = tpu.vector_load %arg10[%swap3A_1141, %swap3A_1142] {strides = array<i32>} : memref<128x128xf32, #tpu.memory_space<vmem>>, vector<1x16xf32>,
        %swap3A_1144 = vector.shape_cast %swap3A_1143 : vector<1x16xf32> to vector<16xf32>
        %swap3A_1145 = vector.shape_cast %mul3A_1140 : vector<16xf32> to vector<1x16xf32>
        tpu.vector_store %arg10[%swap3A_1141, %swap3A_1142], %swap3A_1145 {strides = array<i32>} : memref<128x128xf32, #tpu.memory_space<vmem>>, vector<1x16xf32>,
        %get3A_1146 = arith.index_cast %add3A_1121 : i32 to index
        %get3A_1147 = arith.constant 32 : index
        %get3A_1148 = tpu.vector_load %arg10[%get3A_1146, %get3A_1147] {strides = array<i32>} : memref<128x128xf32, #tpu.memory_space<vmem>>, vector<1x16xf32>,
        %get3A_1149 = vector.shape_cast %get3A_1148 : vector<1x16xf32> to vector<16xf32>
        %mul3A_1150 = vector.broadcast %squeeze3A_1123 : f32 to vector<16xf32>
        %mul3A_1151 = arith.mulf %get3A_1149, %mul3A_1150 : vector<16xf32>
        %swap3A_1152 = arith.index_cast %add3A_1121 : i32 to index
        %swap3A_1153 = arith.constant 32 : index
        %swap3A_1154 = tpu.vector_load %arg10[%swap3A_1152, %swap3A_1153] {strides = array<i32>} : memref<128x128xf32, #tpu.memory_space<vmem>>, vector<1x16xf32>,
        %swap3A_1155 = vector.shape_cast %swap3A_1154 : vector<1x16xf32> to vector<16xf32>
        %swap3A_1156 = vector.shape_cast %mul3A_1151 : vector<16xf32> to vector<1x16xf32>
        tpu.vector_store %arg10[%swap3A_1152, %swap3A_1153], %swap3A_1156 {strides = array<i32>} : memref<128x128xf32, #tpu.memory_space<vmem>>, vector<1x16xf32>,
        %get3A_1157 = arith.index_cast %add3A_1121 : i32 to index
        %get3A_1158 = arith.constant 48 : index
        %get3A_1159 = tpu.vector_load %arg10[%get3A_1157, %get3A_1158] {strides = array<i32>} : memref<128x128xf32, #tpu.memory_space<vmem>>, vector<1x16xf32>,
        %get3A_1160 = vector.shape_cast %get3A_1159 : vector<1x16xf32> to vector<16xf32>
        %mul3A_1161 = vector.broadcast %squeeze3A_1123 : f32 to vector<16xf32>
        %mul3A_1162 = arith.mulf %get3A_1160, %mul3A_1161 : vector<16xf32>
        %swap3A_1163 = arith.index_cast %add3A_1121 : i32 to index
        %swap3A_1164 = arith.constant 48 : index
        %swap3A_1165 = tpu.vector_load %arg10[%swap3A_1163, %swap3A_1164] {strides = array<i32>} : memref<128x128xf32, #tpu.memory_space<vmem>>, vector<1x16xf32>,
        %swap3A_1166 = vector.shape_cast %swap3A_1165 : vector<1x16xf32> to vector<16xf32>
        %swap3A_1167 = vector.shape_cast %mul3A_1162 : vector<16xf32> to vector<1x16xf32>
        tpu.vector_store %arg10[%swap3A_1163, %swap3A_1164], %swap3A_1167 {strides = array<i32>} : memref<128x128xf32, #tpu.memory_space<vmem>>, vector<1x16xf32>,
        %get3A_1168 = arith.index_cast %add3A_1121 : i32 to index
        %get3A_1169 = arith.constant 64 : index
        %get3A_1170 = tpu.vector_load %arg10[%get3A_1168, %get3A_1169] {strides = array<i32>} : memref<128x128xf32, #tpu.memory_space<vmem>>, vector<1x16xf32>,
        %get3A_1171 = vector.shape_cast %get3A_1170 : vector<1x16xf32> to vector<16xf32>
        %mul3A_1172 = vector.broadcast %squeeze3A_1123 : f32 to vector<16xf32>
        %mul3A_1173 = arith.mulf %get3A_1171, %mul3A_1172 : vector<16xf32>
        %swap3A_1174 = arith.index_cast %add3A_1121 : i32 to index
        %swap3A_1175 = arith.constant 64 : index
        %swap3A_1176 = tpu.vector_load %arg10[%swap3A_1174, %swap3A_1175] {strides = array<i32>} : memref<128x128xf32, #tpu.memory_space<vmem>>, vector<1x16xf32>,
        %swap3A_1177 = vector.shape_cast %swap3A_1176 : vector<1x16xf32> to vector<16xf32>
        %swap3A_1178 = vector.shape_cast %mul3A_1173 : vector<16xf32> to vector<1x16xf32>
        tpu.vector_store %arg10[%swap3A_1174, %swap3A_1175], %swap3A_1178 {strides = array<i32>} : memref<128x128xf32, #tpu.memory_space<vmem>>, vector<1x16xf32>,
        %get3A_1179 = arith.index_cast %add3A_1121 : i32 to index
        %get3A_1180 = arith.constant 80 : index
        %get3A_1181 = tpu.vector_load %arg10[%get3A_1179, %get3A_1180] {strides = array<i32>} : memref<128x128xf32, #tpu.memory_space<vmem>>, vector<1x16xf32>,
        %get3A_1182 = vector.shape_cast %get3A_1181 : vector<1x16xf32> to vector<16xf32>
        %mul3A_1183 = vector.broadcast %squeeze3A_1123 : f32 to vector<16xf32>
        %mul3A_1184 = arith.mulf %get3A_1182, %mul3A_1183 : vector<16xf32>
        %swap3A_1185 = arith.index_cast %add3A_1121 : i32 to index
        %swap3A_1186 = arith.constant 80 : index
        %swap3A_1187 = tpu.vector_load %arg10[%swap3A_1185, %swap3A_1186] {strides = array<i32>} : memref<128x128xf32, #tpu.memory_space<vmem>>, vector<1x16xf32>,
        %swap3A_1188 = vector.shape_cast %swap3A_1187 : vector<1x16xf32> to vector<16xf32>
        %swap3A_1189 = vector.shape_cast %mul3A_1184 : vector<16xf32> to vector<1x16xf32>
        tpu.vector_store %arg10[%swap3A_1185, %swap3A_1186], %swap3A_1189 {strides = array<i32>} : memref<128x128xf32, #tpu.memory_space<vmem>>, vector<1x16xf32>,
        %get3A_1190 = arith.index_cast %add3A_1121 : i32 to index
        %get3A_1191 = arith.constant 96 : index
        %get3A_1192 = tpu.vector_load %arg10[%get3A_1190, %get3A_1191] {strides = array<i32>} : memref<128x128xf32, #tpu.memory_space<vmem>>, vector<1x16xf32>,
        %get3A_1193 = vector.shape_cast %get3A_1192 : vector<1x16xf32> to vector<16xf32>
        %mul3A_1194 = vector.broadcast %squeeze3A_1123 : f32 to vector<16xf32>
        %mul3A_1195 = arith.mulf %get3A_1193, %mul3A_1194 : vector<16xf32>
        %swap3A_1196 = arith.index_cast %add3A_1121 : i32 to index
        %swap3A_1197 = arith.constant 96 : index
        %swap3A_1198 = tpu.vector_load %arg10[%swap3A_1196, %swap3A_1197] {strides = array<i32>} : memref<128x128xf32, #tpu.memory_space<vmem>>, vector<1x16xf32>,
        %swap3A_1199 = vector.shape_cast %swap3A_1198 : vector<1x16xf32> to vector<16xf32>
        %swap3A_1200 = vector.shape_cast %mul3A_1195 : vector<16xf32> to vector<1x16xf32>
        tpu.vector_store %arg10[%swap3A_1196, %swap3A_1197], %swap3A_1200 {strides = array<i32>} : memref<128x128xf32, #tpu.memory_space<vmem>>, vector<1x16xf32>,
        %get3A_1201 = arith.index_cast %add3A_1121 : i32 to index
        %get3A_1202 = arith.constant 112 : index
        %get3A_1203 = tpu.vector_load %arg10[%get3A_1201, %get3A_1202] {strides = array<i32>} : memref<128x128xf32, #tpu.memory_space<vmem>>, vector<1x16xf32>,
        %get3A_1204 = vector.shape_cast %get3A_1203 : vector<1x16xf32> to vector<16xf32>
        %mul3A_1205 = vector.broadcast %squeeze3A_1123 : f32 to vector<16xf32>
        %mul3A_1206 = arith.mulf %get3A_1204, %mul3A_1205 : vector<16xf32>
        %swap3A_1207 = arith.index_cast %add3A_1121 : i32 to index
        %swap3A_1208 = arith.constant 112 : index
        %swap3A_1209 = tpu.vector_load %arg10[%swap3A_1207, %swap3A_1208] {strides = array<i32>} : memref<128x128xf32, #tpu.memory_space<vmem>>, vector<1x16xf32>,
        %swap3A_1210 = vector.shape_cast %swap3A_1209 : vector<1x16xf32> to vector<16xf32>
        %swap3A_1211 = vector.shape_cast %mul3A_1206 : vector<16xf32> to vector<1x16xf32>
        tpu.vector_store %arg10[%swap3A_1207, %swap3A_1208], %swap3A_1211 {strides = array<i32>} : memref<128x128xf32, #tpu.memory_space<vmem>>, vector<1x16xf32>,
        %mul3A_1212 = arith.constant 16 : i32
        %mul3A_1213 = arith.muli %scan3A_81, %mul3A_1212 : i32
        %add3A_1214 = arith.constant 12 : i32
        %add3A_1215 = arith.addi %mul3A_1213, %add3A_1214 : i32
        %slice3A_1216 = vector.extract_strided_slice %get3A_86 {offsets = [12], sizes = [1], strides = [1]} : vector<16xf32> to vector<1xf32>
        %squeeze3A_1217 = vector.extract %slice3A_1216[0] : f32 from vector<1xf32>
        %get3A_1218 = arith.index_cast %add3A_1215 : i32 to index
        %get3A_1219 = arith.constant 0 : index
        %get3A_1220 = tpu.vector_load %arg10[%get3A_1218, %get3A_1219] {strides = array<i32>} : memref<128x128xf32, #tpu.memory_space<vmem>>, vector<1x16xf32>,
        %get3A_1221 = vector.shape_cast %get3A_1220 : vector<1x16xf32> to vector<16xf32>
        %mul3A_1222 = vector.broadcast %squeeze3A_1217 : f32 to vector<16xf32>
        %mul3A_1223 = arith.mulf %get3A_1221, %mul3A_1222 : vector<16xf32>
        %swap3A_1224 = arith.index_cast %add3A_1215 : i32 to index
        %swap3A_1225 = arith.constant 0 : index
        %swap3A_1226 = tpu.vector_load %arg10[%swap3A_1224, %swap3A_1225] {strides = array<i32>} : memref<128x128xf32, #tpu.memory_space<vmem>>, vector<1x16xf32>,
        %swap3A_1227 = vector.shape_cast %swap3A_1226 : vector<1x16xf32> to vector<16xf32>
        %swap3A_1228 = vector.shape_cast %mul3A_1223 : vector<16xf32> to vector<1x16xf32>
        tpu.vector_store %arg10[%swap3A_1224, %swap3A_1225], %swap3A_1228 {strides = array<i32>} : memref<128x128xf32, #tpu.memory_space<vmem>>, vector<1x16xf32>,
        %get3A_1229 = arith.index_cast %add3A_1215 : i32 to index
        %get3A_1230 = arith.constant 16 : index
        %get3A_1231 = tpu.vector_load %arg10[%get3A_1229, %get3A_1230] {strides = array<i32>} : memref<128x128xf32, #tpu.memory_space<vmem>>, vector<1x16xf32>,
        %get3A_1232 = vector.shape_cast %get3A_1231 : vector<1x16xf32> to vector<16xf32>
        %mul3A_1233 = vector.broadcast %squeeze3A_1217 : f32 to vector<16xf32>
        %mul3A_1234 = arith.mulf %get3A_1232, %mul3A_1233 : vector<16xf32>
        %swap3A_1235 = arith.index_cast %add3A_1215 : i32 to index
        %swap3A_1236 = arith.constant 16 : index
        %swap3A_1237 = tpu.vector_load %arg10[%swap3A_1235, %swap3A_1236] {strides = array<i32>} : memref<128x128xf32, #tpu.memory_space<vmem>>, vector<1x16xf32>,
        %swap3A_1238 = vector.shape_cast %swap3A_1237 : vector<1x16xf32> to vector<16xf32>
        %swap3A_1239 = vector.shape_cast %mul3A_1234 : vector<16xf32> to vector<1x16xf32>
        tpu.vector_store %arg10[%swap3A_1235, %swap3A_1236], %swap3A_1239 {strides = array<i32>} : memref<128x128xf32, #tpu.memory_space<vmem>>, vector<1x16xf32>,
        %get3A_1240 = arith.index_cast %add3A_1215 : i32 to index
        %get3A_1241 = arith.constant 32 : index
        %get3A_1242 = tpu.vector_load %arg10[%get3A_1240, %get3A_1241] {strides = array<i32>} : memref<128x128xf32, #tpu.memory_space<vmem>>, vector<1x16xf32>,
        %get3A_1243 = vector.shape_cast %get3A_1242 : vector<1x16xf32> to vector<16xf32>
        %mul3A_1244 = vector.broadcast %squeeze3A_1217 : f32 to vector<16xf32>
        %mul3A_1245 = arith.mulf %get3A_1243, %mul3A_1244 : vector<16xf32>
        %swap3A_1246 = arith.index_cast %add3A_1215 : i32 to index
        %swap3A_1247 = arith.constant 32 : index
        %swap3A_1248 = tpu.vector_load %arg10[%swap3A_1246, %swap3A_1247] {strides = array<i32>} : memref<128x128xf32, #tpu.memory_space<vmem>>, vector<1x16xf32>,
        %swap3A_1249 = vector.shape_cast %swap3A_1248 : vector<1x16xf32> to vector<16xf32>
        %swap3A_1250 = vector.shape_cast %mul3A_1245 : vector<16xf32> to vector<1x16xf32>
        tpu.vector_store %arg10[%swap3A_1246, %swap3A_1247], %swap3A_1250 {strides = array<i32>} : memref<128x128xf32, #tpu.memory_space<vmem>>, vector<1x16xf32>,
        %get3A_1251 = arith.index_cast %add3A_1215 : i32 to index
        %get3A_1252 = arith.constant 48 : index
        %get3A_1253 = tpu.vector_load %arg10[%get3A_1251, %get3A_1252] {strides = array<i32>} : memref<128x128xf32, #tpu.memory_space<vmem>>, vector<1x16xf32>,
        %get3A_1254 = vector.shape_cast %get3A_1253 : vector<1x16xf32> to vector<16xf32>
        %mul3A_1255 = vector.broadcast %squeeze3A_1217 : f32 to vector<16xf32>
        %mul3A_1256 = arith.mulf %get3A_1254, %mul3A_1255 : vector<16xf32>
        %swap3A_1257 = arith.index_cast %add3A_1215 : i32 to index
        %swap3A_1258 = arith.constant 48 : index
        %swap3A_1259 = tpu.vector_load %arg10[%swap3A_1257, %swap3A_1258] {strides = array<i32>} : memref<128x128xf32, #tpu.memory_space<vmem>>, vector<1x16xf32>,
        %swap3A_1260 = vector.shape_cast %swap3A_1259 : vector<1x16xf32> to vector<16xf32>
        %swap3A_1261 = vector.shape_cast %mul3A_1256 : vector<16xf32> to vector<1x16xf32>
        tpu.vector_store %arg10[%swap3A_1257, %swap3A_1258], %swap3A_1261 {strides = array<i32>} : memref<128x128xf32, #tpu.memory_space<vmem>>, vector<1x16xf32>,
        %get3A_1262 = arith.index_cast %add3A_1215 : i32 to index
        %get3A_1263 = arith.constant 64 : index
        %get3A_1264 = tpu.vector_load %arg10[%get3A_1262, %get3A_1263] {strides = array<i32>} : memref<128x128xf32, #tpu.memory_space<vmem>>, vector<1x16xf32>,
        %get3A_1265 = vector.shape_cast %get3A_1264 : vector<1x16xf32> to vector<16xf32>
        %mul3A_1266 = vector.broadcast %squeeze3A_1217 : f32 to vector<16xf32>
        %mul3A_1267 = arith.mulf %get3A_1265, %mul3A_1266 : vector<16xf32>
        %swap3A_1268 = arith.index_cast %add3A_1215 : i32 to index
        %swap3A_1269 = arith.constant 64 : index
        %swap3A_1270 = tpu.vector_load %arg10[%swap3A_1268, %swap3A_1269] {strides = array<i32>} : memref<128x128xf32, #tpu.memory_space<vmem>>, vector<1x16xf32>,
        %swap3A_1271 = vector.shape_cast %swap3A_1270 : vector<1x16xf32> to vector<16xf32>
        %swap3A_1272 = vector.shape_cast %mul3A_1267 : vector<16xf32> to vector<1x16xf32>
        tpu.vector_store %arg10[%swap3A_1268, %swap3A_1269], %swap3A_1272 {strides = array<i32>} : memref<128x128xf32, #tpu.memory_space<vmem>>, vector<1x16xf32>,
        %get3A_1273 = arith.index_cast %add3A_1215 : i32 to index
        %get3A_1274 = arith.constant 80 : index
        %get3A_1275 = tpu.vector_load %arg10[%get3A_1273, %get3A_1274] {strides = array<i32>} : memref<128x128xf32, #tpu.memory_space<vmem>>, vector<1x16xf32>,
        %get3A_1276 = vector.shape_cast %get3A_1275 : vector<1x16xf32> to vector<16xf32>
        %mul3A_1277 = vector.broadcast %squeeze3A_1217 : f32 to vector<16xf32>
        %mul3A_1278 = arith.mulf %get3A_1276, %mul3A_1277 : vector<16xf32>
        %swap3A_1279 = arith.index_cast %add3A_1215 : i32 to index
        %swap3A_1280 = arith.constant 80 : index
        %swap3A_1281 = tpu.vector_load %arg10[%swap3A_1279, %swap3A_1280] {strides = array<i32>} : memref<128x128xf32, #tpu.memory_space<vmem>>, vector<1x16xf32>,
        %swap3A_1282 = vector.shape_cast %swap3A_1281 : vector<1x16xf32> to vector<16xf32>
        %swap3A_1283 = vector.shape_cast %mul3A_1278 : vector<16xf32> to vector<1x16xf32>
        tpu.vector_store %arg10[%swap3A_1279, %swap3A_1280], %swap3A_1283 {strides = array<i32>} : memref<128x128xf32, #tpu.memory_space<vmem>>, vector<1x16xf32>,
        %get3A_1284 = arith.index_cast %add3A_1215 : i32 to index
        %get3A_1285 = arith.constant 96 : index
        %get3A_1286 = tpu.vector_load %arg10[%get3A_1284, %get3A_1285] {strides = array<i32>} : memref<128x128xf32, #tpu.memory_space<vmem>>, vector<1x16xf32>,
        %get3A_1287 = vector.shape_cast %get3A_1286 : vector<1x16xf32> to vector<16xf32>
        %mul3A_1288 = vector.broadcast %squeeze3A_1217 : f32 to vector<16xf32>
        %mul3A_1289 = arith.mulf %get3A_1287, %mul3A_1288 : vector<16xf32>
        %swap3A_1290 = arith.index_cast %add3A_1215 : i32 to index
        %swap3A_1291 = arith.constant 96 : index
        %swap3A_1292 = tpu.vector_load %arg10[%swap3A_1290, %swap3A_1291] {strides = array<i32>} : memref<128x128xf32, #tpu.memory_space<vmem>>, vector<1x16xf32>,
        %swap3A_1293 = vector.shape_cast %swap3A_1292 : vector<1x16xf32> to vector<16xf32>
        %swap3A_1294 = vector.shape_cast %mul3A_1289 : vector<16xf32> to vector<1x16xf32>
        tpu.vector_store %arg10[%swap3A_1290, %swap3A_1291], %swap3A_1294 {strides = array<i32>} : memref<128x128xf32, #tpu.memory_space<vmem>>, vector<1x16xf32>,
        %get3A_1295 = arith.index_cast %add3A_1215 : i32 to index
        %get3A_1296 = arith.constant 112 : index
        %get3A_1297 = tpu.vector_load %arg10[%get3A_1295, %get3A_1296] {strides = array<i32>} : memref<128x128xf32, #tpu.memory_space<vmem>>, vector<1x16xf32>,
        %get3A_1298 = vector.shape_cast %get3A_1297 : vector<1x16xf32> to vector<16xf32>
        %mul3A_1299 = vector.broadcast %squeeze3A_1217 : f32 to vector<16xf32>
        %mul3A_1300 = arith.mulf %get3A_1298, %mul3A_1299 : vector<16xf32>
        %swap3A_1301 = arith.index_cast %add3A_1215 : i32 to index
        %swap3A_1302 = arith.constant 112 : index
        %swap3A_1303 = tpu.vector_load %arg10[%swap3A_1301, %swap3A_1302] {strides = array<i32>} : memref<128x128xf32, #tpu.memory_space<vmem>>, vector<1x16xf32>,
        %swap3A_1304 = vector.shape_cast %swap3A_1303 : vector<1x16xf32> to vector<16xf32>
        %swap3A_1305 = vector.shape_cast %mul3A_1300 : vector<16xf32> to vector<1x16xf32>
        tpu.vector_store %arg10[%swap3A_1301, %swap3A_1302], %swap3A_1305 {strides = array<i32>} : memref<128x128xf32, #tpu.memory_space<vmem>>, vector<1x16xf32>,
        %mul3A_1306 = arith.constant 16 : i32
        %mul3A_1307 = arith.muli %scan3A_81, %mul3A_1306 : i32
        %add3A_1308 = arith.constant 13 : i32
        %add3A_1309 = arith.addi %mul3A_1307, %add3A_1308 : i32
        %slice3A_1310 = vector.extract_strided_slice %get3A_86 {offsets = [13], sizes = [1], strides = [1]} : vector<16xf32> to vector<1xf32>
        %squeeze3A_1311 = vector.extract %slice3A_1310[0] : f32 from vector<1xf32>
        %get3A_1312 = arith.index_cast %add3A_1309 : i32 to index
        %get3A_1313 = arith.constant 0 : index
        %get3A_1314 = tpu.vector_load %arg10[%get3A_1312, %get3A_1313] {strides = array<i32>} : memref<128x128xf32, #tpu.memory_space<vmem>>, vector<1x16xf32>,
        %get3A_1315 = vector.shape_cast %get3A_1314 : vector<1x16xf32> to vector<16xf32>
        %mul3A_1316 = vector.broadcast %squeeze3A_1311 : f32 to vector<16xf32>
        %mul3A_1317 = arith.mulf %get3A_1315, %mul3A_1316 : vector<16xf32>
        %swap3A_1318 = arith.index_cast %add3A_1309 : i32 to index
        %swap3A_1319 = arith.constant 0 : index
        %swap3A_1320 = tpu.vector_load %arg10[%swap3A_1318, %swap3A_1319] {strides = array<i32>} : memref<128x128xf32, #tpu.memory_space<vmem>>, vector<1x16xf32>,
        %swap3A_1321 = vector.shape_cast %swap3A_1320 : vector<1x16xf32> to vector<16xf32>
        %swap3A_1322 = vector.shape_cast %mul3A_1317 : vector<16xf32> to vector<1x16xf32>
        tpu.vector_store %arg10[%swap3A_1318, %swap3A_1319], %swap3A_1322 {strides = array<i32>} : memref<128x128xf32, #tpu.memory_space<vmem>>, vector<1x16xf32>,
        %get3A_1323 = arith.index_cast %add3A_1309 : i32 to index
        %get3A_1324 = arith.constant 16 : index
        %get3A_1325 = tpu.vector_load %arg10[%get3A_1323, %get3A_1324] {strides = array<i32>} : memref<128x128xf32, #tpu.memory_space<vmem>>, vector<1x16xf32>,
        %get3A_1326 = vector.shape_cast %get3A_1325 : vector<1x16xf32> to vector<16xf32>
        %mul3A_1327 = vector.broadcast %squeeze3A_1311 : f32 to vector<16xf32>
        %mul3A_1328 = arith.mulf %get3A_1326, %mul3A_1327 : vector<16xf32>
        %swap3A_1329 = arith.index_cast %add3A_1309 : i32 to index
        %swap3A_1330 = arith.constant 16 : index
        %swap3A_1331 = tpu.vector_load %arg10[%swap3A_1329, %swap3A_1330] {strides = array<i32>} : memref<128x128xf32, #tpu.memory_space<vmem>>, vector<1x16xf32>,
        %swap3A_1332 = vector.shape_cast %swap3A_1331 : vector<1x16xf32> to vector<16xf32>
        %swap3A_1333 = vector.shape_cast %mul3A_1328 : vector<16xf32> to vector<1x16xf32>
        tpu.vector_store %arg10[%swap3A_1329, %swap3A_1330], %swap3A_1333 {strides = array<i32>} : memref<128x128xf32, #tpu.memory_space<vmem>>, vector<1x16xf32>,
        %get3A_1334 = arith.index_cast %add3A_1309 : i32 to index
        %get3A_1335 = arith.constant 32 : index
        %get3A_1336 = tpu.vector_load %arg10[%get3A_1334, %get3A_1335] {strides = array<i32>} : memref<128x128xf32, #tpu.memory_space<vmem>>, vector<1x16xf32>,
        %get3A_1337 = vector.shape_cast %get3A_1336 : vector<1x16xf32> to vector<16xf32>
        %mul3A_1338 = vector.broadcast %squeeze3A_1311 : f32 to vector<16xf32>
        %mul3A_1339 = arith.mulf %get3A_1337, %mul3A_1338 : vector<16xf32>
        %swap3A_1340 = arith.index_cast %add3A_1309 : i32 to index
        %swap3A_1341 = arith.constant 32 : index
        %swap3A_1342 = tpu.vector_load %arg10[%swap3A_1340, %swap3A_1341] {strides = array<i32>} : memref<128x128xf32, #tpu.memory_space<vmem>>, vector<1x16xf32>,
        %swap3A_1343 = vector.shape_cast %swap3A_1342 : vector<1x16xf32> to vector<16xf32>
        %swap3A_1344 = vector.shape_cast %mul3A_1339 : vector<16xf32> to vector<1x16xf32>
        tpu.vector_store %arg10[%swap3A_1340, %swap3A_1341], %swap3A_1344 {strides = array<i32>} : memref<128x128xf32, #tpu.memory_space<vmem>>, vector<1x16xf32>,
        %get3A_1345 = arith.index_cast %add3A_1309 : i32 to index
        %get3A_1346 = arith.constant 48 : index
        %get3A_1347 = tpu.vector_load %arg10[%get3A_1345, %get3A_1346] {strides = array<i32>} : memref<128x128xf32, #tpu.memory_space<vmem>>, vector<1x16xf32>,
        %get3A_1348 = vector.shape_cast %get3A_1347 : vector<1x16xf32> to vector<16xf32>
        %mul3A_1349 = vector.broadcast %squeeze3A_1311 : f32 to vector<16xf32>
        %mul3A_1350 = arith.mulf %get3A_1348, %mul3A_1349 : vector<16xf32>
        %swap3A_1351 = arith.index_cast %add3A_1309 : i32 to index
        %swap3A_1352 = arith.constant 48 : index
        %swap3A_1353 = tpu.vector_load %arg10[%swap3A_1351, %swap3A_1352] {strides = array<i32>} : memref<128x128xf32, #tpu.memory_space<vmem>>, vector<1x16xf32>,
        %swap3A_1354 = vector.shape_cast %swap3A_1353 : vector<1x16xf32> to vector<16xf32>
        %swap3A_1355 = vector.shape_cast %mul3A_1350 : vector<16xf32> to vector<1x16xf32>
        tpu.vector_store %arg10[%swap3A_1351, %swap3A_1352], %swap3A_1355 {strides = array<i32>} : memref<128x128xf32, #tpu.memory_space<vmem>>, vector<1x16xf32>,
        %get3A_1356 = arith.index_cast %add3A_1309 : i32 to index
        %get3A_1357 = arith.constant 64 : index
        %get3A_1358 = tpu.vector_load %arg10[%get3A_1356, %get3A_1357] {strides = array<i32>} : memref<128x128xf32, #tpu.memory_space<vmem>>, vector<1x16xf32>,
        %get3A_1359 = vector.shape_cast %get3A_1358 : vector<1x16xf32> to vector<16xf32>
        %mul3A_1360 = vector.broadcast %squeeze3A_1311 : f32 to vector<16xf32>
        %mul3A_1361 = arith.mulf %get3A_1359, %mul3A_1360 : vector<16xf32>
        %swap3A_1362 = arith.index_cast %add3A_1309 : i32 to index
        %swap3A_1363 = arith.constant 64 : index
        %swap3A_1364 = tpu.vector_load %arg10[%swap3A_1362, %swap3A_1363] {strides = array<i32>} : memref<128x128xf32, #tpu.memory_space<vmem>>, vector<1x16xf32>,
        %swap3A_1365 = vector.shape_cast %swap3A_1364 : vector<1x16xf32> to vector<16xf32>
        %swap3A_1366 = vector.shape_cast %mul3A_1361 : vector<16xf32> to vector<1x16xf32>
        tpu.vector_store %arg10[%swap3A_1362, %swap3A_1363], %swap3A_1366 {strides = array<i32>} : memref<128x128xf32, #tpu.memory_space<vmem>>, vector<1x16xf32>,
        %get3A_1367 = arith.index_cast %add3A_1309 : i32 to index
        %get3A_1368 = arith.constant 80 : index
        %get3A_1369 = tpu.vector_load %arg10[%get3A_1367, %get3A_1368] {strides = array<i32>} : memref<128x128xf32, #tpu.memory_space<vmem>>, vector<1x16xf32>,
        %get3A_1370 = vector.shape_cast %get3A_1369 : vector<1x16xf32> to vector<16xf32>
        %mul3A_1371 = vector.broadcast %squeeze3A_1311 : f32 to vector<16xf32>
        %mul3A_1372 = arith.mulf %get3A_1370, %mul3A_1371 : vector<16xf32>
        %swap3A_1373 = arith.index_cast %add3A_1309 : i32 to index
        %swap3A_1374 = arith.constant 80 : index
        %swap3A_1375 = tpu.vector_load %arg10[%swap3A_1373, %swap3A_1374] {strides = array<i32>} : memref<128x128xf32, #tpu.memory_space<vmem>>, vector<1x16xf32>,
        %swap3A_1376 = vector.shape_cast %swap3A_1375 : vector<1x16xf32> to vector<16xf32>
        %swap3A_1377 = vector.shape_cast %mul3A_1372 : vector<16xf32> to vector<1x16xf32>
        tpu.vector_store %arg10[%swap3A_1373, %swap3A_1374], %swap3A_1377 {strides = array<i32>} : memref<128x128xf32, #tpu.memory_space<vmem>>, vector<1x16xf32>,
        %get3A_1378 = arith.index_cast %add3A_1309 : i32 to index
        %get3A_1379 = arith.constant 96 : index
        %get3A_1380 = tpu.vector_load %arg10[%get3A_1378, %get3A_1379] {strides = array<i32>} : memref<128x128xf32, #tpu.memory_space<vmem>>, vector<1x16xf32>,
        %get3A_1381 = vector.shape_cast %get3A_1380 : vector<1x16xf32> to vector<16xf32>
        %mul3A_1382 = vector.broadcast %squeeze3A_1311 : f32 to vector<16xf32>
        %mul3A_1383 = arith.mulf %get3A_1381, %mul3A_1382 : vector<16xf32>
        %swap3A_1384 = arith.index_cast %add3A_1309 : i32 to index
        %swap3A_1385 = arith.constant 96 : index
        %swap3A_1386 = tpu.vector_load %arg10[%swap3A_1384, %swap3A_1385] {strides = array<i32>} : memref<128x128xf32, #tpu.memory_space<vmem>>, vector<1x16xf32>,
        %swap3A_1387 = vector.shape_cast %swap3A_1386 : vector<1x16xf32> to vector<16xf32>
        %swap3A_1388 = vector.shape_cast %mul3A_1383 : vector<16xf32> to vector<1x16xf32>
        tpu.vector_store %arg10[%swap3A_1384, %swap3A_1385], %swap3A_1388 {strides = array<i32>} : memref<128x128xf32, #tpu.memory_space<vmem>>, vector<1x16xf32>,
        %get3A_1389 = arith.index_cast %add3A_1309 : i32 to index
        %get3A_1390 = arith.constant 112 : index
        %get3A_1391 = tpu.vector_load %arg10[%get3A_1389, %get3A_1390] {strides = array<i32>} : memref<128x128xf32, #tpu.memory_space<vmem>>, vector<1x16xf32>,
        %get3A_1392 = vector.shape_cast %get3A_1391 : vector<1x16xf32> to vector<16xf32>
        %mul3A_1393 = vector.broadcast %squeeze3A_1311 : f32 to vector<16xf32>
        %mul3A_1394 = arith.mulf %get3A_1392, %mul3A_1393 : vector<16xf32>
        %swap3A_1395 = arith.index_cast %add3A_1309 : i32 to index
        %swap3A_1396 = arith.constant 112 : index
        %swap3A_1397 = tpu.vector_load %arg10[%swap3A_1395, %swap3A_1396] {strides = array<i32>} : memref<128x128xf32, #tpu.memory_space<vmem>>, vector<1x16xf32>,
        %swap3A_1398 = vector.shape_cast %swap3A_1397 : vector<1x16xf32> to vector<16xf32>
        %swap3A_1399 = vector.shape_cast %mul3A_1394 : vector<16xf32> to vector<1x16xf32>
        tpu.vector_store %arg10[%swap3A_1395, %swap3A_1396], %swap3A_1399 {strides = array<i32>} : memref<128x128xf32, #tpu.memory_space<vmem>>, vector<1x16xf32>,
        %mul3A_1400 = arith.constant 16 : i32
        %mul3A_1401 = arith.muli %scan3A_81, %mul3A_1400 : i32
        %add3A_1402 = arith.constant 14 : i32
        %add3A_1403 = arith.addi %mul3A_1401, %add3A_1402 : i32
        %slice3A_1404 = vector.extract_strided_slice %get3A_86 {offsets = [14], sizes = [1], strides = [1]} : vector<16xf32> to vector<1xf32>
        %squeeze3A_1405 = vector.extract %slice3A_1404[0] : f32 from vector<1xf32>
        %get3A_1406 = arith.index_cast %add3A_1403 : i32 to index
        %get3A_1407 = arith.constant 0 : index
        %get3A_1408 = tpu.vector_load %arg10[%get3A_1406, %get3A_1407] {strides = array<i32>} : memref<128x128xf32, #tpu.memory_space<vmem>>, vector<1x16xf32>,
        %get3A_1409 = vector.shape_cast %get3A_1408 : vector<1x16xf32> to vector<16xf32>
        %mul3A_1410 = vector.broadcast %squeeze3A_1405 : f32 to vector<16xf32>
        %mul3A_1411 = arith.mulf %get3A_1409, %mul3A_1410 : vector<16xf32>
        %swap3A_1412 = arith.index_cast %add3A_1403 : i32 to index
        %swap3A_1413 = arith.constant 0 : index
        %swap3A_1414 = tpu.vector_load %arg10[%swap3A_1412, %swap3A_1413] {strides = array<i32>} : memref<128x128xf32, #tpu.memory_space<vmem>>, vector<1x16xf32>,
        %swap3A_1415 = vector.shape_cast %swap3A_1414 : vector<1x16xf32> to vector<16xf32>
        %swap3A_1416 = vector.shape_cast %mul3A_1411 : vector<16xf32> to vector<1x16xf32>
        tpu.vector_store %arg10[%swap3A_1412, %swap3A_1413], %swap3A_1416 {strides = array<i32>} : memref<128x128xf32, #tpu.memory_space<vmem>>, vector<1x16xf32>,
        %get3A_1417 = arith.index_cast %add3A_1403 : i32 to index
        %get3A_1418 = arith.constant 16 : index
        %get3A_1419 = tpu.vector_load %arg10[%get3A_1417, %get3A_1418] {strides = array<i32>} : memref<128x128xf32, #tpu.memory_space<vmem>>, vector<1x16xf32>,
        %get3A_1420 = vector.shape_cast %get3A_1419 : vector<1x16xf32> to vector<16xf32>
        %mul3A_1421 = vector.broadcast %squeeze3A_1405 : f32 to vector<16xf32>
        %mul3A_1422 = arith.mulf %get3A_1420, %mul3A_1421 : vector<16xf32>
        %swap3A_1423 = arith.index_cast %add3A_1403 : i32 to index
        %swap3A_1424 = arith.constant 16 : index
        %swap3A_1425 = tpu.vector_load %arg10[%swap3A_1423, %swap3A_1424] {strides = array<i32>} : memref<128x128xf32, #tpu.memory_space<vmem>>, vector<1x16xf32>,
        %swap3A_1426 = vector.shape_cast %swap3A_1425 : vector<1x16xf32> to vector<16xf32>
        %swap3A_1427 = vector.shape_cast %mul3A_1422 : vector<16xf32> to vector<1x16xf32>
        tpu.vector_store %arg10[%swap3A_1423, %swap3A_1424], %swap3A_1427 {strides = array<i32>} : memref<128x128xf32, #tpu.memory_space<vmem>>, vector<1x16xf32>,
        %get3A_1428 = arith.index_cast %add3A_1403 : i32 to index
        %get3A_1429 = arith.constant 32 : index
        %get3A_1430 = tpu.vector_load %arg10[%get3A_1428, %get3A_1429] {strides = array<i32>} : memref<128x128xf32, #tpu.memory_space<vmem>>, vector<1x16xf32>,
        %get3A_1431 = vector.shape_cast %get3A_1430 : vector<1x16xf32> to vector<16xf32>
        %mul3A_1432 = vector.broadcast %squeeze3A_1405 : f32 to vector<16xf32>
        %mul3A_1433 = arith.mulf %get3A_1431, %mul3A_1432 : vector<16xf32>
        %swap3A_1434 = arith.index_cast %add3A_1403 : i32 to index
        %swap3A_1435 = arith.constant 32 : index
        %swap3A_1436 = tpu.vector_load %arg10[%swap3A_1434, %swap3A_1435] {strides = array<i32>} : memref<128x128xf32, #tpu.memory_space<vmem>>, vector<1x16xf32>,
        %swap3A_1437 = vector.shape_cast %swap3A_1436 : vector<1x16xf32> to vector<16xf32>
        %swap3A_1438 = vector.shape_cast %mul3A_1433 : vector<16xf32> to vector<1x16xf32>
        tpu.vector_store %arg10[%swap3A_1434, %swap3A_1435], %swap3A_1438 {strides = array<i32>} : memref<128x128xf32, #tpu.memory_space<vmem>>, vector<1x16xf32>,
        %get3A_1439 = arith.index_cast %add3A_1403 : i32 to index
        %get3A_1440 = arith.constant 48 : index
        %get3A_1441 = tpu.vector_load %arg10[%get3A_1439, %get3A_1440] {strides = array<i32>} : memref<128x128xf32, #tpu.memory_space<vmem>>, vector<1x16xf32>,
        %get3A_1442 = vector.shape_cast %get3A_1441 : vector<1x16xf32> to vector<16xf32>
        %mul3A_1443 = vector.broadcast %squeeze3A_1405 : f32 to vector<16xf32>
        %mul3A_1444 = arith.mulf %get3A_1442, %mul3A_1443 : vector<16xf32>
        %swap3A_1445 = arith.index_cast %add3A_1403 : i32 to index
        %swap3A_1446 = arith.constant 48 : index
        %swap3A_1447 = tpu.vector_load %arg10[%swap3A_1445, %swap3A_1446] {strides = array<i32>} : memref<128x128xf32, #tpu.memory_space<vmem>>, vector<1x16xf32>,
        %swap3A_1448 = vector.shape_cast %swap3A_1447 : vector<1x16xf32> to vector<16xf32>
        %swap3A_1449 = vector.shape_cast %mul3A_1444 : vector<16xf32> to vector<1x16xf32>
        tpu.vector_store %arg10[%swap3A_1445, %swap3A_1446], %swap3A_1449 {strides = array<i32>} : memref<128x128xf32, #tpu.memory_space<vmem>>, vector<1x16xf32>,
        %get3A_1450 = arith.index_cast %add3A_1403 : i32 to index
        %get3A_1451 = arith.constant 64 : index
        %get3A_1452 = tpu.vector_load %arg10[%get3A_1450, %get3A_1451] {strides = array<i32>} : memref<128x128xf32, #tpu.memory_space<vmem>>, vector<1x16xf32>,
        %get3A_1453 = vector.shape_cast %get3A_1452 : vector<1x16xf32> to vector<16xf32>
        %mul3A_1454 = vector.broadcast %squeeze3A_1405 : f32 to vector<16xf32>
        %mul3A_1455 = arith.mulf %get3A_1453, %mul3A_1454 : vector<16xf32>
        %swap3A_1456 = arith.index_cast %add3A_1403 : i32 to index
        %swap3A_1457 = arith.constant 64 : index
        %swap3A_1458 = tpu.vector_load %arg10[%swap3A_1456, %swap3A_1457] {strides = array<i32>} : memref<128x128xf32, #tpu.memory_space<vmem>>, vector<1x16xf32>,
        %swap3A_1459 = vector.shape_cast %swap3A_1458 : vector<1x16xf32> to vector<16xf32>
        %swap3A_1460 = vector.shape_cast %mul3A_1455 : vector<16xf32> to vector<1x16xf32>
        tpu.vector_store %arg10[%swap3A_1456, %swap3A_1457], %swap3A_1460 {strides = array<i32>} : memref<128x128xf32, #tpu.memory_space<vmem>>, vector<1x16xf32>,
        %get3A_1461 = arith.index_cast %add3A_1403 : i32 to index
        %get3A_1462 = arith.constant 80 : index
        %get3A_1463 = tpu.vector_load %arg10[%get3A_1461, %get3A_1462] {strides = array<i32>} : memref<128x128xf32, #tpu.memory_space<vmem>>, vector<1x16xf32>,
        %get3A_1464 = vector.shape_cast %get3A_1463 : vector<1x16xf32> to vector<16xf32>
        %mul3A_1465 = vector.broadcast %squeeze3A_1405 : f32 to vector<16xf32>
        %mul3A_1466 = arith.mulf %get3A_1464, %mul3A_1465 : vector<16xf32>
        %swap3A_1467 = arith.index_cast %add3A_1403 : i32 to index
        %swap3A_1468 = arith.constant 80 : index
        %swap3A_1469 = tpu.vector_load %arg10[%swap3A_1467, %swap3A_1468] {strides = array<i32>} : memref<128x128xf32, #tpu.memory_space<vmem>>, vector<1x16xf32>,
        %swap3A_1470 = vector.shape_cast %swap3A_1469 : vector<1x16xf32> to vector<16xf32>
        %swap3A_1471 = vector.shape_cast %mul3A_1466 : vector<16xf32> to vector<1x16xf32>
        tpu.vector_store %arg10[%swap3A_1467, %swap3A_1468], %swap3A_1471 {strides = array<i32>} : memref<128x128xf32, #tpu.memory_space<vmem>>, vector<1x16xf32>,
        %get3A_1472 = arith.index_cast %add3A_1403 : i32 to index
        %get3A_1473 = arith.constant 96 : index
        %get3A_1474 = tpu.vector_load %arg10[%get3A_1472, %get3A_1473] {strides = array<i32>} : memref<128x128xf32, #tpu.memory_space<vmem>>, vector<1x16xf32>,
        %get3A_1475 = vector.shape_cast %get3A_1474 : vector<1x16xf32> to vector<16xf32>
        %mul3A_1476 = vector.broadcast %squeeze3A_1405 : f32 to vector<16xf32>
        %mul3A_1477 = arith.mulf %get3A_1475, %mul3A_1476 : vector<16xf32>
        %swap3A_1478 = arith.index_cast %add3A_1403 : i32 to index
        %swap3A_1479 = arith.constant 96 : index
        %swap3A_1480 = tpu.vector_load %arg10[%swap3A_1478, %swap3A_1479] {strides = array<i32>} : memref<128x128xf32, #tpu.memory_space<vmem>>, vector<1x16xf32>,
        %swap3A_1481 = vector.shape_cast %swap3A_1480 : vector<1x16xf32> to vector<16xf32>
        %swap3A_1482 = vector.shape_cast %mul3A_1477 : vector<16xf32> to vector<1x16xf32>
        tpu.vector_store %arg10[%swap3A_1478, %swap3A_1479], %swap3A_1482 {strides = array<i32>} : memref<128x128xf32, #tpu.memory_space<vmem>>, vector<1x16xf32>,
        %get3A_1483 = arith.index_cast %add3A_1403 : i32 to index
        %get3A_1484 = arith.constant 112 : index
        %get3A_1485 = tpu.vector_load %arg10[%get3A_1483, %get3A_1484] {strides = array<i32>} : memref<128x128xf32, #tpu.memory_space<vmem>>, vector<1x16xf32>,
        %get3A_1486 = vector.shape_cast %get3A_1485 : vector<1x16xf32> to vector<16xf32>
        %mul3A_1487 = vector.broadcast %squeeze3A_1405 : f32 to vector<16xf32>
        %mul3A_1488 = arith.mulf %get3A_1486, %mul3A_1487 : vector<16xf32>
        %swap3A_1489 = arith.index_cast %add3A_1403 : i32 to index
        %swap3A_1490 = arith.constant 112 : index
        %swap3A_1491 = tpu.vector_load %arg10[%swap3A_1489, %swap3A_1490] {strides = array<i32>} : memref<128x128xf32, #tpu.memory_space<vmem>>, vector<1x16xf32>,
        %swap3A_1492 = vector.shape_cast %swap3A_1491 : vector<1x16xf32> to vector<16xf32>
        %swap3A_1493 = vector.shape_cast %mul3A_1488 : vector<16xf32> to vector<1x16xf32>
        tpu.vector_store %arg10[%swap3A_1489, %swap3A_1490], %swap3A_1493 {strides = array<i32>} : memref<128x128xf32, #tpu.memory_space<vmem>>, vector<1x16xf32>,
        %mul3A_1494 = arith.constant 16 : i32
        %mul3A_1495 = arith.muli %scan3A_81, %mul3A_1494 : i32
        %add3A_1496 = arith.constant 15 : i32
        %add3A_1497 = arith.addi %mul3A_1495, %add3A_1496 : i32
        %slice3A_1498 = vector.extract_strided_slice %get3A_86 {offsets = [15], sizes = [1], strides = [1]} : vector<16xf32> to vector<1xf32>
        %squeeze3A_1499 = vector.extract %slice3A_1498[0] : f32 from vector<1xf32>
        %get3A_1500 = arith.index_cast %add3A_1497 : i32 to index
        %get3A_1501 = arith.constant 0 : index
        %get3A_1502 = tpu.vector_load %arg10[%get3A_1500, %get3A_1501] {strides = array<i32>} : memref<128x128xf32, #tpu.memory_space<vmem>>, vector<1x16xf32>,
        %get3A_1503 = vector.shape_cast %get3A_1502 : vector<1x16xf32> to vector<16xf32>
        %mul3A_1504 = vector.broadcast %squeeze3A_1499 : f32 to vector<16xf32>
        %mul3A_1505 = arith.mulf %get3A_1503, %mul3A_1504 : vector<16xf32>
        %swap3A_1506 = arith.index_cast %add3A_1497 : i32 to index
        %swap3A_1507 = arith.constant 0 : index
        %swap3A_1508 = tpu.vector_load %arg10[%swap3A_1506, %swap3A_1507] {strides = array<i32>} : memref<128x128xf32, #tpu.memory_space<vmem>>, vector<1x16xf32>,
        %swap3A_1509 = vector.shape_cast %swap3A_1508 : vector<1x16xf32> to vector<16xf32>
        %swap3A_1510 = vector.shape_cast %mul3A_1505 : vector<16xf32> to vector<1x16xf32>
        tpu.vector_store %arg10[%swap3A_1506, %swap3A_1507], %swap3A_1510 {strides = array<i32>} : memref<128x128xf32, #tpu.memory_space<vmem>>, vector<1x16xf32>,
        %get3A_1511 = arith.index_cast %add3A_1497 : i32 to index
        %get3A_1512 = arith.constant 16 : index
        %get3A_1513 = tpu.vector_load %arg10[%get3A_1511, %get3A_1512] {strides = array<i32>} : memref<128x128xf32, #tpu.memory_space<vmem>>, vector<1x16xf32>,
        %get3A_1514 = vector.shape_cast %get3A_1513 : vector<1x16xf32> to vector<16xf32>
        %mul3A_1515 = vector.broadcast %squeeze3A_1499 : f32 to vector<16xf32>
        %mul3A_1516 = arith.mulf %get3A_1514, %mul3A_1515 : vector<16xf32>
        %swap3A_1517 = arith.index_cast %add3A_1497 : i32 to index
        %swap3A_1518 = arith.constant 16 : index
        %swap3A_1519 = tpu.vector_load %arg10[%swap3A_1517, %swap3A_1518] {strides = array<i32>} : memref<128x128xf32, #tpu.memory_space<vmem>>, vector<1x16xf32>,
        %swap3A_1520 = vector.shape_cast %swap3A_1519 : vector<1x16xf32> to vector<16xf32>
        %swap3A_1521 = vector.shape_cast %mul3A_1516 : vector<16xf32> to vector<1x16xf32>
        tpu.vector_store %arg10[%swap3A_1517, %swap3A_1518], %swap3A_1521 {strides = array<i32>} : memref<128x128xf32, #tpu.memory_space<vmem>>, vector<1x16xf32>,
        %get3A_1522 = arith.index_cast %add3A_1497 : i32 to index
        %get3A_1523 = arith.constant 32 : index
        %get3A_1524 = tpu.vector_load %arg10[%get3A_1522, %get3A_1523] {strides = array<i32>} : memref<128x128xf32, #tpu.memory_space<vmem>>, vector<1x16xf32>,
        %get3A_1525 = vector.shape_cast %get3A_1524 : vector<1x16xf32> to vector<16xf32>
        %mul3A_1526 = vector.broadcast %squeeze3A_1499 : f32 to vector<16xf32>
        %mul3A_1527 = arith.mulf %get3A_1525, %mul3A_1526 : vector<16xf32>
        %swap3A_1528 = arith.index_cast %add3A_1497 : i32 to index
        %swap3A_1529 = arith.constant 32 : index
        %swap3A_1530 = tpu.vector_load %arg10[%swap3A_1528, %swap3A_1529] {strides = array<i32>} : memref<128x128xf32, #tpu.memory_space<vmem>>, vector<1x16xf32>,
        %swap3A_1531 = vector.shape_cast %swap3A_1530 : vector<1x16xf32> to vector<16xf32>
        %swap3A_1532 = vector.shape_cast %mul3A_1527 : vector<16xf32> to vector<1x16xf32>
        tpu.vector_store %arg10[%swap3A_1528, %swap3A_1529], %swap3A_1532 {strides = array<i32>} : memref<128x128xf32, #tpu.memory_space<vmem>>, vector<1x16xf32>,
        %get3A_1533 = arith.index_cast %add3A_1497 : i32 to index
        %get3A_1534 = arith.constant 48 : index
        %get3A_1535 = tpu.vector_load %arg10[%get3A_1533, %get3A_1534] {strides = array<i32>} : memref<128x128xf32, #tpu.memory_space<vmem>>, vector<1x16xf32>,
        %get3A_1536 = vector.shape_cast %get3A_1535 : vector<1x16xf32> to vector<16xf32>
        %mul3A_1537 = vector.broadcast %squeeze3A_1499 : f32 to vector<16xf32>
        %mul3A_1538 = arith.mulf %get3A_1536, %mul3A_1537 : vector<16xf32>
        %swap3A_1539 = arith.index_cast %add3A_1497 : i32 to index
        %swap3A_1540 = arith.constant 48 : index
        %swap3A_1541 = tpu.vector_load %arg10[%swap3A_1539, %swap3A_1540] {strides = array<i32>} : memref<128x128xf32, #tpu.memory_space<vmem>>, vector<1x16xf32>,
        %swap3A_1542 = vector.shape_cast %swap3A_1541 : vector<1x16xf32> to vector<16xf32>
        %swap3A_1543 = vector.shape_cast %mul3A_1538 : vector<16xf32> to vector<1x16xf32>
        tpu.vector_store %arg10[%swap3A_1539, %swap3A_1540], %swap3A_1543 {strides = array<i32>} : memref<128x128xf32, #tpu.memory_space<vmem>>, vector<1x16xf32>,
        %get3A_1544 = arith.index_cast %add3A_1497 : i32 to index
        %get3A_1545 = arith.constant 64 : index
        %get3A_1546 = tpu.vector_load %arg10[%get3A_1544, %get3A_1545] {strides = array<i32>} : memref<128x128xf32, #tpu.memory_space<vmem>>, vector<1x16xf32>,
        %get3A_1547 = vector.shape_cast %get3A_1546 : vector<1x16xf32> to vector<16xf32>
        %mul3A_1548 = vector.broadcast %squeeze3A_1499 : f32 to vector<16xf32>
        %mul3A_1549 = arith.mulf %get3A_1547, %mul3A_1548 : vector<16xf32>
        %swap3A_1550 = arith.index_cast %add3A_1497 : i32 to index
        %swap3A_1551 = arith.constant 64 : index
        %swap3A_1552 = tpu.vector_load %arg10[%swap3A_1550, %swap3A_1551] {strides = array<i32>} : memref<128x128xf32, #tpu.memory_space<vmem>>, vector<1x16xf32>,
        %swap3A_1553 = vector.shape_cast %swap3A_1552 : vector<1x16xf32> to vector<16xf32>
        %swap3A_1554 = vector.shape_cast %mul3A_1549 : vector<16xf32> to vector<1x16xf32>
        tpu.vector_store %arg10[%swap3A_1550, %swap3A_1551], %swap3A_1554 {strides = array<i32>} : memref<128x128xf32, #tpu.memory_space<vmem>>, vector<1x16xf32>,
        %get3A_1555 = arith.index_cast %add3A_1497 : i32 to index
        %get3A_1556 = arith.constant 80 : index
        %get3A_1557 = tpu.vector_load %arg10[%get3A_1555, %get3A_1556] {strides = array<i32>} : memref<128x128xf32, #tpu.memory_space<vmem>>, vector<1x16xf32>,
        %get3A_1558 = vector.shape_cast %get3A_1557 : vector<1x16xf32> to vector<16xf32>
        %mul3A_1559 = vector.broadcast %squeeze3A_1499 : f32 to vector<16xf32>
        %mul3A_1560 = arith.mulf %get3A_1558, %mul3A_1559 : vector<16xf32>
        %swap3A_1561 = arith.index_cast %add3A_1497 : i32 to index
        %swap3A_1562 = arith.constant 80 : index
        %swap3A_1563 = tpu.vector_load %arg10[%swap3A_1561, %swap3A_1562] {strides = array<i32>} : memref<128x128xf32, #tpu.memory_space<vmem>>, vector<1x16xf32>,
        %swap3A_1564 = vector.shape_cast %swap3A_1563 : vector<1x16xf32> to vector<16xf32>
        %swap3A_1565 = vector.shape_cast %mul3A_1560 : vector<16xf32> to vector<1x16xf32>
        tpu.vector_store %arg10[%swap3A_1561, %swap3A_1562], %swap3A_1565 {strides = array<i32>} : memref<128x128xf32, #tpu.memory_space<vmem>>, vector<1x16xf32>,
        %get3A_1566 = arith.index_cast %add3A_1497 : i32 to index
        %get3A_1567 = arith.constant 96 : index
        %get3A_1568 = tpu.vector_load %arg10[%get3A_1566, %get3A_1567] {strides = array<i32>} : memref<128x128xf32, #tpu.memory_space<vmem>>, vector<1x16xf32>,
        %get3A_1569 = vector.shape_cast %get3A_1568 : vector<1x16xf32> to vector<16xf32>
        %mul3A_1570 = vector.broadcast %squeeze3A_1499 : f32 to vector<16xf32>
        %mul3A_1571 = arith.mulf %get3A_1569, %mul3A_1570 : vector<16xf32>
        %swap3A_1572 = arith.index_cast %add3A_1497 : i32 to index
        %swap3A_1573 = arith.constant 96 : index
        %swap3A_1574 = tpu.vector_load %arg10[%swap3A_1572, %swap3A_1573] {strides = array<i32>} : memref<128x128xf32, #tpu.memory_space<vmem>>, vector<1x16xf32>,
        %swap3A_1575 = vector.shape_cast %swap3A_1574 : vector<1x16xf32> to vector<16xf32>
        %swap3A_1576 = vector.shape_cast %mul3A_1571 : vector<16xf32> to vector<1x16xf32>
        tpu.vector_store %arg10[%swap3A_1572, %swap3A_1573], %swap3A_1576 {strides = array<i32>} : memref<128x128xf32, #tpu.memory_space<vmem>>, vector<1x16xf32>,
        %get3A_1577 = arith.index_cast %add3A_1497 : i32 to index
        %get3A_1578 = arith.constant 112 : index
        %get3A_1579 = tpu.vector_load %arg10[%get3A_1577, %get3A_1578] {strides = array<i32>} : memref<128x128xf32, #tpu.memory_space<vmem>>, vector<1x16xf32>,
        %get3A_1580 = vector.shape_cast %get3A_1579 : vector<1x16xf32> to vector<16xf32>
        %mul3A_1581 = vector.broadcast %squeeze3A_1499 : f32 to vector<16xf32>
        %mul3A_1582 = arith.mulf %get3A_1580, %mul3A_1581 : vector<16xf32>
        %swap3A_1583 = arith.index_cast %add3A_1497 : i32 to index
        %swap3A_1584 = arith.constant 112 : index
        %swap3A_1585 = tpu.vector_load %arg10[%swap3A_1583, %swap3A_1584] {strides = array<i32>} : memref<128x128xf32, #tpu.memory_space<vmem>>, vector<1x16xf32>,
        %swap3A_1586 = vector.shape_cast %swap3A_1585 : vector<1x16xf32> to vector<16xf32>
        %swap3A_1587 = vector.shape_cast %mul3A_1582 : vector<16xf32> to vector<1x16xf32>
        tpu.vector_store %arg10[%swap3A_1583, %swap3A_1584], %swap3A_1587 {strides = array<i32>} : memref<128x128xf32, #tpu.memory_space<vmem>>, vector<1x16xf32>,
        %scan3A_1588 = arith.constant 0 : i32
        scf.yield %scan3A_1588 : i32
      }
      %scan3A_76 = arith.constant 8 : i32
      %dma_start3A_77 = arith.constant 0 : i32
      %dma_start3A_78 = arith.constant 0 : i32
      %dma_start3A_79 = tpu.memref_slice %arg9[%dma_start3A_77, %dma_start3A_78] : memref<10112x128xf32, #tpu.memory_space<vmem_shared>> -> memref<10112x128xf32, #tpu.memory_space<vmem_shared>>
      tpu.enqueue_indirect_dma source(%arg10 : memref<128x128xf32, #tpu.memory_space<vmem>>) target(%dma_start3A_79 : memref<10112x128xf32, #tpu.memory_space<vmem_shared>>) offsets(%arg14 : memref<128xi32, #tpu.memory_space<vmem>>) semaphore(%arg16 : memref<!tpu.dma_semaphore, #tpu.memory_space<semaphore_mem>>) {add = true}
      %scan3A_80 = arith.constant 0 : i32
      scf.yield %scan3A_80 : i32
    }
    %scan3A_48 = arith.constant 79 : i32
    %dma_wait3A = arith.constant 0 : i32
    %dma_wait3A_49 = arith.constant 0 : i32
    %dma_wait3A_50 = tpu.memref_slice %arg9[%dma_wait3A, %dma_wait3A_49] : memref<10112x128xf32, #tpu.memory_space<vmem_shared>> -> memref<10112x128xf32, #tpu.memory_space<vmem_shared>>
    tpu.wait_indirect_dma semaphore(%arg16 : memref<!tpu.dma_semaphore, #tpu.memory_space<semaphore_mem>>) src(%arg10 : memref<128x128xf32, #tpu.memory_space<vmem>>) dst(%dma_wait3A_50 : memref<10112x128xf32, #tpu.memory_space<vmem_shared>>)
    %barrier3A_51 = arith.constant 0 : index
    tpu.barrier barrier_id(%barrier3A_51)
    %scan3A_52 = arith.constant 0 : i32
    %scan3A_53 = arith.constant 0 : i32
    %scan3A_54 = arith.constant 5 : i32
    %scan3A_55 = arith.addi %scan3A_53, %scan3A_54 : i32
    %scan3A_56 = arith.constant 1 : i32
    %scan3A_57 = scf.for %scan3A_59 = %scan3A_53 to %scan3A_55 step %scan3A_56 iter_args(%scan3A_60 = %scan3A_52) -> (i32)  : i32 {
      %mul3A_61 = arith.constant 16 : i32
      %mul3A_62 = arith.muli %mul3A_61, %scan3A_59 : i32
      %add3A_63 = arith.addi %arg1, %mul3A_62 : i32
      %lt3A_64 = arith.constant 79 : i32
      %lt3A_65 = arith.cmpi slt, %add3A_63, %lt3A_64 : i32
      %convert_element_type3A_66 = arith.extui %lt3A_65 : i1 to i32
      %cond3A_67 = arith.constant 0 : i32
      %cond3A_68 = arith.cmpi ne, %convert_element_type3A_66, %cond3A_67 : i32
      scf.if %cond3A_68 {
        %mul3A_70 = arith.constant 128 : i32
        %mul3A_71 = arith.muli %add3A_63, %mul3A_70 : i32
        "tpu.region"() ({
          %run_scoped3A_88 = tpu.sem_alloc : memref<!tpu.dma_semaphore, #tpu.memory_space<semaphore_mem>>
          %dma_start3A_89 = tpu.memref_slice %arg4[%mul3A_71] : memref<10112xi32, #tpu.memory_space<hbm>> -> memref<128xi32, #tpu.memory_space<hbm>>
          %dma_start3A_90 = tpu.memref_slice %arg4[%mul3A_71] : memref<10112xi32, #tpu.memory_space<hbm>> -> memref<128xi32, #tpu.memory_space<hbm>>
          tpu.enqueue_dma source(%dma_start3A_90 : memref<128xi32, #tpu.memory_space<hbm>>) target(%arg13 : memref<128xi32, #tpu.memory_space<vmem>>) target_semaphore(%run_scoped3A_88 : memref<!tpu.dma_semaphore, #tpu.memory_space<semaphore_mem>>)
          %dma_wait3A_91 = tpu.memref_slice %arg4[%mul3A_71] : memref<10112xi32, #tpu.memory_space<hbm>> -> memref<128xi32, #tpu.memory_space<hbm>>
          %dma_wait3A_92 = tpu.memref_slice %arg4[%mul3A_71] : memref<10112xi32, #tpu.memory_space<hbm>> -> memref<128xi32, #tpu.memory_space<hbm>>
          tpu.wait_dma2 semaphore(%run_scoped3A_88 : memref<!tpu.dma_semaphore, #tpu.memory_space<semaphore_mem>>) src(%dma_wait3A_92 : memref<128xi32, #tpu.memory_space<hbm>>) dst(%arg13 : memref<128xi32, #tpu.memory_space<vmem>>)
          tpu.yield
        }) : () -> ()
        %dma_start3A_72 = arith.constant 0 : i32
        %dma_start3A_73 = arith.constant 0 : i32
        %dma_start3A_74 = tpu.memref_slice %arg3[%dma_start3A_72, %dma_start3A_73] : memref<100x128xf32, #tpu.memory_space<hbm>> -> memref<100x128xf32, #tpu.memory_space<hbm>>
        tpu.enqueue_indirect_dma source(%dma_start3A_74 : memref<100x128xf32, #tpu.memory_space<hbm>>) target(%arg11 : memref<128x128xf32, #tpu.memory_space<vmem>>) offsets(%arg13 : memref<128xi32, #tpu.memory_space<vmem>>) semaphore(%arg15 : memref<!tpu.dma_semaphore, #tpu.memory_space<semaphore_mem>>)
        "tpu.region"() ({
          %run_scoped3A_88 = tpu.sem_alloc : memref<!tpu.dma_semaphore, #tpu.memory_space<semaphore_mem>>
          %dma_start3A_89 = arith.constant 0 : i32
          %dma_start3A_90 = tpu.memref_slice %arg9[%mul3A_71, %dma_start3A_89] : memref<10112x128xf32, #tpu.memory_space<vmem_shared>> -> memref<128x128xf32, #tpu.memory_space<vmem_shared>>
          %dma_start3A_91 = arith.constant 0 : i32
          %dma_start3A_92 = tpu.memref_slice %arg9[%mul3A_71, %dma_start3A_91] : memref<10112x128xf32, #tpu.memory_space<vmem_shared>> -> memref<128x128xf32, #tpu.memory_space<vmem_shared>>
          tpu.enqueue_dma source(%dma_start3A_92 : memref<128x128xf32, #tpu.memory_space<vmem_shared>>) target(%arg10 : memref<128x128xf32, #tpu.memory_space<vmem>>) target_semaphore(%run_scoped3A_88 : memref<!tpu.dma_semaphore, #tpu.memory_space<semaphore_mem>>)
          %dma_wait3A_93 = arith.constant 0 : i32
          %dma_wait3A_94 = tpu.memref_slice %arg9[%mul3A_71, %dma_wait3A_93] : memref<10112x128xf32, #tpu.memory_space<vmem_shared>> -> memref<128x128xf32, #tpu.memory_space<vmem_shared>>
          %dma_wait3A_95 = arith.constant 0 : i32
          %dma_wait3A_96 = tpu.memref_slice %arg9[%mul3A_71, %dma_wait3A_95] : memref<10112x128xf32, #tpu.memory_space<vmem_shared>> -> memref<128x128xf32, #tpu.memory_space<vmem_shared>>
          tpu.wait_dma2 semaphore(%run_scoped3A_88 : memref<!tpu.dma_semaphore, #tpu.memory_space<semaphore_mem>>) src(%dma_wait3A_96 : memref<128x128xf32, #tpu.memory_space<vmem_shared>>) dst(%arg10 : memref<128x128xf32, #tpu.memory_space<vmem>>)
          tpu.yield
        }) : () -> ()
        %dma_wait3A_75 = arith.constant 0 : i32
        %dma_wait3A_76 = arith.constant 0 : i32
        %dma_wait3A_77 = tpu.memref_slice %arg3[%dma_wait3A_75, %dma_wait3A_76] : memref<100x128xf32, #tpu.memory_space<hbm>> -> memref<100x128xf32, #tpu.memory_space<hbm>>
        tpu.wait_indirect_dma semaphore(%arg15 : memref<!tpu.dma_semaphore, #tpu.memory_space<semaphore_mem>>) src(%dma_wait3A_77 : memref<100x128xf32, #tpu.memory_space<hbm>>) dst(%arg11 : memref<128x128xf32, #tpu.memory_space<vmem>>)
        %scan3A_78 = arith.constant 0 : i32
        %scan3A_79 = arith.constant 0 : i32
        %scan3A_80 = arith.constant 32 : i32
        %scan3A_81 = arith.addi %scan3A_79, %scan3A_80 : i32
        %scan3A_82 = arith.constant 1 : i32
        %scan3A_83 = scf.for %scan3A_88 = %scan3A_79 to %scan3A_81 step %scan3A_82 iter_args(%scan3A_89 = %scan3A_78) -> (i32)  : i32 {
          %mul3A_90 = arith.constant 4 : i32
          %mul3A_91 = arith.muli %scan3A_88, %mul3A_90 : i32
          %add3A_92 = arith.constant 0 : i32
          %add3A_93 = arith.addi %mul3A_91, %add3A_92 : i32
          %get3A = arith.index_cast %add3A_93 : i32 to index
          %get3A_94 = arith.constant 0 : index
          %get3A_95 = tpu.vector_load %arg10[%get3A, %get3A_94] {strides = array<i32>} : memref<128x128xf32, #tpu.memory_space<vmem>>, vector<1x16xf32>,
          %get3A_96 = vector.shape_cast %get3A_95 : vector<1x16xf32> to vector<16xf32>
          %get3A_97 = arith.index_cast %add3A_93 : i32 to index
          %get3A_98 = arith.constant 0 : index
          %get3A_99 = tpu.vector_load %arg11[%get3A_97, %get3A_98] {strides = array<i32>} : memref<128x128xf32, #tpu.memory_space<vmem>>, vector<1x16xf32>,
          %get3A_100 = vector.shape_cast %get3A_99 : vector<1x16xf32> to vector<16xf32>
          %mul3A_101 = arith.mulf %get3A_96, %get3A_100 : vector<16xf32>
          %swap3A = arith.index_cast %add3A_93 : i32 to index
          %swap3A_102 = arith.constant 0 : index
          %swap3A_103 = tpu.vector_load %arg10[%swap3A, %swap3A_102] {strides = array<i32>} : memref<128x128xf32, #tpu.memory_space<vmem>>, vector<1x16xf32>,
          %swap3A_104 = vector.shape_cast %swap3A_103 : vector<1x16xf32> to vector<16xf32>
          %swap3A_105 = vector.shape_cast %mul3A_101 : vector<16xf32> to vector<1x16xf32>
          tpu.vector_store %arg10[%swap3A, %swap3A_102], %swap3A_105 {strides = array<i32>} : memref<128x128xf32, #tpu.memory_space<vmem>>, vector<1x16xf32>,
          %get3A_106 = arith.index_cast %add3A_93 : i32 to index
          %get3A_107 = arith.constant 16 : index
          %get3A_108 = tpu.vector_load %arg10[%get3A_106, %get3A_107] {strides = array<i32>} : memref<128x128xf32, #tpu.memory_space<vmem>>, vector<1x16xf32>,
          %get3A_109 = vector.shape_cast %get3A_108 : vector<1x16xf32> to vector<16xf32>
          %get3A_110 = arith.index_cast %add3A_93 : i32 to index
          %get3A_111 = arith.constant 16 : index
          %get3A_112 = tpu.vector_load %arg11[%get3A_110, %get3A_111] {strides = array<i32>} : memref<128x128xf32, #tpu.memory_space<vmem>>, vector<1x16xf32>,
          %get3A_113 = vector.shape_cast %get3A_112 : vector<1x16xf32> to vector<16xf32>
          %mul3A_114 = arith.mulf %get3A_109, %get3A_113 : vector<16xf32>
          %swap3A_115 = arith.index_cast %add3A_93 : i32 to index
          %swap3A_116 = arith.constant 16 : index
          %swap3A_117 = tpu.vector_load %arg10[%swap3A_115, %swap3A_116] {strides = array<i32>} : memref<128x128xf32, #tpu.memory_space<vmem>>, vector<1x16xf32>,
          %swap3A_118 = vector.shape_cast %swap3A_117 : vector<1x16xf32> to vector<16xf32>
          %swap3A_119 = vector.shape_cast %mul3A_114 : vector<16xf32> to vector<1x16xf32>
          tpu.vector_store %arg10[%swap3A_115, %swap3A_116], %swap3A_119 {strides = array<i32>} : memref<128x128xf32, #tpu.memory_space<vmem>>, vector<1x16xf32>,
          %get3A_120 = arith.index_cast %add3A_93 : i32 to index
          %get3A_121 = arith.constant 32 : index
          %get3A_122 = tpu.vector_load %arg10[%get3A_120, %get3A_121] {strides = array<i32>} : memref<128x128xf32, #tpu.memory_space<vmem>>, vector<1x16xf32>,
          %get3A_123 = vector.shape_cast %get3A_122 : vector<1x16xf32> to vector<16xf32>
          %get3A_124 = arith.index_cast %add3A_93 : i32 to index
          %get3A_125 = arith.constant 32 : index
          %get3A_126 = tpu.vector_load %arg11[%get3A_124, %get3A_125] {strides = array<i32>} : memref<128x128xf32, #tpu.memory_space<vmem>>, vector<1x16xf32>,
          %get3A_127 = vector.shape_cast %get3A_126 : vector<1x16xf32> to vector<16xf32>
          %mul3A_128 = arith.mulf %get3A_123, %get3A_127 : vector<16xf32>
          %swap3A_129 = arith.index_cast %add3A_93 : i32 to index
          %swap3A_130 = arith.constant 32 : index
          %swap3A_131 = tpu.vector_load %arg10[%swap3A_129, %swap3A_130] {strides = array<i32>} : memref<128x128xf32, #tpu.memory_space<vmem>>, vector<1x16xf32>,
          %swap3A_132 = vector.shape_cast %swap3A_131 : vector<1x16xf32> to vector<16xf32>
          %swap3A_133 = vector.shape_cast %mul3A_128 : vector<16xf32> to vector<1x16xf32>
          tpu.vector_store %arg10[%swap3A_129, %swap3A_130], %swap3A_133 {strides = array<i32>} : memref<128x128xf32, #tpu.memory_space<vmem>>, vector<1x16xf32>,
          %get3A_134 = arith.index_cast %add3A_93 : i32 to index
          %get3A_135 = arith.constant 48 : index
          %get3A_136 = tpu.vector_load %arg10[%get3A_134, %get3A_135] {strides = array<i32>} : memref<128x128xf32, #tpu.memory_space<vmem>>, vector<1x16xf32>,
          %get3A_137 = vector.shape_cast %get3A_136 : vector<1x16xf32> to vector<16xf32>
          %get3A_138 = arith.index_cast %add3A_93 : i32 to index
          %get3A_139 = arith.constant 48 : index
          %get3A_140 = tpu.vector_load %arg11[%get3A_138, %get3A_139] {strides = array<i32>} : memref<128x128xf32, #tpu.memory_space<vmem>>, vector<1x16xf32>,
          %get3A_141 = vector.shape_cast %get3A_140 : vector<1x16xf32> to vector<16xf32>
          %mul3A_142 = arith.mulf %get3A_137, %get3A_141 : vector<16xf32>
          %swap3A_143 = arith.index_cast %add3A_93 : i32 to index
          %swap3A_144 = arith.constant 48 : index
          %swap3A_145 = tpu.vector_load %arg10[%swap3A_143, %swap3A_144] {strides = array<i32>} : memref<128x128xf32, #tpu.memory_space<vmem>>, vector<1x16xf32>,
          %swap3A_146 = vector.shape_cast %swap3A_145 : vector<1x16xf32> to vector<16xf32>
          %swap3A_147 = vector.shape_cast %mul3A_142 : vector<16xf32> to vector<1x16xf32>
          tpu.vector_store %arg10[%swap3A_143, %swap3A_144], %swap3A_147 {strides = array<i32>} : memref<128x128xf32, #tpu.memory_space<vmem>>, vector<1x16xf32>,
          %get3A_148 = arith.index_cast %add3A_93 : i32 to index
          %get3A_149 = arith.constant 64 : index
          %get3A_150 = tpu.vector_load %arg10[%get3A_148, %get3A_149] {strides = array<i32>} : memref<128x128xf32, #tpu.memory_space<vmem>>, vector<1x16xf32>,
          %get3A_151 = vector.shape_cast %get3A_150 : vector<1x16xf32> to vector<16xf32>
          %get3A_152 = arith.index_cast %add3A_93 : i32 to index
          %get3A_153 = arith.constant 64 : index
          %get3A_154 = tpu.vector_load %arg11[%get3A_152, %get3A_153] {strides = array<i32>} : memref<128x128xf32, #tpu.memory_space<vmem>>, vector<1x16xf32>,
          %get3A_155 = vector.shape_cast %get3A_154 : vector<1x16xf32> to vector<16xf32>
          %mul3A_156 = arith.mulf %get3A_151, %get3A_155 : vector<16xf32>
          %swap3A_157 = arith.index_cast %add3A_93 : i32 to index
          %swap3A_158 = arith.constant 64 : index
          %swap3A_159 = tpu.vector_load %arg10[%swap3A_157, %swap3A_158] {strides = array<i32>} : memref<128x128xf32, #tpu.memory_space<vmem>>, vector<1x16xf32>,
          %swap3A_160 = vector.shape_cast %swap3A_159 : vector<1x16xf32> to vector<16xf32>
          %swap3A_161 = vector.shape_cast %mul3A_156 : vector<16xf32> to vector<1x16xf32>
          tpu.vector_store %arg10[%swap3A_157, %swap3A_158], %swap3A_161 {strides = array<i32>} : memref<128x128xf32, #tpu.memory_space<vmem>>, vector<1x16xf32>,
          %get3A_162 = arith.index_cast %add3A_93 : i32 to index
          %get3A_163 = arith.constant 80 : index
          %get3A_164 = tpu.vector_load %arg10[%get3A_162, %get3A_163] {strides = array<i32>} : memref<128x128xf32, #tpu.memory_space<vmem>>, vector<1x16xf32>,
          %get3A_165 = vector.shape_cast %get3A_164 : vector<1x16xf32> to vector<16xf32>
          %get3A_166 = arith.index_cast %add3A_93 : i32 to index
          %get3A_167 = arith.constant 80 : index
          %get3A_168 = tpu.vector_load %arg11[%get3A_166, %get3A_167] {strides = array<i32>} : memref<128x128xf32, #tpu.memory_space<vmem>>, vector<1x16xf32>,
          %get3A_169 = vector.shape_cast %get3A_168 : vector<1x16xf32> to vector<16xf32>
          %mul3A_170 = arith.mulf %get3A_165, %get3A_169 : vector<16xf32>
          %swap3A_171 = arith.index_cast %add3A_93 : i32 to index
          %swap3A_172 = arith.constant 80 : index
          %swap3A_173 = tpu.vector_load %arg10[%swap3A_171, %swap3A_172] {strides = array<i32>} : memref<128x128xf32, #tpu.memory_space<vmem>>, vector<1x16xf32>,
          %swap3A_174 = vector.shape_cast %swap3A_173 : vector<1x16xf32> to vector<16xf32>
          %swap3A_175 = vector.shape_cast %mul3A_170 : vector<16xf32> to vector<1x16xf32>
          tpu.vector_store %arg10[%swap3A_171, %swap3A_172], %swap3A_175 {strides = array<i32>} : memref<128x128xf32, #tpu.memory_space<vmem>>, vector<1x16xf32>,
          %get3A_176 = arith.index_cast %add3A_93 : i32 to index
          %get3A_177 = arith.constant 96 : index
          %get3A_178 = tpu.vector_load %arg10[%get3A_176, %get3A_177] {strides = array<i32>} : memref<128x128xf32, #tpu.memory_space<vmem>>, vector<1x16xf32>,
          %get3A_179 = vector.shape_cast %get3A_178 : vector<1x16xf32> to vector<16xf32>
          %get3A_180 = arith.index_cast %add3A_93 : i32 to index
          %get3A_181 = arith.constant 96 : index
          %get3A_182 = tpu.vector_load %arg11[%get3A_180, %get3A_181] {strides = array<i32>} : memref<128x128xf32, #tpu.memory_space<vmem>>, vector<1x16xf32>,
          %get3A_183 = vector.shape_cast %get3A_182 : vector<1x16xf32> to vector<16xf32>
          %mul3A_184 = arith.mulf %get3A_179, %get3A_183 : vector<16xf32>
          %swap3A_185 = arith.index_cast %add3A_93 : i32 to index
          %swap3A_186 = arith.constant 96 : index
          %swap3A_187 = tpu.vector_load %arg10[%swap3A_185, %swap3A_186] {strides = array<i32>} : memref<128x128xf32, #tpu.memory_space<vmem>>, vector<1x16xf32>,
          %swap3A_188 = vector.shape_cast %swap3A_187 : vector<1x16xf32> to vector<16xf32>
          %swap3A_189 = vector.shape_cast %mul3A_184 : vector<16xf32> to vector<1x16xf32>
          tpu.vector_store %arg10[%swap3A_185, %swap3A_186], %swap3A_189 {strides = array<i32>} : memref<128x128xf32, #tpu.memory_space<vmem>>, vector<1x16xf32>,
          %get3A_190 = arith.index_cast %add3A_93 : i32 to index
          %get3A_191 = arith.constant 112 : index
          %get3A_192 = tpu.vector_load %arg10[%get3A_190, %get3A_191] {strides = array<i32>} : memref<128x128xf32, #tpu.memory_space<vmem>>, vector<1x16xf32>,
          %get3A_193 = vector.shape_cast %get3A_192 : vector<1x16xf32> to vector<16xf32>
          %get3A_194 = arith.index_cast %add3A_93 : i32 to index
          %get3A_195 = arith.constant 112 : index
          %get3A_196 = tpu.vector_load %arg11[%get3A_194, %get3A_195] {strides = array<i32>} : memref<128x128xf32, #tpu.memory_space<vmem>>, vector<1x16xf32>,
          %get3A_197 = vector.shape_cast %get3A_196 : vector<1x16xf32> to vector<16xf32>
          %mul3A_198 = arith.mulf %get3A_193, %get3A_197 : vector<16xf32>
          %swap3A_199 = arith.index_cast %add3A_93 : i32 to index
          %swap3A_200 = arith.constant 112 : index
          %swap3A_201 = tpu.vector_load %arg10[%swap3A_199, %swap3A_200] {strides = array<i32>} : memref<128x128xf32, #tpu.memory_space<vmem>>, vector<1x16xf32>,
          %swap3A_202 = vector.shape_cast %swap3A_201 : vector<1x16xf32> to vector<16xf32>
          %swap3A_203 = vector.shape_cast %mul3A_198 : vector<16xf32> to vector<1x16xf32>
          tpu.vector_store %arg10[%swap3A_199, %swap3A_200], %swap3A_203 {strides = array<i32>} : memref<128x128xf32, #tpu.memory_space<vmem>>, vector<1x16xf32>,
          %mul3A_204 = arith.constant 4 : i32
          %mul3A_205 = arith.muli %scan3A_88, %mul3A_204 : i32
          %add3A_206 = arith.constant 1 : i32
          %add3A_207 = arith.addi %mul3A_205, %add3A_206 : i32
          %get3A_208 = arith.index_cast %add3A_207 : i32 to index
          %get3A_209 = arith.constant 0 : index
          %get3A_210 = tpu.vector_load %arg10[%get3A_208, %get3A_209] {strides = array<i32>} : memref<128x128xf32, #tpu.memory_space<vmem>>, vector<1x16xf32>,
          %get3A_211 = vector.shape_cast %get3A_210 : vector<1x16xf32> to vector<16xf32>
          %get3A_212 = arith.index_cast %add3A_207 : i32 to index
          %get3A_213 = arith.constant 0 : index
          %get3A_214 = tpu.vector_load %arg11[%get3A_212, %get3A_213] {strides = array<i32>} : memref<128x128xf32, #tpu.memory_space<vmem>>, vector<1x16xf32>,
          %get3A_215 = vector.shape_cast %get3A_214 : vector<1x16xf32> to vector<16xf32>
          %mul3A_216 = arith.mulf %get3A_211, %get3A_215 : vector<16xf32>
          %swap3A_217 = arith.index_cast %add3A_207 : i32 to index
          %swap3A_218 = arith.constant 0 : index
          %swap3A_219 = tpu.vector_load %arg10[%swap3A_217, %swap3A_218] {strides = array<i32>} : memref<128x128xf32, #tpu.memory_space<vmem>>, vector<1x16xf32>,
          %swap3A_220 = vector.shape_cast %swap3A_219 : vector<1x16xf32> to vector<16xf32>
          %swap3A_221 = vector.shape_cast %mul3A_216 : vector<16xf32> to vector<1x16xf32>
          tpu.vector_store %arg10[%swap3A_217, %swap3A_218], %swap3A_221 {strides = array<i32>} : memref<128x128xf32, #tpu.memory_space<vmem>>, vector<1x16xf32>,
          %get3A_222 = arith.index_cast %add3A_207 : i32 to index
          %get3A_223 = arith.constant 16 : index
          %get3A_224 = tpu.vector_load %arg10[%get3A_222, %get3A_223] {strides = array<i32>} : memref<128x128xf32, #tpu.memory_space<vmem>>, vector<1x16xf32>,
          %get3A_225 = vector.shape_cast %get3A_224 : vector<1x16xf32> to vector<16xf32>
          %get3A_226 = arith.index_cast %add3A_207 : i32 to index
          %get3A_227 = arith.constant 16 : index
          %get3A_228 = tpu.vector_load %arg11[%get3A_226, %get3A_227] {strides = array<i32>} : memref<128x128xf32, #tpu.memory_space<vmem>>, vector<1x16xf32>,
          %get3A_229 = vector.shape_cast %get3A_228 : vector<1x16xf32> to vector<16xf32>
          %mul3A_230 = arith.mulf %get3A_225, %get3A_229 : vector<16xf32>
          %swap3A_231 = arith.index_cast %add3A_207 : i32 to index
          %swap3A_232 = arith.constant 16 : index
          %swap3A_233 = tpu.vector_load %arg10[%swap3A_231, %swap3A_232] {strides = array<i32>} : memref<128x128xf32, #tpu.memory_space<vmem>>, vector<1x16xf32>,
          %swap3A_234 = vector.shape_cast %swap3A_233 : vector<1x16xf32> to vector<16xf32>
          %swap3A_235 = vector.shape_cast %mul3A_230 : vector<16xf32> to vector<1x16xf32>
          tpu.vector_store %arg10[%swap3A_231, %swap3A_232], %swap3A_235 {strides = array<i32>} : memref<128x128xf32, #tpu.memory_space<vmem>>, vector<1x16xf32>,
          %get3A_236 = arith.index_cast %add3A_207 : i32 to index
          %get3A_237 = arith.constant 32 : index
          %get3A_238 = tpu.vector_load %arg10[%get3A_236, %get3A_237] {strides = array<i32>} : memref<128x128xf32, #tpu.memory_space<vmem>>, vector<1x16xf32>,
          %get3A_239 = vector.shape_cast %get3A_238 : vector<1x16xf32> to vector<16xf32>
          %get3A_240 = arith.index_cast %add3A_207 : i32 to index
          %get3A_241 = arith.constant 32 : index
          %get3A_242 = tpu.vector_load %arg11[%get3A_240, %get3A_241] {strides = array<i32>} : memref<128x128xf32, #tpu.memory_space<vmem>>, vector<1x16xf32>,
          %get3A_243 = vector.shape_cast %get3A_242 : vector<1x16xf32> to vector<16xf32>
          %mul3A_244 = arith.mulf %get3A_239, %get3A_243 : vector<16xf32>
          %swap3A_245 = arith.index_cast %add3A_207 : i32 to index
          %swap3A_246 = arith.constant 32 : index
          %swap3A_247 = tpu.vector_load %arg10[%swap3A_245, %swap3A_246] {strides = array<i32>} : memref<128x128xf32, #tpu.memory_space<vmem>>, vector<1x16xf32>,
          %swap3A_248 = vector.shape_cast %swap3A_247 : vector<1x16xf32> to vector<16xf32>
          %swap3A_249 = vector.shape_cast %mul3A_244 : vector<16xf32> to vector<1x16xf32>
          tpu.vector_store %arg10[%swap3A_245, %swap3A_246], %swap3A_249 {strides = array<i32>} : memref<128x128xf32, #tpu.memory_space<vmem>>, vector<1x16xf32>,
          %get3A_250 = arith.index_cast %add3A_207 : i32 to index
          %get3A_251 = arith.constant 48 : index
          %get3A_252 = tpu.vector_load %arg10[%get3A_250, %get3A_251] {strides = array<i32>} : memref<128x128xf32, #tpu.memory_space<vmem>>, vector<1x16xf32>,
          %get3A_253 = vector.shape_cast %get3A_252 : vector<1x16xf32> to vector<16xf32>
          %get3A_254 = arith.index_cast %add3A_207 : i32 to index
          %get3A_255 = arith.constant 48 : index
          %get3A_256 = tpu.vector_load %arg11[%get3A_254, %get3A_255] {strides = array<i32>} : memref<128x128xf32, #tpu.memory_space<vmem>>, vector<1x16xf32>,
          %get3A_257 = vector.shape_cast %get3A_256 : vector<1x16xf32> to vector<16xf32>
          %mul3A_258 = arith.mulf %get3A_253, %get3A_257 : vector<16xf32>
          %swap3A_259 = arith.index_cast %add3A_207 : i32 to index
          %swap3A_260 = arith.constant 48 : index
          %swap3A_261 = tpu.vector_load %arg10[%swap3A_259, %swap3A_260] {strides = array<i32>} : memref<128x128xf32, #tpu.memory_space<vmem>>, vector<1x16xf32>,
          %swap3A_262 = vector.shape_cast %swap3A_261 : vector<1x16xf32> to vector<16xf32>
          %swap3A_263 = vector.shape_cast %mul3A_258 : vector<16xf32> to vector<1x16xf32>
          tpu.vector_store %arg10[%swap3A_259, %swap3A_260], %swap3A_263 {strides = array<i32>} : memref<128x128xf32, #tpu.memory_space<vmem>>, vector<1x16xf32>,
          %get3A_264 = arith.index_cast %add3A_207 : i32 to index
          %get3A_265 = arith.constant 64 : index
          %get3A_266 = tpu.vector_load %arg10[%get3A_264, %get3A_265] {strides = array<i32>} : memref<128x128xf32, #tpu.memory_space<vmem>>, vector<1x16xf32>,
          %get3A_267 = vector.shape_cast %get3A_266 : vector<1x16xf32> to vector<16xf32>
          %get3A_268 = arith.index_cast %add3A_207 : i32 to index
          %get3A_269 = arith.constant 64 : index
          %get3A_270 = tpu.vector_load %arg11[%get3A_268, %get3A_269] {strides = array<i32>} : memref<128x128xf32, #tpu.memory_space<vmem>>, vector<1x16xf32>,
          %get3A_271 = vector.shape_cast %get3A_270 : vector<1x16xf32> to vector<16xf32>
          %mul3A_272 = arith.mulf %get3A_267, %get3A_271 : vector<16xf32>
          %swap3A_273 = arith.index_cast %add3A_207 : i32 to index
          %swap3A_274 = arith.constant 64 : index
          %swap3A_275 = tpu.vector_load %arg10[%swap3A_273, %swap3A_274] {strides = array<i32>} : memref<128x128xf32, #tpu.memory_space<vmem>>, vector<1x16xf32>,
          %swap3A_276 = vector.shape_cast %swap3A_275 : vector<1x16xf32> to vector<16xf32>
          %swap3A_277 = vector.shape_cast %mul3A_272 : vector<16xf32> to vector<1x16xf32>
          tpu.vector_store %arg10[%swap3A_273, %swap3A_274], %swap3A_277 {strides = array<i32>} : memref<128x128xf32, #tpu.memory_space<vmem>>, vector<1x16xf32>,
          %get3A_278 = arith.index_cast %add3A_207 : i32 to index
          %get3A_279 = arith.constant 80 : index
          %get3A_280 = tpu.vector_load %arg10[%get3A_278, %get3A_279] {strides = array<i32>} : memref<128x128xf32, #tpu.memory_space<vmem>>, vector<1x16xf32>,
          %get3A_281 = vector.shape_cast %get3A_280 : vector<1x16xf32> to vector<16xf32>
          %get3A_282 = arith.index_cast %add3A_207 : i32 to index
          %get3A_283 = arith.constant 80 : index
          %get3A_284 = tpu.vector_load %arg11[%get3A_282, %get3A_283] {strides = array<i32>} : memref<128x128xf32, #tpu.memory_space<vmem>>, vector<1x16xf32>,
          %get3A_285 = vector.shape_cast %get3A_284 : vector<1x16xf32> to vector<16xf32>
          %mul3A_286 = arith.mulf %get3A_281, %get3A_285 : vector<16xf32>
          %swap3A_287 = arith.index_cast %add3A_207 : i32 to index
          %swap3A_288 = arith.constant 80 : index
          %swap3A_289 = tpu.vector_load %arg10[%swap3A_287, %swap3A_288] {strides = array<i32>} : memref<128x128xf32, #tpu.memory_space<vmem>>, vector<1x16xf32>,
          %swap3A_290 = vector.shape_cast %swap3A_289 : vector<1x16xf32> to vector<16xf32>
          %swap3A_291 = vector.shape_cast %mul3A_286 : vector<16xf32> to vector<1x16xf32>
          tpu.vector_store %arg10[%swap3A_287, %swap3A_288], %swap3A_291 {strides = array<i32>} : memref<128x128xf32, #tpu.memory_space<vmem>>, vector<1x16xf32>,
          %get3A_292 = arith.index_cast %add3A_207 : i32 to index
          %get3A_293 = arith.constant 96 : index
          %get3A_294 = tpu.vector_load %arg10[%get3A_292, %get3A_293] {strides = array<i32>} : memref<128x128xf32, #tpu.memory_space<vmem>>, vector<1x16xf32>,
          %get3A_295 = vector.shape_cast %get3A_294 : vector<1x16xf32> to vector<16xf32>
          %get3A_296 = arith.index_cast %add3A_207 : i32 to index
          %get3A_297 = arith.constant 96 : index
          %get3A_298 = tpu.vector_load %arg11[%get3A_296, %get3A_297] {strides = array<i32>} : memref<128x128xf32, #tpu.memory_space<vmem>>, vector<1x16xf32>,
          %get3A_299 = vector.shape_cast %get3A_298 : vector<1x16xf32> to vector<16xf32>
          %mul3A_300 = arith.mulf %get3A_295, %get3A_299 : vector<16xf32>
          %swap3A_301 = arith.index_cast %add3A_207 : i32 to index
          %swap3A_302 = arith.constant 96 : index
          %swap3A_303 = tpu.vector_load %arg10[%swap3A_301, %swap3A_302] {strides = array<i32>} : memref<128x128xf32, #tpu.memory_space<vmem>>, vector<1x16xf32>,
          %swap3A_304 = vector.shape_cast %swap3A_303 : vector<1x16xf32> to vector<16xf32>
          %swap3A_305 = vector.shape_cast %mul3A_300 : vector<16xf32> to vector<1x16xf32>
          tpu.vector_store %arg10[%swap3A_301, %swap3A_302], %swap3A_305 {strides = array<i32>} : memref<128x128xf32, #tpu.memory_space<vmem>>, vector<1x16xf32>,
          %get3A_306 = arith.index_cast %add3A_207 : i32 to index
          %get3A_307 = arith.constant 112 : index
          %get3A_308 = tpu.vector_load %arg10[%get3A_306, %get3A_307] {strides = array<i32>} : memref<128x128xf32, #tpu.memory_space<vmem>>, vector<1x16xf32>,
          %get3A_309 = vector.shape_cast %get3A_308 : vector<1x16xf32> to vector<16xf32>
          %get3A_310 = arith.index_cast %add3A_207 : i32 to index
          %get3A_311 = arith.constant 112 : index
          %get3A_312 = tpu.vector_load %arg11[%get3A_310, %get3A_311] {strides = array<i32>} : memref<128x128xf32, #tpu.memory_space<vmem>>, vector<1x16xf32>,
          %get3A_313 = vector.shape_cast %get3A_312 : vector<1x16xf32> to vector<16xf32>
          %mul3A_314 = arith.mulf %get3A_309, %get3A_313 : vector<16xf32>
          %swap3A_315 = arith.index_cast %add3A_207 : i32 to index
          %swap3A_316 = arith.constant 112 : index
          %swap3A_317 = tpu.vector_load %arg10[%swap3A_315, %swap3A_316] {strides = array<i32>} : memref<128x128xf32, #tpu.memory_space<vmem>>, vector<1x16xf32>,
          %swap3A_318 = vector.shape_cast %swap3A_317 : vector<1x16xf32> to vector<16xf32>
          %swap3A_319 = vector.shape_cast %mul3A_314 : vector<16xf32> to vector<1x16xf32>
          tpu.vector_store %arg10[%swap3A_315, %swap3A_316], %swap3A_319 {strides = array<i32>} : memref<128x128xf32, #tpu.memory_space<vmem>>, vector<1x16xf32>,
          %mul3A_320 = arith.constant 4 : i32
          %mul3A_321 = arith.muli %scan3A_88, %mul3A_320 : i32
          %add3A_322 = arith.constant 2 : i32
          %add3A_323 = arith.addi %mul3A_321, %add3A_322 : i32
          %get3A_324 = arith.index_cast %add3A_323 : i32 to index
          %get3A_325 = arith.constant 0 : index
          %get3A_326 = tpu.vector_load %arg10[%get3A_324, %get3A_325] {strides = array<i32>} : memref<128x128xf32, #tpu.memory_space<vmem>>, vector<1x16xf32>,
          %get3A_327 = vector.shape_cast %get3A_326 : vector<1x16xf32> to vector<16xf32>
          %get3A_328 = arith.index_cast %add3A_323 : i32 to index
          %get3A_329 = arith.constant 0 : index
          %get3A_330 = tpu.vector_load %arg11[%get3A_328, %get3A_329] {strides = array<i32>} : memref<128x128xf32, #tpu.memory_space<vmem>>, vector<1x16xf32>,
          %get3A_331 = vector.shape_cast %get3A_330 : vector<1x16xf32> to vector<16xf32>
          %mul3A_332 = arith.mulf %get3A_327, %get3A_331 : vector<16xf32>
          %swap3A_333 = arith.index_cast %add3A_323 : i32 to index
          %swap3A_334 = arith.constant 0 : index
          %swap3A_335 = tpu.vector_load %arg10[%swap3A_333, %swap3A_334] {strides = array<i32>} : memref<128x128xf32, #tpu.memory_space<vmem>>, vector<1x16xf32>,
          %swap3A_336 = vector.shape_cast %swap3A_335 : vector<1x16xf32> to vector<16xf32>
          %swap3A_337 = vector.shape_cast %mul3A_332 : vector<16xf32> to vector<1x16xf32>
          tpu.vector_store %arg10[%swap3A_333, %swap3A_334], %swap3A_337 {strides = array<i32>} : memref<128x128xf32, #tpu.memory_space<vmem>>, vector<1x16xf32>,
          %get3A_338 = arith.index_cast %add3A_323 : i32 to index
          %get3A_339 = arith.constant 16 : index
          %get3A_340 = tpu.vector_load %arg10[%get3A_338, %get3A_339] {strides = array<i32>} : memref<128x128xf32, #tpu.memory_space<vmem>>, vector<1x16xf32>,
          %get3A_341 = vector.shape_cast %get3A_340 : vector<1x16xf32> to vector<16xf32>
          %get3A_342 = arith.index_cast %add3A_323 : i32 to index
          %get3A_343 = arith.constant 16 : index
          %get3A_344 = tpu.vector_load %arg11[%get3A_342, %get3A_343] {strides = array<i32>} : memref<128x128xf32, #tpu.memory_space<vmem>>, vector<1x16xf32>,
          %get3A_345 = vector.shape_cast %get3A_344 : vector<1x16xf32> to vector<16xf32>
          %mul3A_346 = arith.mulf %get3A_341, %get3A_345 : vector<16xf32>
          %swap3A_347 = arith.index_cast %add3A_323 : i32 to index
          %swap3A_348 = arith.constant 16 : index
          %swap3A_349 = tpu.vector_load %arg10[%swap3A_347, %swap3A_348] {strides = array<i32>} : memref<128x128xf32, #tpu.memory_space<vmem>>, vector<1x16xf32>,
          %swap3A_350 = vector.shape_cast %swap3A_349 : vector<1x16xf32> to vector<16xf32>
          %swap3A_351 = vector.shape_cast %mul3A_346 : vector<16xf32> to vector<1x16xf32>
          tpu.vector_store %arg10[%swap3A_347, %swap3A_348], %swap3A_351 {strides = array<i32>} : memref<128x128xf32, #tpu.memory_space<vmem>>, vector<1x16xf32>,
          %get3A_352 = arith.index_cast %add3A_323 : i32 to index
          %get3A_353 = arith.constant 32 : index
          %get3A_354 = tpu.vector_load %arg10[%get3A_352, %get3A_353] {strides = array<i32>} : memref<128x128xf32, #tpu.memory_space<vmem>>, vector<1x16xf32>,
          %get3A_355 = vector.shape_cast %get3A_354 : vector<1x16xf32> to vector<16xf32>
          %get3A_356 = arith.index_cast %add3A_323 : i32 to index
          %get3A_357 = arith.constant 32 : index
          %get3A_358 = tpu.vector_load %arg11[%get3A_356, %get3A_357] {strides = array<i32>} : memref<128x128xf32, #tpu.memory_space<vmem>>, vector<1x16xf32>,
          %get3A_359 = vector.shape_cast %get3A_358 : vector<1x16xf32> to vector<16xf32>
          %mul3A_360 = arith.mulf %get3A_355, %get3A_359 : vector<16xf32>
          %swap3A_361 = arith.index_cast %add3A_323 : i32 to index
          %swap3A_362 = arith.constant 32 : index
          %swap3A_363 = tpu.vector_load %arg10[%swap3A_361, %swap3A_362] {strides = array<i32>} : memref<128x128xf32, #tpu.memory_space<vmem>>, vector<1x16xf32>,
          %swap3A_364 = vector.shape_cast %swap3A_363 : vector<1x16xf32> to vector<16xf32>
          %swap3A_365 = vector.shape_cast %mul3A_360 : vector<16xf32> to vector<1x16xf32>
          tpu.vector_store %arg10[%swap3A_361, %swap3A_362], %swap3A_365 {strides = array<i32>} : memref<128x128xf32, #tpu.memory_space<vmem>>, vector<1x16xf32>,
          %get3A_366 = arith.index_cast %add3A_323 : i32 to index
          %get3A_367 = arith.constant 48 : index
          %get3A_368 = tpu.vector_load %arg10[%get3A_366, %get3A_367] {strides = array<i32>} : memref<128x128xf32, #tpu.memory_space<vmem>>, vector<1x16xf32>,
          %get3A_369 = vector.shape_cast %get3A_368 : vector<1x16xf32> to vector<16xf32>
          %get3A_370 = arith.index_cast %add3A_323 : i32 to index
          %get3A_371 = arith.constant 48 : index
          %get3A_372 = tpu.vector_load %arg11[%get3A_370, %get3A_371] {strides = array<i32>} : memref<128x128xf32, #tpu.memory_space<vmem>>, vector<1x16xf32>,
          %get3A_373 = vector.shape_cast %get3A_372 : vector<1x16xf32> to vector<16xf32>
          %mul3A_374 = arith.mulf %get3A_369, %get3A_373 : vector<16xf32>
          %swap3A_375 = arith.index_cast %add3A_323 : i32 to index
          %swap3A_376 = arith.constant 48 : index
          %swap3A_377 = tpu.vector_load %arg10[%swap3A_375, %swap3A_376] {strides = array<i32>} : memref<128x128xf32, #tpu.memory_space<vmem>>, vector<1x16xf32>,
          %swap3A_378 = vector.shape_cast %swap3A_377 : vector<1x16xf32> to vector<16xf32>
          %swap3A_379 = vector.shape_cast %mul3A_374 : vector<16xf32> to vector<1x16xf32>
          tpu.vector_store %arg10[%swap3A_375, %swap3A_376], %swap3A_379 {strides = array<i32>} : memref<128x128xf32, #tpu.memory_space<vmem>>, vector<1x16xf32>,
          %get3A_380 = arith.index_cast %add3A_323 : i32 to index
          %get3A_381 = arith.constant 64 : index
          %get3A_382 = tpu.vector_load %arg10[%get3A_380, %get3A_381] {strides = array<i32>} : memref<128x128xf32, #tpu.memory_space<vmem>>, vector<1x16xf32>,
          %get3A_383 = vector.shape_cast %get3A_382 : vector<1x16xf32> to vector<16xf32>
          %get3A_384 = arith.index_cast %add3A_323 : i32 to index
          %get3A_385 = arith.constant 64 : index
          %get3A_386 = tpu.vector_load %arg11[%get3A_384, %get3A_385] {strides = array<i32>} : memref<128x128xf32, #tpu.memory_space<vmem>>, vector<1x16xf32>,
          %get3A_387 = vector.shape_cast %get3A_386 : vector<1x16xf32> to vector<16xf32>
          %mul3A_388 = arith.mulf %get3A_383, %get3A_387 : vector<16xf32>
          %swap3A_389 = arith.index_cast %add3A_323 : i32 to index
          %swap3A_390 = arith.constant 64 : index
          %swap3A_391 = tpu.vector_load %arg10[%swap3A_389, %swap3A_390] {strides = array<i32>} : memref<128x128xf32, #tpu.memory_space<vmem>>, vector<1x16xf32>,
          %swap3A_392 = vector.shape_cast %swap3A_391 : vector<1x16xf32> to vector<16xf32>
          %swap3A_393 = vector.shape_cast %mul3A_388 : vector<16xf32> to vector<1x16xf32>
          tpu.vector_store %arg10[%swap3A_389, %swap3A_390], %swap3A_393 {strides = array<i32>} : memref<128x128xf32, #tpu.memory_space<vmem>>, vector<1x16xf32>,
          %get3A_394 = arith.index_cast %add3A_323 : i32 to index
          %get3A_395 = arith.constant 80 : index
          %get3A_396 = tpu.vector_load %arg10[%get3A_394, %get3A_395] {strides = array<i32>} : memref<128x128xf32, #tpu.memory_space<vmem>>, vector<1x16xf32>,
          %get3A_397 = vector.shape_cast %get3A_396 : vector<1x16xf32> to vector<16xf32>
          %get3A_398 = arith.index_cast %add3A_323 : i32 to index
          %get3A_399 = arith.constant 80 : index
          %get3A_400 = tpu.vector_load %arg11[%get3A_398, %get3A_399] {strides = array<i32>} : memref<128x128xf32, #tpu.memory_space<vmem>>, vector<1x16xf32>,
          %get3A_401 = vector.shape_cast %get3A_400 : vector<1x16xf32> to vector<16xf32>
          %mul3A_402 = arith.mulf %get3A_397, %get3A_401 : vector<16xf32>
          %swap3A_403 = arith.index_cast %add3A_323 : i32 to index
          %swap3A_404 = arith.constant 80 : index
          %swap3A_405 = tpu.vector_load %arg10[%swap3A_403, %swap3A_404] {strides = array<i32>} : memref<128x128xf32, #tpu.memory_space<vmem>>, vector<1x16xf32>,
          %swap3A_406 = vector.shape_cast %swap3A_405 : vector<1x16xf32> to vector<16xf32>
          %swap3A_407 = vector.shape_cast %mul3A_402 : vector<16xf32> to vector<1x16xf32>
          tpu.vector_store %arg10[%swap3A_403, %swap3A_404], %swap3A_407 {strides = array<i32>} : memref<128x128xf32, #tpu.memory_space<vmem>>, vector<1x16xf32>,
          %get3A_408 = arith.index_cast %add3A_323 : i32 to index
          %get3A_409 = arith.constant 96 : index
          %get3A_410 = tpu.vector_load %arg10[%get3A_408, %get3A_409] {strides = array<i32>} : memref<128x128xf32, #tpu.memory_space<vmem>>, vector<1x16xf32>,
          %get3A_411 = vector.shape_cast %get3A_410 : vector<1x16xf32> to vector<16xf32>
          %get3A_412 = arith.index_cast %add3A_323 : i32 to index
          %get3A_413 = arith.constant 96 : index
          %get3A_414 = tpu.vector_load %arg11[%get3A_412, %get3A_413] {strides = array<i32>} : memref<128x128xf32, #tpu.memory_space<vmem>>, vector<1x16xf32>,
          %get3A_415 = vector.shape_cast %get3A_414 : vector<1x16xf32> to vector<16xf32>
          %mul3A_416 = arith.mulf %get3A_411, %get3A_415 : vector<16xf32>
          %swap3A_417 = arith.index_cast %add3A_323 : i32 to index
          %swap3A_418 = arith.constant 96 : index
          %swap3A_419 = tpu.vector_load %arg10[%swap3A_417, %swap3A_418] {strides = array<i32>} : memref<128x128xf32, #tpu.memory_space<vmem>>, vector<1x16xf32>,
          %swap3A_420 = vector.shape_cast %swap3A_419 : vector<1x16xf32> to vector<16xf32>
          %swap3A_421 = vector.shape_cast %mul3A_416 : vector<16xf32> to vector<1x16xf32>
          tpu.vector_store %arg10[%swap3A_417, %swap3A_418], %swap3A_421 {strides = array<i32>} : memref<128x128xf32, #tpu.memory_space<vmem>>, vector<1x16xf32>,
          %get3A_422 = arith.index_cast %add3A_323 : i32 to index
          %get3A_423 = arith.constant 112 : index
          %get3A_424 = tpu.vector_load %arg10[%get3A_422, %get3A_423] {strides = array<i32>} : memref<128x128xf32, #tpu.memory_space<vmem>>, vector<1x16xf32>,
          %get3A_425 = vector.shape_cast %get3A_424 : vector<1x16xf32> to vector<16xf32>
          %get3A_426 = arith.index_cast %add3A_323 : i32 to index
          %get3A_427 = arith.constant 112 : index
          %get3A_428 = tpu.vector_load %arg11[%get3A_426, %get3A_427] {strides = array<i32>} : memref<128x128xf32, #tpu.memory_space<vmem>>, vector<1x16xf32>,
          %get3A_429 = vector.shape_cast %get3A_428 : vector<1x16xf32> to vector<16xf32>
          %mul3A_430 = arith.mulf %get3A_425, %get3A_429 : vector<16xf32>
          %swap3A_431 = arith.index_cast %add3A_323 : i32 to index
          %swap3A_432 = arith.constant 112 : index
          %swap3A_433 = tpu.vector_load %arg10[%swap3A_431, %swap3A_432] {strides = array<i32>} : memref<128x128xf32, #tpu.memory_space<vmem>>, vector<1x16xf32>,
          %swap3A_434 = vector.shape_cast %swap3A_433 : vector<1x16xf32> to vector<16xf32>
          %swap3A_435 = vector.shape_cast %mul3A_430 : vector<16xf32> to vector<1x16xf32>
          tpu.vector_store %arg10[%swap3A_431, %swap3A_432], %swap3A_435 {strides = array<i32>} : memref<128x128xf32, #tpu.memory_space<vmem>>, vector<1x16xf32>,
          %mul3A_436 = arith.constant 4 : i32
          %mul3A_437 = arith.muli %scan3A_88, %mul3A_436 : i32
          %add3A_438 = arith.constant 3 : i32
          %add3A_439 = arith.addi %mul3A_437, %add3A_438 : i32
          %get3A_440 = arith.index_cast %add3A_439 : i32 to index
          %get3A_441 = arith.constant 0 : index
          %get3A_442 = tpu.vector_load %arg10[%get3A_440, %get3A_441] {strides = array<i32>} : memref<128x128xf32, #tpu.memory_space<vmem>>, vector<1x16xf32>,
          %get3A_443 = vector.shape_cast %get3A_442 : vector<1x16xf32> to vector<16xf32>
          %get3A_444 = arith.index_cast %add3A_439 : i32 to index
          %get3A_445 = arith.constant 0 : index
          %get3A_446 = tpu.vector_load %arg11[%get3A_444, %get3A_445] {strides = array<i32>} : memref<128x128xf32, #tpu.memory_space<vmem>>, vector<1x16xf32>,
          %get3A_447 = vector.shape_cast %get3A_446 : vector<1x16xf32> to vector<16xf32>
          %mul3A_448 = arith.mulf %get3A_443, %get3A_447 : vector<16xf32>
          %swap3A_449 = arith.index_cast %add3A_439 : i32 to index
          %swap3A_450 = arith.constant 0 : index
          %swap3A_451 = tpu.vector_load %arg10[%swap3A_449, %swap3A_450] {strides = array<i32>} : memref<128x128xf32, #tpu.memory_space<vmem>>, vector<1x16xf32>,
          %swap3A_452 = vector.shape_cast %swap3A_451 : vector<1x16xf32> to vector<16xf32>
          %swap3A_453 = vector.shape_cast %mul3A_448 : vector<16xf32> to vector<1x16xf32>
          tpu.vector_store %arg10[%swap3A_449, %swap3A_450], %swap3A_453 {strides = array<i32>} : memref<128x128xf32, #tpu.memory_space<vmem>>, vector<1x16xf32>,
          %get3A_454 = arith.index_cast %add3A_439 : i32 to index
          %get3A_455 = arith.constant 16 : index
          %get3A_456 = tpu.vector_load %arg10[%get3A_454, %get3A_455] {strides = array<i32>} : memref<128x128xf32, #tpu.memory_space<vmem>>, vector<1x16xf32>,
          %get3A_457 = vector.shape_cast %get3A_456 : vector<1x16xf32> to vector<16xf32>
          %get3A_458 = arith.index_cast %add3A_439 : i32 to index
          %get3A_459 = arith.constant 16 : index
          %get3A_460 = tpu.vector_load %arg11[%get3A_458, %get3A_459] {strides = array<i32>} : memref<128x128xf32, #tpu.memory_space<vmem>>, vector<1x16xf32>,
          %get3A_461 = vector.shape_cast %get3A_460 : vector<1x16xf32> to vector<16xf32>
          %mul3A_462 = arith.mulf %get3A_457, %get3A_461 : vector<16xf32>
          %swap3A_463 = arith.index_cast %add3A_439 : i32 to index
          %swap3A_464 = arith.constant 16 : index
          %swap3A_465 = tpu.vector_load %arg10[%swap3A_463, %swap3A_464] {strides = array<i32>} : memref<128x128xf32, #tpu.memory_space<vmem>>, vector<1x16xf32>,
          %swap3A_466 = vector.shape_cast %swap3A_465 : vector<1x16xf32> to vector<16xf32>
          %swap3A_467 = vector.shape_cast %mul3A_462 : vector<16xf32> to vector<1x16xf32>
          tpu.vector_store %arg10[%swap3A_463, %swap3A_464], %swap3A_467 {strides = array<i32>} : memref<128x128xf32, #tpu.memory_space<vmem>>, vector<1x16xf32>,
          %get3A_468 = arith.index_cast %add3A_439 : i32 to index
          %get3A_469 = arith.constant 32 : index
          %get3A_470 = tpu.vector_load %arg10[%get3A_468, %get3A_469] {strides = array<i32>} : memref<128x128xf32, #tpu.memory_space<vmem>>, vector<1x16xf32>,
          %get3A_471 = vector.shape_cast %get3A_470 : vector<1x16xf32> to vector<16xf32>
          %get3A_472 = arith.index_cast %add3A_439 : i32 to index
          %get3A_473 = arith.constant 32 : index
          %get3A_474 = tpu.vector_load %arg11[%get3A_472, %get3A_473] {strides = array<i32>} : memref<128x128xf32, #tpu.memory_space<vmem>>, vector<1x16xf32>,
          %get3A_475 = vector.shape_cast %get3A_474 : vector<1x16xf32> to vector<16xf32>
          %mul3A_476 = arith.mulf %get3A_471, %get3A_475 : vector<16xf32>
          %swap3A_477 = arith.index_cast %add3A_439 : i32 to index
          %swap3A_478 = arith.constant 32 : index
          %swap3A_479 = tpu.vector_load %arg10[%swap3A_477, %swap3A_478] {strides = array<i32>} : memref<128x128xf32, #tpu.memory_space<vmem>>, vector<1x16xf32>,
          %swap3A_480 = vector.shape_cast %swap3A_479 : vector<1x16xf32> to vector<16xf32>
          %swap3A_481 = vector.shape_cast %mul3A_476 : vector<16xf32> to vector<1x16xf32>
          tpu.vector_store %arg10[%swap3A_477, %swap3A_478], %swap3A_481 {strides = array<i32>} : memref<128x128xf32, #tpu.memory_space<vmem>>, vector<1x16xf32>,
          %get3A_482 = arith.index_cast %add3A_439 : i32 to index
          %get3A_483 = arith.constant 48 : index
          %get3A_484 = tpu.vector_load %arg10[%get3A_482, %get3A_483] {strides = array<i32>} : memref<128x128xf32, #tpu.memory_space<vmem>>, vector<1x16xf32>,
          %get3A_485 = vector.shape_cast %get3A_484 : vector<1x16xf32> to vector<16xf32>
          %get3A_486 = arith.index_cast %add3A_439 : i32 to index
          %get3A_487 = arith.constant 48 : index
          %get3A_488 = tpu.vector_load %arg11[%get3A_486, %get3A_487] {strides = array<i32>} : memref<128x128xf32, #tpu.memory_space<vmem>>, vector<1x16xf32>,
          %get3A_489 = vector.shape_cast %get3A_488 : vector<1x16xf32> to vector<16xf32>
          %mul3A_490 = arith.mulf %get3A_485, %get3A_489 : vector<16xf32>
          %swap3A_491 = arith.index_cast %add3A_439 : i32 to index
          %swap3A_492 = arith.constant 48 : index
          %swap3A_493 = tpu.vector_load %arg10[%swap3A_491, %swap3A_492] {strides = array<i32>} : memref<128x128xf32, #tpu.memory_space<vmem>>, vector<1x16xf32>,
          %swap3A_494 = vector.shape_cast %swap3A_493 : vector<1x16xf32> to vector<16xf32>
          %swap3A_495 = vector.shape_cast %mul3A_490 : vector<16xf32> to vector<1x16xf32>
          tpu.vector_store %arg10[%swap3A_491, %swap3A_492], %swap3A_495 {strides = array<i32>} : memref<128x128xf32, #tpu.memory_space<vmem>>, vector<1x16xf32>,
          %get3A_496 = arith.index_cast %add3A_439 : i32 to index
          %get3A_497 = arith.constant 64 : index
          %get3A_498 = tpu.vector_load %arg10[%get3A_496, %get3A_497] {strides = array<i32>} : memref<128x128xf32, #tpu.memory_space<vmem>>, vector<1x16xf32>,
          %get3A_499 = vector.shape_cast %get3A_498 : vector<1x16xf32> to vector<16xf32>
          %get3A_500 = arith.index_cast %add3A_439 : i32 to index
          %get3A_501 = arith.constant 64 : index
          %get3A_502 = tpu.vector_load %arg11[%get3A_500, %get3A_501] {strides = array<i32>} : memref<128x128xf32, #tpu.memory_space<vmem>>, vector<1x16xf32>,
          %get3A_503 = vector.shape_cast %get3A_502 : vector<1x16xf32> to vector<16xf32>
          %mul3A_504 = arith.mulf %get3A_499, %get3A_503 : vector<16xf32>
          %swap3A_505 = arith.index_cast %add3A_439 : i32 to index
          %swap3A_506 = arith.constant 64 : index
          %swap3A_507 = tpu.vector_load %arg10[%swap3A_505, %swap3A_506] {strides = array<i32>} : memref<128x128xf32, #tpu.memory_space<vmem>>, vector<1x16xf32>,
          %swap3A_508 = vector.shape_cast %swap3A_507 : vector<1x16xf32> to vector<16xf32>
          %swap3A_509 = vector.shape_cast %mul3A_504 : vector<16xf32> to vector<1x16xf32>
          tpu.vector_store %arg10[%swap3A_505, %swap3A_506], %swap3A_509 {strides = array<i32>} : memref<128x128xf32, #tpu.memory_space<vmem>>, vector<1x16xf32>,
          %get3A_510 = arith.index_cast %add3A_439 : i32 to index
          %get3A_511 = arith.constant 80 : index
          %get3A_512 = tpu.vector_load %arg10[%get3A_510, %get3A_511] {strides = array<i32>} : memref<128x128xf32, #tpu.memory_space<vmem>>, vector<1x16xf32>,
          %get3A_513 = vector.shape_cast %get3A_512 : vector<1x16xf32> to vector<16xf32>
          %get3A_514 = arith.index_cast %add3A_439 : i32 to index
          %get3A_515 = arith.constant 80 : index
          %get3A_516 = tpu.vector_load %arg11[%get3A_514, %get3A_515] {strides = array<i32>} : memref<128x128xf32, #tpu.memory_space<vmem>>, vector<1x16xf32>,
          %get3A_517 = vector.shape_cast %get3A_516 : vector<1x16xf32> to vector<16xf32>
          %mul3A_518 = arith.mulf %get3A_513, %get3A_517 : vector<16xf32>
          %swap3A_519 = arith.index_cast %add3A_439 : i32 to index
          %swap3A_520 = arith.constant 80 : index
          %swap3A_521 = tpu.vector_load %arg10[%swap3A_519, %swap3A_520] {strides = array<i32>} : memref<128x128xf32, #tpu.memory_space<vmem>>, vector<1x16xf32>,
          %swap3A_522 = vector.shape_cast %swap3A_521 : vector<1x16xf32> to vector<16xf32>
          %swap3A_523 = vector.shape_cast %mul3A_518 : vector<16xf32> to vector<1x16xf32>
          tpu.vector_store %arg10[%swap3A_519, %swap3A_520], %swap3A_523 {strides = array<i32>} : memref<128x128xf32, #tpu.memory_space<vmem>>, vector<1x16xf32>,
          %get3A_524 = arith.index_cast %add3A_439 : i32 to index
          %get3A_525 = arith.constant 96 : index
          %get3A_526 = tpu.vector_load %arg10[%get3A_524, %get3A_525] {strides = array<i32>} : memref<128x128xf32, #tpu.memory_space<vmem>>, vector<1x16xf32>,
          %get3A_527 = vector.shape_cast %get3A_526 : vector<1x16xf32> to vector<16xf32>
          %get3A_528 = arith.index_cast %add3A_439 : i32 to index
          %get3A_529 = arith.constant 96 : index
          %get3A_530 = tpu.vector_load %arg11[%get3A_528, %get3A_529] {strides = array<i32>} : memref<128x128xf32, #tpu.memory_space<vmem>>, vector<1x16xf32>,
          %get3A_531 = vector.shape_cast %get3A_530 : vector<1x16xf32> to vector<16xf32>
          %mul3A_532 = arith.mulf %get3A_527, %get3A_531 : vector<16xf32>
          %swap3A_533 = arith.index_cast %add3A_439 : i32 to index
          %swap3A_534 = arith.constant 96 : index
          %swap3A_535 = tpu.vector_load %arg10[%swap3A_533, %swap3A_534] {strides = array<i32>} : memref<128x128xf32, #tpu.memory_space<vmem>>, vector<1x16xf32>,
          %swap3A_536 = vector.shape_cast %swap3A_535 : vector<1x16xf32> to vector<16xf32>
          %swap3A_537 = vector.shape_cast %mul3A_532 : vector<16xf32> to vector<1x16xf32>
          tpu.vector_store %arg10[%swap3A_533, %swap3A_534], %swap3A_537 {strides = array<i32>} : memref<128x128xf32, #tpu.memory_space<vmem>>, vector<1x16xf32>,
          %get3A_538 = arith.index_cast %add3A_439 : i32 to index
          %get3A_539 = arith.constant 112 : index
          %get3A_540 = tpu.vector_load %arg10[%get3A_538, %get3A_539] {strides = array<i32>} : memref<128x128xf32, #tpu.memory_space<vmem>>, vector<1x16xf32>,
          %get3A_541 = vector.shape_cast %get3A_540 : vector<1x16xf32> to vector<16xf32>
          %get3A_542 = arith.index_cast %add3A_439 : i32 to index
          %get3A_543 = arith.constant 112 : index
          %get3A_544 = tpu.vector_load %arg11[%get3A_542, %get3A_543] {strides = array<i32>} : memref<128x128xf32, #tpu.memory_space<vmem>>, vector<1x16xf32>,
          %get3A_545 = vector.shape_cast %get3A_544 : vector<1x16xf32> to vector<16xf32>
          %mul3A_546 = arith.mulf %get3A_541, %get3A_545 : vector<16xf32>
          %swap3A_547 = arith.index_cast %add3A_439 : i32 to index
          %swap3A_548 = arith.constant 112 : index
          %swap3A_549 = tpu.vector_load %arg10[%swap3A_547, %swap3A_548] {strides = array<i32>} : memref<128x128xf32, #tpu.memory_space<vmem>>, vector<1x16xf32>,
          %swap3A_550 = vector.shape_cast %swap3A_549 : vector<1x16xf32> to vector<16xf32>
          %swap3A_551 = vector.shape_cast %mul3A_546 : vector<16xf32> to vector<1x16xf32>
          tpu.vector_store %arg10[%swap3A_547, %swap3A_548], %swap3A_551 {strides = array<i32>} : memref<128x128xf32, #tpu.memory_space<vmem>>, vector<1x16xf32>,
          %scan3A_552 = arith.constant 0 : i32
          scf.yield %scan3A_552 : i32
        }
        %scan3A_84 = arith.constant 32 : i32
        %mul3A_85 = arith.constant 10112 : i32
        %mul3A_86 = arith.muli %arg0, %mul3A_85 : i32
        %add3A_87 = arith.addi %mul3A_86, %mul3A_71 : i32
        "tpu.region"() ({
          %run_scoped3A_88 = tpu.sem_alloc : memref<!tpu.dma_semaphore, #tpu.memory_space<semaphore_mem>>
          %dma_start3A_89 = arith.constant 0 : i32
          %dma_start3A_90 = tpu.memref_slice %arg8[%add3A_87, %dma_start3A_89] : memref<20224x128xf32, #tpu.memory_space<hbm>> -> memref<128x128xf32, #tpu.memory_space<hbm>>
          %dma_start3A_91 = arith.constant 0 : i32
          %dma_start3A_92 = tpu.memref_slice %arg8[%add3A_87, %dma_start3A_91] : memref<20224x128xf32, #tpu.memory_space<hbm>> -> memref<128x128xf32, #tpu.memory_space<hbm>>
          tpu.enqueue_dma source(%arg10 : memref<128x128xf32, #tpu.memory_space<vmem>>) target(%dma_start3A_92 : memref<128x128xf32, #tpu.memory_space<hbm>>) target_semaphore(%run_scoped3A_88 : memref<!tpu.dma_semaphore, #tpu.memory_space<semaphore_mem>>)
          %dma_wait3A_93 = arith.constant 0 : i32
          %dma_wait3A_94 = tpu.memref_slice %arg8[%add3A_87, %dma_wait3A_93] : memref<20224x128xf32, #tpu.memory_space<hbm>> -> memref<128x128xf32, #tpu.memory_space<hbm>>
          %dma_wait3A_95 = arith.constant 0 : i32
          %dma_wait3A_96 = tpu.memref_slice %arg8[%add3A_87, %dma_wait3A_95] : memref<20224x128xf32, #tpu.memory_space<hbm>> -> memref<128x128xf32, #tpu.memory_space<hbm>>
          tpu.wait_dma2 semaphore(%run_scoped3A_88 : memref<!tpu.dma_semaphore, #tpu.memory_space<semaphore_mem>>) src(%arg10 : memref<128x128xf32, #tpu.memory_space<vmem>>) dst(%dma_wait3A_96 : memref<128x128xf32, #tpu.memory_space<hbm>>)
          tpu.yield
        }) : () -> ()
      } else {
      }
      %scan3A_69 = arith.constant 0 : i32
      scf.yield %scan3A_69 : i32
    }
    %scan3A_58 = arith.constant 5 : i32
    return
  }
}

module attributes {stable_mosaic.version = 14 : i64} {
  func.func @_add_body(%arg0: i32, %arg1: memref<128x128xf32, #tpu.memory_space<vmem>>, %arg2: memref<128x128xf32, #tpu.memory_space<vmem>>, %arg3: memref<128x128xf32, #tpu.memory_space<vmem>>) attributes {dimension_semantics = [#tpu.dimension_semantics<arbitrary>], iteration_bounds = array<i64: 79>, scalar_prefetch = 0 : i64, scratch_operands = 0 : i64, tpu.core_type = #tpu.core_type<tc>, window_params = [{transform_indices = @transform_0, window_bounds = array<i64: 128, 128>}, {transform_indices = @transform_1, window_bounds = array<i64: 128, 128>}, {transform_indices = @transform_2, window_bounds = array<i64: 128, 128>}]} {
    %get3A = arith.constant 0 : index
    %get3A_0 = arith.constant 0 : index
    %get3A_1 = vector.load %arg1[%get3A, %get3A_0] : memref<128x128xf32, #tpu.memory_space<vmem>>, vector<128x128xf32>
    %get3A_2 = arith.constant 0 : index
    %get3A_3 = arith.constant 0 : index
    %get3A_4 = vector.load %arg2[%get3A_2, %get3A_3] : memref<128x128xf32, #tpu.memory_space<vmem>>, vector<128x128xf32>
    %add3A = arith.addf %get3A_1, %get3A_4 : vector<128x128xf32>
    %swap3A = arith.constant 0 : index
    %swap3A_5 = arith.constant 0 : index
    %swap3A_6 = vector.load %arg3[%swap3A, %swap3A_5] : memref<128x128xf32, #tpu.memory_space<vmem>>, vector<128x128xf32>
    tpu.vector_store %arg3[%swap3A, %swap3A_5], %add3A {strides = array<i32>} : memref<128x128xf32, #tpu.memory_space<vmem>>, vector<128x128xf32>,
    return
  }
  func.func @transform_0(%arg0: i32) -> (i32, i32) {
    %c0_i32 = arith.constant 0 : i32
    %c0_i32_0 = arith.constant 0 : i32
    return %arg0, %c0_i32 : i32, i32
  }
  func.func @transform_1(%arg0: i32) -> (i32, i32) {
    %add3A = arith.constant 79 : i32
    %add3A_0 = arith.addi %arg0, %add3A : i32
    %c0_i32 = arith.constant 0 : i32
    %c0_i32_1 = arith.constant 0 : i32
    return %add3A_0, %c0_i32 : i32, i32
  }
  func.func @transform_2(%arg0: i32) -> (i32, i32) {
    %c0_i32 = arith.constant 0 : i32
    %c0_i32_0 = arith.constant 0 : i32
    return %arg0, %c0_i32 : i32, i32
  }
}

</mosaic_0001>

<sc_bundles>
// kernel: _run.4.cloned.1.call-start
scs
__scs_entry_jumppad:
0x0: {  	(pc) =	sbr.rel $0x88, $3  }
0x1: {  	(tag) =	ssettag $0x0;
	lr =	simm.s32 $0x1  }
0x2: {  	[smem:$0x3F9B] =	sst lr;
	_ =	strace $0xD0000000  }
0x3: {  	_ = 	snop  }
0x4: {  	_ = 	snop  }
0x5: {  	_ = 	snop  }
0x6: {  	_ = 	snop  }
0x7: {  	_ = 	snop  }
__scs_overlays_trampoline_lowered:
0x8: {  	[smem:$0x3FAA] =	sst s0  }
0x9: {  	[smem:$0x3FAB] =	sst s1  }
0xa: {  	[smem:$0x3FAC] =	sst s2  }
0xb: {  	[smem:$0x3FAD] =	sst s3  }
0xc: {  	[smem:$0x3FAE] =	sst s4  }
0xd: {  	[smem:$0x3FAF] =	sst s5  }
0xe: {  	[smem:$0x3FB0] =	sst s6  }
0xf: {  	[smem:$0x3FB1] =	sst s7  }
0x10: {  	[smem:$0x3FB2] =	sst s8  }
0x11: {  	[smem:$0x3FB3] =	sst s9;
	s0 =	simm.s32 @!p0 $0x0  }
0x12: {  	s1 =	sld [smem:$0x3F99];
	s0 =	simm.s32 @p0 $0x1  }
0x13: {  	[smem:$0x3FB4] =	sst s0;
	s0 =	simm.s32 @!p1 $0x0  }
0x14: {  	s2 =	sld [smem:$0x3F98];
	s0 =	simm.s32 @p1 $0x1  }
0x15: {  	[smem:$0x3FB5] =	sst s0;
	s0 =	simm.s32 @!p2 $0x0  }
0x16: {  	s3 =	sld [smem:$0x3FDB];
	s0 =	simm.s32 @p2 $0x1  }
0x17: {  	s4 =	simm.s32 $0x1BF5;
	[smem:$0x3FB7] =	sst s0  }
0x18: {  	s0 =	sld [smem:$0x3F9A];
	_ =	swait.ge [sflag:s4], $0x0  }
0x19: {  	s7 =	sld [smem:$0x3F9B]  }
0x1a: {  	s8 =	sadd.s32 $0xFFFFE003, lr  }
0x1b: {  	s9 =	sadd.s32 $0xFFFFFEF7, lr;
	s5 =	simm.s32 $0xFFFFFFFF;
	p2 =	slt.u32 s8, $0xFFFFF086  }
0x1c: {  	p1 =	slt.u32 s9, $0xF7A;
	s5 =	simm.s32 @!p2 $0x0  }
0x1d: {  	s5 =	simm.s32 @p1 $0x1;
	p0 =	seq.s32 s7, s2  }
0x1e: {  	s7 =	smul.u32 @!p0 $0xF7A, s2;
	p2 =	seq.s32 @!p0 s5, $0x0  }
0x1f: {  	s9 =	smul.u32 $0xF7A, s1;
	s8 =	simm.s32 @!p0 $0x1BF5;
	p2 =	por !p2, p0  }
0x20: {  	[sflag:s8] =	ssyncset.s32 @!p0 $0xFFFFF086;
	s6 =	sadd.s32 @!p0 s3, s7;
	s7 =	simm.s32 @!p0 $0x108  }
0x21: {  	s3 =	sadd.s32 s3, s9;
	s6 =	sadd.s32 @!p0 $0x88, s6;
	s7 =	simm.s32 @p2 $0x1082  }
0x22: {  	[simem:s7], [sflag:s8] =	dma.local @!p0 [hbm:s6], $0xF7A  }
0x23: {  	s9 =	sor.u32 $0xD0000000, s2;
	s6 =	simm.s32 $0x108;
	_ =	swait.ge @!p0 [sflag:s8], $0x0  }
0x24: {  	s3 =	sadd.s32 $0x88, s3;
	s6 =	simm.s32 @!p1 $0x1082;
	[sflag:s4] =	ssyncset.s32 $0xFFFFF086  }
0x25: {  	[simem:s6], [sflag:s4] =	dma.local [hbm:s3], $0xF7A  }
0x26: {  	[smem:$0x3F9B] =	sst s1;
	(tag) =	ssettag s2;
	_ =	strace s9  }
0x27: {  	s1 =	sld [smem:$0x3FAB]  }
0x28: {  	s2 =	sld [smem:$0x3FAC]  }
0x29: {  	s4 =	sld [smem:$0x3FAE]  }
0x2a: {  	p0 =	seq.s32 s5, $0x0;
	s5 =	sld [smem:$0x3FAF]  }
0x2b: {  	s6 =	sld [smem:$0x3FB0]  }
0x2c: {  	s7 =	sld [smem:$0x3FB1]  }
0x2d: {  	s3 =	simm.s32 $0x108;
	s8 =	sld [smem:$0x3FB2]  }
0x2e: {  	s3 =	simm.s32 @!p0 $0x1082;
	s9 =	sld [smem:$0x3FB3]  }
0x2f: {  	lr =	sadd.s32 s0, s3;
	s0 =	sld [smem:$0x3FAA]  }
0x30: {  	s3 =	sld [smem:$0x3FAD]  }
0x31: {  	[smem:$0x3FB6] =	sst s10  }
0x32: {  	s10 =	sld [smem:$0x3FB4];
	_ =	sdelay $0x3  }
0x33: {  	p0 =	seq.s32 s10, $0x1;
	s10 =	sld [smem:$0x3FB6];
	_ =	sdelay $0x3  }
0x34: {  	[smem:$0x3FB6] =	sst s10  }
0x35: {  	s10 =	sld [smem:$0x3FB5];
	_ =	sdelay $0x3  }
0x36: {  	p1 =	seq.s32 s10, $0x1;
	s10 =	sld [smem:$0x3FB6];
	_ =	sdelay $0x3  }
0x37: {  	[smem:$0x3FB6] =	sst s10  }
0x38: {  	s10 =	sld [smem:$0x3FB7]  }
0x39: {  	_ = 	snop;
	(pc) =	sbr.ind lr, $3  }
0x3a: {  	_ = 	snop  }
0x3b: {  	_ = 	snop  }
0x3c: {  	p2 =	seq.s32 s10, $0x1;
	s10 =	sld [smem:$0x3FB6]  }
0x3d: {  	_ =	shalt  }
0x3e: {  	_ =	shalt  }
0x3f: {  	_ =	shalt  }
0x40: {  	_ =	shalt  }
0x41: {  	_ =	shalt  }
0x42: {  	_ =	shalt  }
0x43: {  	_ =	shalt  }
0x44: {  	_ =	shalt  }
0x45: {  	_ =	shalt  }
0x46: {  	_ =	shalt  }
0x47: {  	_ =	shalt  }
0x48: {  	_ =	shalt  }
0x49: {  	_ =	shalt  }
0x4a: {  	_ =	shalt  }
0x4b: {  	_ =	shalt  }
0x4c: {  	_ =	shalt  }
0x4d: {  	_ =	shalt  }
0x4e: {  	_ =	shalt  }
0x4f: {  	_ =	shalt  }
0x50: {  	_ =	shalt  }
0x51: {  	_ =	shalt  }
0x52: {  	_ =	shalt  }
0x53: {  	_ =	shalt  }
0x54: {  	_ =	shalt  }
0x55: {  	_ =	shalt  }
0x56: {  	_ =	shalt  }
0x57: {  	_ =	shalt  }
0x58: {  	_ =	shalt  }
0x59: {  	_ =	shalt  }
0x5a: {  	_ =	shalt  }
0x5b: {  	_ =	shalt  }
0x5c: {  	_ =	shalt  }
0x5d: {  	_ =	shalt  }
0x5e: {  	_ =	shalt  }
0x5f: {  	_ =	shalt  }
0x60: {  	_ =	shalt  }
0x61: {  	_ =	shalt  }
0x62: {  	_ =	shalt  }
0x63: {  	_ =	shalt  }
0x64: {  	_ =	shalt  }
0x65: {  	_ =	shalt  }
0x66: {  	_ =	shalt  }
0x67: {  	_ =	shalt  }
0x68: {  	_ =	shalt  }
0x69: {  	_ =	shalt  }
0x6a: {  	_ =	shalt  }
0x6b: {  	_ =	shalt  }
0x6c: {  	_ =	shalt  }
0x6d: {  	_ =	shalt  }
0x6e: {  	_ =	shalt  }
0x6f: {  	_ =	shalt  }
0x70: {  	_ =	shalt  }
0x71: {  	_ =	shalt  }
0x72: {  	_ =	shalt  }
0x73: {  	_ =	shalt  }
0x74: {  	_ =	shalt  }
0x75: {  	_ =	shalt  }
0x76: {  	_ =	shalt  }
0x77: {  	_ =	shalt  }
0x78: {  	_ =	shalt  }
0x79: {  	_ =	shalt  }
0x7a: {  	_ =	shalt  }
0x7b: {  	_ =	shalt  }
0x7c: {  	_ =	shalt  }
0x7d: {  	_ =	shalt  }
0x7e: {  	_ =	shalt  }
0x7f: {  	_ =	shalt  }
0x80: {  	_ =	shalt  }
0x81: {  	_ =	shalt  }
0x82: {  	_ =	shalt  }
0x83: {  	_ =	shalt  }
0x84: {  	_ =	shalt  }
0x85: {  	_ =	shalt  }
0x86: {  	_ =	shalt  }
0x87: {  	_ =	shalt  }
.Lfunc_end0:
.L_simem_size_0:
called_computation_lowered:
.L_overlay_start_0:
0x88: {  	s2 =	sld [smem:$0x3FD9]  }
0x89: {  	s3 =	sld [smem:$0x3FFE];
	_ =	sdelay $0x1  }
0x8a: {  	s1 =	srdreg.scid  }
0x8b: {  	s0 =	sand.u32 $0x1, s1  }
0x8c: {  	s17 =	sshll.u32 s0, $0xA;
	s2 =	sadd.s32 s3, s2  }
0x8d: {  	s2 =	sadd.s32 s2, s17  }
0x8e: {  	[smem:$0x3FC2] =	sst s2  }
0x8f: {  	_ = 	snop  }
0x90: {  	s2 =	sld [smem:$0x3FC9]  }
0x91: {  	s18 =	sld [smem:$0x3FC8]  }
0x92: {  	s4 =	sld [smem:$0x3FC7]  }
0x93: {  	s5 =	sld [smem:$0x3FC6]  }
0x94: {  	s6 =	sld [smem:$0x3FC5]  }
0x95: {  	s7 =	sld [smem:$0x3FC4];
	(tm) =	ssettm $0x1  }
0x96: {  	s8 =	sld [smem:$0x3FFB];
	_ =	sdelay $0x3  }
0x97: {  	_ =	strace s8  }
0x98: {  	s8 =	sld [smem:$0x3FFC];
	_ =	sdelay $0x3  }
0x99: {  	_ =	strace s8  }
0x9a: {  	s8 =	sld [smem:$0x3FFD];
	_ =	sdelay $0x3  }
0x9b: {  	_ =	strace s8  }
0x9c: {  	_ =	strace $0x8FFFFFFF  }
0x9d: {  	s19 =	sld [smem:$0x3FDB];
	_ =	sdelay $0x1  }
0x9e: {  	s9 =	simm.s32 $_scs_section_size  }
0x9f: {  	s10 =	simm.s32 $_size__tile_overlayer_lowered;
	s11 =	simm.s32 $_tile_overlayer_lowered  }
0xa0: {  	s22 =	simm.s32 $0x1BFF;
	s21 =	sshll.u32 s11, $0x1;
	s8 =	sadd.s32 s9, s19  }
0xa1: {  	s12 =	simm.s32 $0x0;
	s20 =	sshll.u32 s10, $0x1;
	s10 =	sadd.s32 s21, s8  }
0xa2: {  	[timem:s12], [sflag:s22] =	dma.local [hbm:s10], s20  }
0xa3: {  	_ =	swait.ge [sflag:s22], s20  }
0xa4: {  	s9 =	ssub.s32 $0x0, s20;
	[sflag:s22] =	ssyncset.done $0x0  }
0xa5: {  	[sflag:s22] =	ssyncadd.s32 s9;
	_ =	sdelay $0x1  }
0xa6: {  	s23 =	simm.s32 $0x1B8B  }
0xa7: {  	_ =	swait.ge [sflag:s23], $0x1  }
0xa8: {  	[sflag:s23] =	ssyncset.done $0x0  }
0xa9: {  	s25 =	simm.s32 $0x1B8E;
	s24 =	sld [smem:$0x3FFE];
	[sflag:s23] =	ssyncadd.s32 $0xFFFFFFFF  }
0xaa: {  	s26 =	simm.s32 $execute0_lowered;
	[smem:$0x3FD2] =	sst s25  }
0xab: {  	s10 =	sshll.u32 s26, $0x1;
	_ =	strace $0x80000046;
	[dreg:$0x1] =	wrdreg $0xFFFFFFFF  }
0xac: {  	s28 =	simm.s32 $_size_execute0_lowered;
	s8 =	sadd.s32 s8, s10;
	[dreg:$0x0] =	wrdreg $0x0  }
0xad: {  	s10 =	sshll.u32 s28, $0x1;
	[dreg:$0x2] =	wrdreg s8  }
0xae: {  	[dreg:$0x3] =	wrdreg s10  }
0xaf: {  	[dreg:$0x4] =	wrdreg $0xC0  }
0xb0: {  	_ =	task [dreg:s12], $0x5FFFF  }
0xb1: {  	[dreg:$0x1] =	wrdreg $0xFFFFFFFF  }
0xb2: {  	[dreg:$0x0] =	wrdreg $0x60  }
0xb3: {  	[dreg:$0x2] =	wrdreg s2  }
0xb4: {  	[dreg:$0x3] =	wrdreg s18  }
0xb5: {  	[dreg:$0x4] =	wrdreg s4  }
0xb6: {  	[dreg:$0x5] =	wrdreg s5  }
0xb7: {  	[dreg:$0x6] =	wrdreg s6  }
0xb8: {  	[dreg:$0x7] =	wrdreg s7  }
0xb9: {  	[dreg:$0x8] =	wrdreg s24  }
0xba: {  	[dreg:$0x9] =	wrdreg $0x0  }
0xbb: {  	[dreg:$0xa] =	wrdreg $0x9  }
0xbc: {  	_ =	task.clear_ibuf [dreg:s12], $0xBFFFF;
	_ =	strace $0x90000046  }
0xbd: {  	s29 =	simm.s32 $0x9;
	_ =	strace $0x80000048  }
0xbe: {  	_ =	swait.ge [sflag:s29], $0x1  }
0xbf: {  	[sflag:s29] =	ssyncadd.s32 $0xFFFFFFFF  }
0xc0: {  	_ =	strace $0x90000048  }
0xc1: {  	_ =	sfence  }
0xc2: {  	s30 =	sld [smem:$0x0];
	_ =	sdelay $0x2  }
0xc3: {  	s31 =	sshll.u32 s1, $0xD;
	s1 =	sshrl.u32 s1, $0x2  }
0xc4: {  	s3 =	sand.u32 $0x4000, s31;
	s1 =	sadd.s32 s1, s30  }
0xc5: {  	s0 =	sor.u32 s3, s0;
	s1 =	sshll.u32 s1, $0x11  }
0xc6: {  	s0 =	sor.u32 s1, s0  }
0xc7: {  	s0 =	sadd.s32 $0x8F2B, s0  }
0xc8: {  	[sflag:s0] =	ssyncadd.remote.s32 $0x1  }
0xc9: {  	_ =	sfence.sel $0xFFFF  }
0xca: {  	[dreg:$0x0] =	wrdreg $0xFFFFFFFF;
	(pc) =	sbr.abs _section_cstart, $3  }
0xcb: {  	[dreg:$0x1] =	wrdreg $0xFFFFFFFF  }
0xcc: {  	_ =	task.clear_ibuf [dreg:s12], $0x2FFFF;
	_ =	strace $0x9FFFFFFF  }
0xcd: {  	(tm) =	ssettm $0x7FFFFFFF  }
tec
execute0_lowered:
.L_overlay_start_1:
0x0: {  	(tag) =	ssettag $0x1  }
0x1: {  	s0 =	rddreg [dreg:$0x0]  }
0x2: {  	s1 =	rddreg [dreg:$0x1]  }
0x3: {  	s3 =	rddreg [dreg:$0x2]  }
0x4: {  	s4 =	rddreg [dreg:$0x3]  }
0x5: {  	s5 =	rddreg [dreg:$0x4]  }
0x6: {  	s6 =	rddreg [dreg:$0x5]  }
0x7: {  	s2 =	rddreg [dreg:$0x6]  }
0x8: {  	s7 =	rddreg [dreg:$0x7];
	s8 =	simm.s32 $0x0  }
0x9: {  	s9 =	srdreg.scid;
	s28 =	simm.s32 $0x1;
	s29 =	simm.s32 $0x4  }
0xa: {  	s30 =	simm.s32 $0x17C00;
	s31 =	simm.s32 $0x0;
	[smem:$0x7FF] =	sst s8  }
0xb: {  	s13 =	sand.u32 $0x1, s9;
	s10 =	sadd.s32 $0x600, s2;
	s9 =	stileid.u32  }
0xc: {  	_ =	strace $0x80000047;
	s20 =	sshll.u32 s13, $0x4;
	s11 =	sshll.u32 s9, $0xE  }
0xd: {  	s14 =	ssub.s32 $0x2, s13;
	s18 =	smul.u32 $0x13C000, s13;
	s11 =	sadd.s32 s11, s7  }
0xe: {  	p0 =	seq.s32 s9, $0xF;
	s2 =	sor.u32 s9, s20;
	s22 =	sadd.s32 $0x40000, s11  }
0xf: {  	s15 =	sshrl.u32 s14, $0x1;
	s23 =	sadd.s32 $0x80000, s11;
	[dreg:$0x9] =	wrdreg s22  }
0x10: {  	s20 =	simm.s32 $0x13C00;
	s24 =	sadd.s32 $0xC0000, s11;
	[dreg:$0xa] =	wrdreg s23  }
.Ltmp0:
0x11: {  	s25 =	sadd.s32 $0x100000, s11;
	[dreg:$0xb] =	wrdreg s24;
	(pc) =	sbr.rel .LBB2_1-.Ltmp0, $4  }
0x12: {  	s12 =	smul.u32 $0x2800, s2;
	s21 =	ssub.s32 s14, s15;
	[dreg:$0xc] =	wrdreg s25  }
0x13: {  	s19 =	smax.u32 s21, $0x1;
	s21 =	simm.s32 $0x3;
	s22 =	simm.s32 $0x1BD00  }
0x14: {  	s23 =	simm.s32 $0x80;
	s24 =	simm.s32 $0x1BC80;
	s26 =	sshrl.u32 s12, $0x3  }
0x15: {  	v0 =	vimm.f32 $0.0e+00;
	s25 =	simm.s32 $0x2;
	s17 =	sadd.s32 s4, s26;
	s26 =	simm.s32 $0x1BC00  }
.LBB2_13:
0x16: {  	s31 =	sadd.s32 $0x1, s31  }
0x17: {  	p1 =	sne.s32 s31, s19  }
.Ltmp1:
0x18: {  	_ = 	snop;
	(pc) =	sbr.rel @!p1 .LBB2_14-.Ltmp1, $1  }
0x19: {  	_ =	sdelay $0x3  }
.LBB2_1:
0x1a: {  	s2 =	simm.s32 $0x0;
	s13 =	simm.s32 $0x200  }
.LBB2_2:
0x1b: {  	p1 =	sne.s32 s13, $0xFE00;
	[tilespmem:s2+$0x13C70] =	vst v0  }
0x1c: {  	[tilespmem:s2+$0x13C00] =	vst v0  }
0x1d: {  	[tilespmem:s2+$0x13C10] =	vst v0  }
.Ltmp2:
0x1e: {  	[tilespmem:s2+$0x13C20] =	vst v0;
	(pc) =	sbr.rel @p1 .LBB2_2-.Ltmp2, $4  }
0x1f: {  	[tilespmem:s2+$0x13C30] =	vst v0  }
0x20: {  	[tilespmem:s2+$0x13C40] =	vst v0  }
0x21: {  	[tilespmem:s2+$0x13C50] =	vst v0  }
0x22: {  	[tilespmem:s2+$0x13C60] =	vst v0;
	s2 =	sshra.s32 s13, $0x2;
	s13 =	sadd.s32 $0x200, s13  }
0x23: {  	[tilespmem:s2+$0x13C70] =	vst v0  }
0x24: {  	[tilespmem:s2+$0x13C00] =	vst v0  }
0x25: {  	[tilespmem:s2+$0x13C10] =	vst v0  }
0x26: {  	[tilespmem:s2+$0x13C20] =	vst v0  }
0x27: {  	[tilespmem:s2+$0x13C30] =	vst v0  }
0x28: {  	[tilespmem:s2+$0x13C40] =	vst v0  }
0x29: {  	[tilespmem:s2+$0x13C50] =	vst v0  }
0x2a: {  	[tilespmem:s2+$0x13C60] =	vst v0  }
0x2b: {  	[spmem:s11] =	stream.linear.scatter [tilespmem:s20], [sflag:$0x3], $0x4000, $0x38;
	[tilespmem:$0x1BD80] =	vst v63  }
0x2c: {  	_ =	swait.ge [sflag:s21], $0x4000  }
0x2d: {  	[sflag:s21] =	ssyncset.done $0x0  }
0x2e: {  	s14 =	rddreg [dreg:$0x9];
	[sflag:s21] =	ssyncadd.s32 $0xFFFFC000  }
0x2f: {  	[spmem:s14] =	stream.linear.scatter [tilespmem:s20], [sflag:$0x3], $0x4000, $0x38;
	[tilespmem:$0x1BD80] =	vst v63  }
0x30: {  	_ =	swait.ge [sflag:s21], $0x4000  }
0x31: {  	[sflag:s21] =	ssyncset.done $0x0  }
0x32: {  	s15 =	rddreg [dreg:$0xa];
	[sflag:s21] =	ssyncadd.s32 $0xFFFFC000  }
0x33: {  	[spmem:s15] =	stream.linear.scatter [tilespmem:s20], [sflag:$0x3], $0x4000, $0x38;
	[tilespmem:$0x1BD80] =	vst v63  }
0x34: {  	_ =	swait.ge [sflag:s21], $0x4000  }
0x35: {  	[sflag:s21] =	ssyncset.done $0x0  }
0x36: {  	s16 =	rddreg [dreg:$0xb];
	[sflag:s21] =	ssyncadd.s32 $0xFFFFC000  }
0x37: {  	[spmem:s16] =	stream.linear.scatter [tilespmem:s20], [sflag:$0x3], $0x4000, $0x38;
	[tilespmem:$0x1BD80] =	vst v63  }
0x38: {  	_ =	swait.ge [sflag:s21], $0x4000  }
0x39: {  	[sflag:s21] =	ssyncset.done $0x0  }
0x3a: {  	s2 =	simm.s32 @!p0 $0x13C00;
	s13 =	rddreg [dreg:$0xc];
	[sflag:s21] =	ssyncadd.s32 $0xFFFFC000  }
0x3b: {  	[spmem:s13] =	stream.linear.scatter @!p0 [tilespmem:s2], [sflag:$0x3], $0x4000, $0x38;
	[tilespmem:$0x1BD80] =	vst v63  }
0x3c: {  	s2 =	simm.s32 @!p0 $0x3  }
0x3d: {  	_ =	swait.ge @!p0 [sflag:s2], $0x4000  }
0x3e: {  	[sflag:s2] =	ssyncset.done @!p0 $0x0  }
0x3f: {  	[sflag:s2] =	ssyncadd.s32 @!p0 $0xFFFFC000  }
0x40: {  	s2 =	simm.s32 $0x0;
	[bflag:$0x0] =	sbarrier.arrive $0xFFFF  }
0x41: {  	[tilespmem:s22], [sflag:$0x3] =	stream.linear.gather [hbm4b:s17+s2], $0x80, $0x38;
	[tilespmem:$0x1BD80] =	vst v63  }
0x42: {  	_ =	swait.ge [sflag:s21], $0x80  }
0x43: {  	[sflag:s21] =	ssyncset.done $0x0  }
0x44: {  	s13 =	simm.s32 $0x0;
	[sflag:s21] =	ssyncadd.s32 $0xFFFFFF80  }
0x45: {  	[spmem:s7] =	stream.indirect.scatter.add.f32 [tilespmem:s20], [sflag:$0x2], $0x80, s22, s23, $0xb8;
	[tilespmem:$0x1BD80] =	vst v63  }
.LBB2_4:
0x46: {  	s14 =	sshll.u32 s13, $0x7  }
0x47: {  	s15 =	sand.u32 $0x3C00, s14  }
0x48: {  	s14 =	sand.u32 $0x380, s14;
	s15 =	sadd.s32 s12, s15  }
0x49: {  	s14 =	sor.u32 s14, s15  }
0x4a: {  	s14 =	sshrl.u32 s14, $0x3  }
0x4b: {  	s16 =	sadd.s32 s5, s14  }
0x4c: {  	[tilespmem:s24], [sflag:$0x3] =	stream.linear.gather [hbm4b:s16+s2], $0x80, $0x38;
	[tilespmem:$0x1BD80] =	vst v63  }
0x4d: {  	_ =	swait.ge [sflag:s21], $0x80  }
0x4e: {  	[sflag:s21] =	ssyncset.done $0x0  }
0x4f: {  	[sflag:s21] =	ssyncadd.s32 $0xFFFFFF80  }
0x50: {  	_ =	swait.ge [sflag:s25], $0x4000  }
0x51: {  	[sflag:s25] =	ssyncset.done $0x0  }
0x52: {  	[sflag:s25] =	ssyncadd.s32 $0xFFFFC000  }
0x53: {  	[tilespmem:s20], [sflag:$0x1] =	stream.indirect.gather [hbm4b:s0+s23], $0x80, s24, s23, $0xb8;
	[tilespmem:$0x1BD80] =	vst v63  }
0x54: {  	s16 =	sadd.s32 s6, s14  }
0x55: {  	[tilespmem:s26], [sflag:$0x3] =	stream.linear.gather [hbm4b:s16+s2], $0x80, $0x38;
	[tilespmem:$0x1BD80] =	vst v63  }
0x56: {  	_ =	swait.ge [sflag:s21], $0x80  }
0x57: {  	[sflag:s21] =	ssyncset.done $0x0  }
0x58: {  	s14 =	sadd.s32 s4, s14;
	[sflag:s21] =	ssyncadd.s32 $0xFFFFFF80  }
0x59: {  	[tilespmem:s22], [sflag:$0x3] =	stream.linear.gather [hbm4b:s14+s2], $0x80, $0x38;
	[tilespmem:$0x1BD80] =	vst v63  }
0x5a: {  	_ =	swait.ge [sflag:s21], $0x80  }
0x5b: {  	[sflag:s21] =	ssyncset.done $0x0  }
0x5c: {  	[sflag:s21] =	ssyncadd.s32 $0xFFFFFF80  }
0x5d: {  	_ =	swait.ge [sflag:s28], $0x4000  }
0x5e: {  	s15 =	simm.s32 $0x0;
	[sflag:s28] =	ssyncset.done $0x0  }
0x5f: {  	s14 =	sand.u32 $0x3FFFFFF0, s15;
	[sflag:s28] =	ssyncadd.s32 $0xFFFFC000  }
0x60: {  	s16 =	simm.s32 $0x0;
	v1 =	vld [tilespmem:s14+$0x1BC00]  }
0x61: {  	s14 =	sand.u32 $0x3FFFF800, s16  }
0x62: {  	v3 =	vld [tilespmem:s14+$0x13C20]  }
0x63: {  	v4 =	vld [tilespmem:s14+$0x13C30]  }
0x64: {  	v10 =	vld [tilespmem:s14+$0x13C60]  }
0x65: {  	v11 =	vld [tilespmem:s14+$0x13C70];
	v2 =	vbroadcast v1, $0x0  }
0x66: {  	v12 =	vld [tilespmem:s14+$0x13C80]  }
0x67: {  	v13 =	vld [tilespmem:s14+$0x13C90];
	v3 =	vmul.f32 v3, v2  }
0x68: {  	v14 =	vld [tilespmem:s14+$0x13CA0];
	v4 =	vmul.f32 v4, v2  }
0x69: {  	v9 =	vld [tilespmem:s14+$0x13CB0];
	v23 =	vbroadcast v1, $0x1;
	v22 =	vmul.f32 v10, v2;
	[tilespmem:s14+$0x13C20] =	vst v3  }
0x6a: {  	v7 =	vld [tilespmem:s14+$0x13CC0];
	v11 =	vmul.f32 v11, v2;
	[tilespmem:s14+$0x13C30] =	vst v4  }
0x6b: {  	v8 =	vld [tilespmem:s14+$0x13CD0];
	v12 =	vmul.f32 v12, v23;
	[tilespmem:s14+$0x13C60] =	vst v22  }
0x6c: {  	v25 =	vld [tilespmem:s14+$0x13CF0];
	v13 =	vmul.f32 v13, v23;
	[tilespmem:s14+$0x13C70] =	vst v11  }
0x6d: {  	v26 =	vld [tilespmem:s14+$0x13D00];
	v14 =	vmul.f32 v14, v23;
	[tilespmem:s14+$0x13C80] =	vst v12  }
0x6e: {  	v27 =	vld [tilespmem:s14+$0x13D10];
	v9 =	vmul.f32 v9, v23;
	[tilespmem:s14+$0x13C90] =	vst v13  }
0x6f: {  	v6 =	vld [tilespmem:s14+$0x14170];
	v7 =	vmul.f32 v7, v23;
	[tilespmem:s14+$0x13CA0] =	vst v14  }
0x70: {  	v24 =	vld [tilespmem:s14+$0x13CE0];
	v15 =	vbroadcast v1, $0x2;
	v8 =	vmul.f32 v8, v23;
	[tilespmem:s14+$0x13CB0] =	vst v9  }
0x71: {  	v28 =	vld [tilespmem:s14+$0x13D20];
	v10 =	vmul.f32 v25, v23;
	[tilespmem:s14+$0x13CC0] =	vst v7  }
0x72: {  	v29 =	vld [tilespmem:s14+$0x13D30];
	v5 =	vbroadcast v1, $0xA;
	v32 =	vmul.f32 v26, v15;
	[tilespmem:s14+$0x13CD0] =	vst v8  }
0x73: {  	v30 =	vld [tilespmem:s14+$0x13D40];
	v34 =	vmul.f32 v27, v15;
	[tilespmem:s14+$0x13CF0] =	vst v10  }
0x74: {  	v33 =	vld [tilespmem:s14+$0x13D60];
	v3 =	vmul.f32 v6, v5;
	[tilespmem:s14+$0x13D00] =	vst v32  }
0x75: {  	v35 =	vld [tilespmem:s14+$0x13D70];
	v11 =	vmul.f32 v24, v23;
	[tilespmem:s14+$0x13D10] =	vst v34  }
0x76: {  	v36 =	vld [tilespmem:s14+$0x13D80];
	v9 =	vmul.f32 v28, v15;
	[tilespmem:s14+$0x14170] =	vst v3  }
0x77: {  	v31 =	vld [tilespmem:s14+$0x13D50];
	v7 =	vmul.f32 v29, v15;
	[tilespmem:s14+$0x13CE0] =	vst v11  }
0x78: {  	v37 =	vld [tilespmem:s14+$0x13D90];
	v8 =	vmul.f32 v30, v15;
	[tilespmem:s14+$0x13D20] =	vst v9  }
0x79: {  	v38 =	vld [tilespmem:s14+$0x13DA0];
	v41 =	vbroadcast v1, $0x3;
	v10 =	vmul.f32 v33, v15;
	[tilespmem:s14+$0x13D30] =	vst v7  }
0x7a: {  	v39 =	vld [tilespmem:s14+$0x13DB0];
	v12 =	vmul.f32 v35, v15;
	[tilespmem:s14+$0x13D40] =	vst v8  }
0x7b: {  	v42 =	vld [tilespmem:s14+$0x13DD0];
	v13 =	vmul.f32 v36, v41;
	[tilespmem:s14+$0x13D60] =	vst v10  }
0x7c: {  	v43 =	vld [tilespmem:s14+$0x13DE0];
	v11 =	vmul.f32 v31, v15;
	[tilespmem:s14+$0x13D70] =	vst v12  }
0x7d: {  	v44 =	vld [tilespmem:s14+$0x13DF0];
	v9 =	vmul.f32 v37, v41;
	[tilespmem:s14+$0x13D80] =	vst v13  }
0x7e: {  	v40 =	vld [tilespmem:s14+$0x13DC0];
	v7 =	vmul.f32 v38, v41;
	[tilespmem:s14+$0x13D50] =	vst v11  }
0x7f: {  	v45 =	vld [tilespmem:s14+$0x13E00];
	v8 =	vmul.f32 v39, v41;
	[tilespmem:s14+$0x13D90] =	vst v9  }
0x80: {  	v46 =	vld [tilespmem:s14+$0x13E10];
	v10 =	vmul.f32 v42, v41;
	[tilespmem:s14+$0x13DA0] =	vst v7  }
0x81: {  	v47 =	vld [tilespmem:s14+$0x13E20];
	v12 =	vmul.f32 v43, v41;
	[tilespmem:s14+$0x13DB0] =	vst v8  }
0x82: {  	v49 =	vld [tilespmem:s14+$0x13E40];
	v50 =	vbroadcast v1, $0x4;
	v13 =	vmul.f32 v44, v41;
	[tilespmem:s14+$0x13DD0] =	vst v10  }
0x83: {  	v51 =	vld [tilespmem:s14+$0x13E50];
	v11 =	vmul.f32 v40, v41;
	[tilespmem:s14+$0x13DE0] =	vst v12  }
0x84: {  	v52 =	vld [tilespmem:s14+$0x13E60];
	v9 =	vmul.f32 v45, v50;
	[tilespmem:s14+$0x13DF0] =	vst v13  }
0x85: {  	v48 =	vld [tilespmem:s14+$0x13E30];
	v7 =	vmul.f32 v46, v50;
	[tilespmem:s14+$0x13DC0] =	vst v11  }
0x86: {  	v53 =	vld [tilespmem:s14+$0x13E70];
	v8 =	vmul.f32 v47, v50;
	[tilespmem:s14+$0x13E00] =	vst v9  }
0x87: {  	v54 =	vld [tilespmem:s14+$0x13E80];
	v10 =	vmul.f32 v49, v50;
	[tilespmem:s14+$0x13E10] =	vst v7  }
0x88: {  	v55 =	vld [tilespmem:s14+$0x13E90];
	v12 =	vmul.f32 v51, v50;
	[tilespmem:s14+$0x13E20] =	vst v8  }
0x89: {  	v57 =	vld [tilespmem:s14+$0x13EB0];
	v13 =	vmul.f32 v52, v50;
	[tilespmem:s14+$0x13E40] =	vst v10  }
0x8a: {  	v58 =	vld [tilespmem:s14+$0x13EC0];
	v59 =	vbroadcast v1, $0x5;
	v11 =	vmul.f32 v48, v50;
	[tilespmem:s14+$0x13E50] =	vst v12  }
0x8b: {  	v60 =	vld [tilespmem:s14+$0x13ED0];
	v9 =	vmul.f32 v53, v50;
	[tilespmem:s14+$0x13E60] =	vst v13  }
0x8c: {  	v56 =	vld [tilespmem:s14+$0x13EA0];
	v7 =	vmul.f32 v54, v59;
	[tilespmem:s14+$0x13E30] =	vst v11  }
0x8d: {  	v61 =	vld [tilespmem:s14+$0x13EE0];
	v8 =	vmul.f32 v55, v59;
	[tilespmem:s14+$0x13E70] =	vst v9  }
0x8e: {  	v62 =	vld [tilespmem:s14+$0x13EF0];
	v10 =	vmul.f32 v57, v59;
	[tilespmem:s14+$0x13E80] =	vst v7  }
0x8f: {  	v63 =	vld [tilespmem:s14+$0x13F00];
	v12 =	vmul.f32 v58, v59;
	[tilespmem:s14+$0x13E90] =	vst v8  }
0x90: {  	v19 =	vld [tilespmem:s14+$0x13F20];
	v13 =	vmul.f32 v60, v59;
	[tilespmem:s14+$0x13EB0] =	vst v10  }
0x91: {  	v20 =	vld [tilespmem:s14+$0x13F30];
	v11 =	vmul.f32 v56, v59;
	[tilespmem:s14+$0x13EC0] =	vst v12  }
0x92: {  	v21 =	vld [tilespmem:s14+$0x13F40];
	v22 =	vbroadcast v1, $0x6;
	v9 =	vmul.f32 v61, v59;
	[tilespmem:s14+$0x13ED0] =	vst v13  }
0x93: {  	v18 =	vld [tilespmem:s14+$0x13F10];
	v7 =	vmul.f32 v62, v59;
	[tilespmem:s14+$0x13EA0] =	vst v11  }
0x94: {  	v23 =	vld [tilespmem:s14+$0x13F50];
	v8 =	vmul.f32 v63, v22;
	[tilespmem:s14+$0x13EE0] =	vst v9  }
0x95: {  	v24 =	vld [tilespmem:s14+$0x13F60];
	v10 =	vmul.f32 v19, v22;
	[tilespmem:s14+$0x13EF0] =	vst v7  }
0x96: {  	v25 =	vld [tilespmem:s14+$0x13F70];
	v12 =	vmul.f32 v20, v22;
	[tilespmem:s14+$0x13F00] =	vst v8  }
0x97: {  	v27 =	vld [tilespmem:s14+$0x13F90];
	v13 =	vmul.f32 v21, v22;
	[tilespmem:s14+$0x13F20] =	vst v10  }
0x98: {  	v28 =	vld [tilespmem:s14+$0x13FA0];
	v11 =	vmul.f32 v18, v22;
	[tilespmem:s14+$0x13F30] =	vst v12  }
0x99: {  	v29 =	vld [tilespmem:s14+$0x13FB0];
	v9 =	vmul.f32 v23, v22;
	[tilespmem:s14+$0x13F40] =	vst v13  }
0x9a: {  	v31 =	vbroadcast v1, $0x7;
	v53 =	vld [tilespmem:s14+$0x14100];
	v7 =	vmul.f32 v24, v22;
	[tilespmem:s14+$0x13F10] =	vst v11  }
0x9b: {  	v57 =	vld [tilespmem:s14+$0x14140];
	v8 =	vmul.f32 v25, v22;
	[tilespmem:s14+$0x13F50] =	vst v9  }
0x9c: {  	v58 =	vld [tilespmem:s14+$0x14150];
	v10 =	vmul.f32 v27, v31;
	[tilespmem:s14+$0x13F60] =	vst v7  }
0x9d: {  	v26 =	vld [tilespmem:s14+$0x13F80];
	v12 =	vmul.f32 v28, v31;
	[tilespmem:s14+$0x13F70] =	vst v8  }
0x9e: {  	v30 =	vld [tilespmem:s14+$0x13FC0];
	v13 =	vmul.f32 v29, v31;
	[tilespmem:s14+$0x13F90] =	vst v10  }
0x9f: {  	v32 =	vld [tilespmem:s14+$0x13FD0];
	v59 =	vmul.f32 v53, v5;
	[tilespmem:s14+$0x13FA0] =	vst v12  }
0xa0: {  	v33 =	vld [tilespmem:s14+$0x13FE0];
	v18 =	vmul.f32 v57, v5;
	[tilespmem:s14+$0x13FB0] =	vst v13  }
0xa1: {  	v35 =	vld [tilespmem:s14+$0x14000];
	v20 =	vmul.f32 v58, v5;
	[tilespmem:s14+$0x14100] =	vst v59  }
0xa2: {  	v36 =	vld [tilespmem:s14+$0x14010];
	v11 =	vmul.f32 v26, v31;
	[tilespmem:s14+$0x14140] =	vst v18  }
0xa3: {  	v37 =	vld [tilespmem:s14+$0x14020];
	v9 =	vmul.f32 v30, v31;
	[tilespmem:s14+$0x14150] =	vst v20  }
0xa4: {  	v4 =	vld [tilespmem:s14+$0x14180];
	v40 =	vbroadcast v1, $0x8;
	v7 =	vmul.f32 v32, v31;
	[tilespmem:s14+$0x13F80] =	vst v11  }
0xa5: {  	v6 =	vld [tilespmem:s14+$0x14190];
	v8 =	vmul.f32 v33, v31;
	[tilespmem:s14+$0x13FC0] =	vst v9  }
0xa6: {  	v3 =	vld [tilespmem:s14+$0x143D0];
	v10 =	vmul.f32 v35, v40;
	[tilespmem:s14+$0x13FD0] =	vst v7  }
0xa7: {  	v61 =	vld [tilespmem:s14+$0x13C00];
	v23 =	vbroadcast v1, $0xB;
	v12 =	vmul.f32 v36, v40;
	[tilespmem:s14+$0x13FE0] =	vst v8  }
0xa8: {  	v34 =	vld [tilespmem:s14+$0x13FF0];
	v13 =	vmul.f32 v37, v40;
	[tilespmem:s14+$0x14000] =	vst v10  }
0xa9: {  	v38 =	vld [tilespmem:s14+$0x14030];
	v27 =	vbroadcast v1, $0xF;
	v4 =	vmul.f32 v4, v23;
	[tilespmem:s14+$0x14010] =	vst v12  }
0xaa: {  	v39 =	vld [tilespmem:s14+$0x14040];
	v6 =	vmul.f32 v6, v23;
	[tilespmem:s14+$0x14020] =	vst v13  }
0xab: {  	v41 =	vld [tilespmem:s14+$0x14050];
	v3 =	vmul.f32 v3, v27;
	[tilespmem:s14+$0x14180] =	vst v4  }
0xac: {  	v43 =	vld [tilespmem:s14+$0x14070];
	v24 =	vmul.f32 v2, v61;
	[tilespmem:s14+$0x14190] =	vst v6  }
0xad: {  	v44 =	vld [tilespmem:s14+$0x14080];
	v11 =	vmul.f32 v34, v31;
	[tilespmem:s14+$0x143D0] =	vst v3  }
0xae: {  	v45 =	vld [tilespmem:s14+$0x14090];
	v9 =	vmul.f32 v38, v40;
	[tilespmem:s14+$0x13C00] =	vst v24  }
0xaf: {  	v63 =	vld [tilespmem:s14+$0x13C40];
	v7 =	vmul.f32 v39, v40;
	[tilespmem:s14+$0x13FF0] =	vst v11  }
0xb0: {  	v49 =	vbroadcast v1, $0x9;
	v29 =	vld [tilespmem:s14+$0x141F0];
	v8 =	vmul.f32 v41, v40;
	[tilespmem:s14+$0x14030] =	vst v9  }
0xb1: {  	v42 =	vld [tilespmem:s14+$0x14060];
	v10 =	vmul.f32 v43, v40;
	[tilespmem:s14+$0x14040] =	vst v7  }
0xb2: {  	v46 =	vld [tilespmem:s14+$0x140A0];
	v12 =	vmul.f32 v44, v49;
	[tilespmem:s14+$0x14050] =	vst v8  }
0xb3: {  	v47 =	vld [tilespmem:s14+$0x140B0];
	v13 =	vmul.f32 v45, v49;
	[tilespmem:s14+$0x14070] =	vst v10  }
0xb4: {  	v48 =	vld [tilespmem:s14+$0x140C0];
	v3 =	vmul.f32 v63, v2;
	[tilespmem:s14+$0x14080] =	vst v12  }
0xb5: {  	v51 =	vld [tilespmem:s14+$0x140E0];
	v6 =	vmul.f32 v29, v23;
	[tilespmem:s14+$0x14090] =	vst v13  }
0xb6: {  	v52 =	vld [tilespmem:s14+$0x140F0];
	v11 =	vmul.f32 v42, v40;
	[tilespmem:s14+$0x13C40] =	vst v3  }
0xb7: {  	v28 =	vld [tilespmem:s14+$0x141E0];
	v9 =	vmul.f32 v46, v49;
	[tilespmem:s14+$0x141F0] =	vst v6  }
0xb8: {  	v26 =	vld [tilespmem:s14+$0x141D0];
	v7 =	vmul.f32 v47, v49;
	[tilespmem:s14+$0x14060] =	vst v11  }
0xb9: {  	v30 =	vld [tilespmem:s14+$0x14200];
	v8 =	vmul.f32 v48, v49;
	[tilespmem:s14+$0x140A0] =	vst v9  }
0xba: {  	v50 =	vld [tilespmem:s14+$0x140D0];
	v10 =	vmul.f32 v51, v49;
	[tilespmem:s14+$0x140B0] =	vst v7  }
0xbb: {  	v54 =	vld [tilespmem:s14+$0x14110];
	v12 =	vmul.f32 v52, v49;
	[tilespmem:s14+$0x140C0] =	vst v8  }
0xbc: {  	v55 =	vld [tilespmem:s14+$0x14120];
	v35 =	vbroadcast v1, $0xC;
	v40 =	vmul.f32 v28, v23;
	[tilespmem:s14+$0x140E0] =	vst v10  }
0xbd: {  	v56 =	vld [tilespmem:s14+$0x14130];
	v32 =	vmul.f32 v26, v23;
	[tilespmem:s14+$0x140F0] =	vst v12  }
0xbe: {  	v60 =	vld [tilespmem:s14+$0x14160];
	v15 =	vmul.f32 v30, v35;
	[tilespmem:s14+$0x141E0] =	vst v40  }
0xbf: {  	v62 =	vld [tilespmem:s14+$0x13C10];
	v11 =	vmul.f32 v50, v49;
	[tilespmem:s14+$0x141D0] =	vst v32  }
0xc0: {  	v19 =	vld [tilespmem:s14+$0x13C50];
	v9 =	vmul.f32 v54, v5;
	[tilespmem:s14+$0x14200] =	vst v15  }
0xc1: {  	v33 =	vld [tilespmem:s14+$0x14230];
	v7 =	vmul.f32 v55, v5;
	[tilespmem:s14+$0x140D0] =	vst v11  }
0xc2: {  	v61 =	vld [tilespmem:s14+$0x143F0];
	v8 =	vmul.f32 v56, v5;
	[tilespmem:s14+$0x14110] =	vst v9  }
0xc3: {  	v38 =	vld [tilespmem:s14+$0x14270];
	v5 =	vmul.f32 v60, v5;
	[tilespmem:s14+$0x14120] =	vst v7  }
0xc4: {  	v21 =	vld [tilespmem:s14+$0x141A0];
	v12 =	vmul.f32 v62, v2;
	[tilespmem:s14+$0x14130] =	vst v8  }
0xc5: {  	v22 =	vld [tilespmem:s14+$0x141B0];
	v2 =	vmul.f32 v19, v2;
	[tilespmem:s14+$0x14160] =	vst v5  }
0xc6: {  	v25 =	vld [tilespmem:s14+$0x141C0];
	v62 =	vmul.f32 v33, v35;
	[tilespmem:s14+$0x13C10] =	vst v12  }
0xc7: {  	v31 =	vld [tilespmem:s14+$0x14210];
	v63 =	vmul.f32 v61, v27;
	[tilespmem:s14+$0x13C50] =	vst v2  }
0xc8: {  	v34 =	vld [tilespmem:s14+$0x14240];
	v15 =	vmul.f32 v38, v35;
	[tilespmem:s14+$0x14230] =	vst v62  }
0xc9: {  	v41 =	vld [tilespmem:s14+$0x142A0];
	v7 =	vmul.f32 v21, v23;
	[tilespmem:s14+$0x143F0] =	vst v63  }
0xca: {  	v46 =	vld [tilespmem:s14+$0x142E0];
	v8 =	vmul.f32 v22, v23;
	[tilespmem:s14+$0x14270] =	vst v15  }
0xcb: {  	v36 =	vld [tilespmem:s14+$0x14250];
	v5 =	vmul.f32 v25, v23;
	[tilespmem:s14+$0x141A0] =	vst v7  }
0xcc: {  	v44 =	vbroadcast v1, $0xD;
	v9 =	vmul.f32 v31, v35;
	v2 =	vld [tilespmem:s14+$0x14290];
	[tilespmem:s14+$0x141B0] =	vst v8  }
0xcd: {  	v37 =	vld [tilespmem:s14+$0x14260];
	v12 =	vmul.f32 v34, v35;
	[tilespmem:s14+$0x141C0] =	vst v5  }
0xce: {  	v39 =	vld [tilespmem:s14+$0x14280];
	v11 =	vmul.f32 v41, v44;
	[tilespmem:s14+$0x14210] =	vst v9  }
0xcf: {  	v42 =	vld [tilespmem:s14+$0x142B0];
	v51 =	vmul.f32 v46, v44;
	[tilespmem:s14+$0x14240] =	vst v12  }
0xd0: {  	v48 =	vld [tilespmem:s14+$0x14310];
	v8 =	vmul.f32 v36, v35;
	[tilespmem:s14+$0x142A0] =	vst v11  }
0xd1: {  	v49 =	vld [tilespmem:s14+$0x14320];
	[tilespmem:s14+$0x142E0] =	vst v51;
	v2 =	vmul.f32 v2, v44  }
0xd2: {  	v50 =	vld [tilespmem:s14+$0x14330];
	v5 =	vmul.f32 v37, v35;
	[tilespmem:s14+$0x14250] =	vst v8  }
0xd3: {  	v1 =	vbroadcast v1, $0xE;
	v9 =	vmul.f32 v39, v44;
	[tilespmem:s14+$0x14290] =	vst v2;
	v2 =	vld [tilespmem:s14+$0x14300]  }
0xd4: {  	v60 =	vld [tilespmem:s14+$0x143E0];
	v12 =	vmul.f32 v42, v44;
	[tilespmem:s14+$0x14260] =	vst v5  }
0xd5: {  	v45 =	vld [tilespmem:s14+$0x142D0];
	v11 =	vmul.f32 v48, v1;
	[tilespmem:s14+$0x14280] =	vst v9  }
0xd6: {  	v47 =	vld [tilespmem:s14+$0x142F0];
	v10 =	vmul.f32 v49, v1;
	[tilespmem:s14+$0x142B0] =	vst v12  }
0xd7: {  	v43 =	vld [tilespmem:s14+$0x142C0];
	v6 =	vmul.f32 v50, v1;
	[tilespmem:s14+$0x14310] =	vst v11  }
0xd8: {  	v55 =	vld [tilespmem:s14+$0x14380];
	[tilespmem:s14+$0x14320] =	vst v10;
	v2 =	vmul.f32 v2, v1  }
0xd9: {  	v57 =	vld [tilespmem:s14+$0x143A0];
	v4 =	vmul.f32 v60, v27;
	[tilespmem:s14+$0x14330] =	vst v6  }
0xda: {  	v5 =	vmul.f32 v45, v44;
	[tilespmem:s14+$0x14300] =	vst v2;
	v2 =	vld [tilespmem:s14+$0x14370]  }
0xdb: {  	v52 =	vld [tilespmem:s14+$0x14340];
	v9 =	vmul.f32 v47, v44;
	[tilespmem:s14+$0x143E0] =	vst v4  }
0xdc: {  	v56 =	vld [tilespmem:s14+$0x14390];
	v8 =	vmul.f32 v43, v44;
	[tilespmem:s14+$0x142D0] =	vst v5  }
0xdd: {  	v54 =	vld [tilespmem:s14+$0x14360];
	v11 =	vmul.f32 v55, v27;
	[tilespmem:s14+$0x142F0] =	vst v9  }
0xde: {  	v58 =	vld [tilespmem:s14+$0x143B0];
	v6 =	vmul.f32 v57, v27;
	[tilespmem:s14+$0x142C0] =	vst v8  }
0xdf: {  	v53 =	vld [tilespmem:s14+$0x14350];
	[tilespmem:s14+$0x14380] =	vst v11;
	v2 =	vmul.f32 v2, v1  }
0xe0: {  	v59 =	vld [tilespmem:s14+$0x143C0];
	v5 =	vmul.f32 v52, v1;
	[tilespmem:s14+$0x143A0] =	vst v6  }
0xe1: {  	[tilespmem:s14+$0x14370] =	vst v2;
	v2 =	vmul.f32 v56, v27  }
0xe2: {  	v3 =	vld [tilespmem:s14+$0x14220];
	v9 =	vmul.f32 v54, v1;
	[tilespmem:s14+$0x14340] =	vst v5  }
0xe3: {  	[tilespmem:s14+$0x14390] =	vst v2;
	v2 =	vmul.f32 v58, v27  }
0xe4: {  	[tilespmem:s14+$0x14360] =	vst v9;
	v1 =	vmul.f32 v53, v1  }
0xe5: {  	[tilespmem:s14+$0x143B0] =	vst v2;
	v2 =	vmul.f32 v59, v27  }
0xe6: {  	[tilespmem:s14+$0x14350] =	vst v1  }
0xe7: {  	s15 =	simm.s32 $0x1;
	[tilespmem:s14+$0x143C0] =	vst v2;
	v2 =	vmul.f32 v3, v35  }
.LBB2_5:
0xe8: {  	s16 =	sshll.u32 s15, $0x4  }
0xe9: {  	p1 =	sne.s32 s15, $0x7;
	[tilespmem:s14+$0x14220] =	vst v2;
	s14 =	smov.u32 s15;
	s15 =	sadd.s32 $0x1, s15  }
0xea: {  	s16 =	sand.u32 $0x3FFFFFF0, s16  }
0xeb: {  	s14 =	sshll.u32 s14, $0xB;
	v1 =	vld [tilespmem:s16+$0x1BC00]  }
0xec: {  	s14 =	sand.u32 $0x3FFFF800, s14  }
0xed: {  	v8 =	vld [tilespmem:s14+$0x13CC0]  }
0xee: {  	v9 =	vld [tilespmem:s14+$0x13CD0]  }
0xef: {  	v10 =	vld [tilespmem:s14+$0x13CB0]  }
0xf0: {  	v2 =	vbroadcast v1, $0x0;
	v3 =	vld [tilespmem:s14+$0x13C20];
	v7 =	vbroadcast v1, $0x4  }
0xf1: {  	v5 =	vld [tilespmem:s14+$0x13C30]  }
0xf2: {  	v6 =	vld [tilespmem:s14+$0x14170]  }
0xf3: {  	v11 =	vld [tilespmem:s14+$0x13C60]  }
0xf4: {  	v12 =	vld [tilespmem:s14+$0x13C70]  }
0xf5: {  	v4 =	vbroadcast v1, $0xA;
	v3 =	vmul.f32 v3, v2;
	v13 =	vld [tilespmem:s14+$0x13C80]  }
0xf6: {  	v5 =	vmul.f32 v5, v2;
	v14 =	vld [tilespmem:s14+$0x13C90]  }
0xf7: {  	[tilespmem:s14+$0x13C20] =	vst v3;
	v15 =	vld [tilespmem:s14+$0x13CA0];
	v3 =	vmul.f32 v6, v4  }
0xf8: {  	[tilespmem:s14+$0x13C30] =	vst v5;
	v6 =	vmul.f32 v11, v2;
	v11 =	vbroadcast v1, $0x1;
	v5 =	vld [tilespmem:s14+$0x14180]  }
0xf9: {  	v12 =	vmul.f32 v12, v2;
	[tilespmem:s14+$0x14170] =	vst v3;
	v3 =	vld [tilespmem:s14+$0x143D0]  }
0xfa: {  	[tilespmem:s14+$0x13C60] =	vst v6;
	v13 =	vmul.f32 v13, v11;
	v6 =	vld [tilespmem:s14+$0x14190]  }
0xfb: {  	[tilespmem:s14+$0x13C70] =	vst v12;
	v12 =	vmul.f32 v14, v11;
	v14 =	vld [tilespmem:s14+$0x13CE0]  }
0xfc: {  	[tilespmem:s14+$0x13C80] =	vst v13;
	v13 =	vmul.f32 v15, v11;
	v15 =	vld [tilespmem:s14+$0x13CF0]  }
0xfd: {  	v10 =	vmul.f32 v10, v11;
	[tilespmem:s14+$0x13C90] =	vst v12;
	v12 =	vld [tilespmem:s14+$0x13D00]  }
0xfe: {  	v8 =	vmul.f32 v8, v11;
	[tilespmem:s14+$0x13CA0] =	vst v13;
	v13 =	vld [tilespmem:s14+$0x13D10]  }
0xff: {  	v9 =	vmul.f32 v9, v11;
	[tilespmem:s14+$0x13CB0] =	vst v10;
	v10 =	vld [tilespmem:s14+$0x13D20]  }
0x100: {  	[tilespmem:s14+$0x13CC0] =	vst v8;
	v8 =	vmul.f32 v14, v11;
	v14 =	vbroadcast v1, $0x2;
	v16 =	vld [tilespmem:s14+$0x13D30]  }
0x101: {  	[tilespmem:s14+$0x13CD0] =	vst v9;
	v9 =	vmul.f32 v15, v11;
	v11 =	vld [tilespmem:s14+$0x13D40]  }
0x102: {  	[tilespmem:s14+$0x13CE0] =	vst v8;
	v8 =	vmul.f32 v12, v14;
	v12 =	vld [tilespmem:s14+$0x13D50]  }
0x103: {  	[tilespmem:s14+$0x13CF0] =	vst v9;
	v9 =	vmul.f32 v13, v14;
	v13 =	vld [tilespmem:s14+$0x13D60]  }
0x104: {  	[tilespmem:s14+$0x13D00] =	vst v8;
	v8 =	vmul.f32 v10, v14;
	v10 =	vld [tilespmem:s14+$0x13D70]  }
0x105: {  	[tilespmem:s14+$0x13D10] =	vst v9;
	v9 =	vmul.f32 v16, v14;
	v15 =	vld [tilespmem:s14+$0x13D80]  }
0x106: {  	[tilespmem:s14+$0x13D20] =	vst v8;
	v8 =	vmul.f32 v11, v14;
	v11 =	vld [tilespmem:s14+$0x13D90]  }
0x107: {  	[tilespmem:s14+$0x13D30] =	vst v9;
	v9 =	vmul.f32 v12, v14;
	v12 =	vld [tilespmem:s14+$0x13DA0]  }
0x108: {  	[tilespmem:s14+$0x13D40] =	vst v8;
	v8 =	vmul.f32 v13, v14;
	v13 =	vbroadcast v1, $0x3;
	v16 =	vld [tilespmem:s14+$0x13DB0]  }
0x109: {  	[tilespmem:s14+$0x13D50] =	vst v9;
	v9 =	vmul.f32 v10, v14;
	v10 =	vld [tilespmem:s14+$0x13DC0]  }
0x10a: {  	[tilespmem:s14+$0x13D60] =	vst v8;
	v8 =	vmul.f32 v15, v13;
	v14 =	vld [tilespmem:s14+$0x13DD0]  }
0x10b: {  	[tilespmem:s14+$0x13D70] =	vst v9;
	v9 =	vmul.f32 v11, v13;
	v11 =	vld [tilespmem:s14+$0x13DE0]  }
0x10c: {  	[tilespmem:s14+$0x13D80] =	vst v8;
	v8 =	vmul.f32 v12, v13;
	v12 =	vld [tilespmem:s14+$0x13DF0]  }
0x10d: {  	[tilespmem:s14+$0x13D90] =	vst v9;
	v9 =	vmul.f32 v16, v13;
	v15 =	vld [tilespmem:s14+$0x13E00]  }
0x10e: {  	[tilespmem:s14+$0x13DA0] =	vst v8;
	v8 =	vmul.f32 v10, v13;
	v10 =	vld [tilespmem:s14+$0x13E10]  }
0x10f: {  	[tilespmem:s14+$0x13DB0] =	vst v9;
	v9 =	vmul.f32 v14, v13;
	v14 =	vld [tilespmem:s14+$0x13E20]  }
0x110: {  	[tilespmem:s14+$0x13DC0] =	vst v8;
	v8 =	vmul.f32 v11, v13;
	v11 =	vld [tilespmem:s14+$0x13E30]  }
0x111: {  	[tilespmem:s14+$0x13DD0] =	vst v9;
	v9 =	vmul.f32 v12, v13;
	v12 =	vld [tilespmem:s14+$0x13E40]  }
0x112: {  	[tilespmem:s14+$0x13DE0] =	vst v8;
	v8 =	vmul.f32 v15, v7;
	v13 =	vld [tilespmem:s14+$0x13E50]  }
0x113: {  	[tilespmem:s14+$0x13DF0] =	vst v9;
	v9 =	vmul.f32 v10, v7;
	v10 =	vld [tilespmem:s14+$0x13E60]  }
0x114: {  	[tilespmem:s14+$0x13E00] =	vst v8;
	v8 =	vmul.f32 v14, v7;
	v14 =	vld [tilespmem:s14+$0x13E70]  }
0x115: {  	[tilespmem:s14+$0x13E10] =	vst v9;
	v9 =	vmul.f32 v11, v7;
	v11 =	vld [tilespmem:s14+$0x13E80]  }
0x116: {  	[tilespmem:s14+$0x13E20] =	vst v8;
	v8 =	vmul.f32 v12, v7;
	v12 =	vld [tilespmem:s14+$0x13E90]  }
0x117: {  	[tilespmem:s14+$0x13E30] =	vst v9;
	v9 =	vmul.f32 v13, v7;
	v13 =	vld [tilespmem:s14+$0x13EA0]  }
0x118: {  	[tilespmem:s14+$0x13E40] =	vst v8;
	v8 =	vmul.f32 v10, v7;
	v10 =	vbroadcast v1, $0x5;
	v15 =	vld [tilespmem:s14+$0x13EB0]  }
0x119: {  	[tilespmem:s14+$0x13E50] =	vst v9;
	v7 =	vmul.f32 v14, v7;
	v9 =	vld [tilespmem:s14+$0x13EC0]  }
0x11a: {  	[tilespmem:s14+$0x13E60] =	vst v8;
	v8 =	vmul.f32 v11, v10;
	v11 =	vld [tilespmem:s14+$0x13ED0]  }
0x11b: {  	[tilespmem:s14+$0x13E70] =	vst v7;
	v7 =	vmul.f32 v12, v10;
	v12 =	vld [tilespmem:s14+$0x13EE0]  }
0x11c: {  	[tilespmem:s14+$0x13E80] =	vst v8;
	v8 =	vmul.f32 v13, v10;
	v13 =	vld [tilespmem:s14+$0x13EF0]  }
0x11d: {  	[tilespmem:s14+$0x13E90] =	vst v7;
	v7 =	vmul.f32 v15, v10;
	v14 =	vld [tilespmem:s14+$0x13F00]  }
0x11e: {  	[tilespmem:s14+$0x13EA0] =	vst v8;
	v8 =	vmul.f32 v9, v10;
	v9 =	vld [tilespmem:s14+$0x13F10]  }
0x11f: {  	[tilespmem:s14+$0x13EB0] =	vst v7;
	v7 =	vmul.f32 v11, v10;
	v11 =	vld [tilespmem:s14+$0x13F20]  }
0x120: {  	[tilespmem:s14+$0x13EC0] =	vst v8;
	v8 =	vmul.f32 v12, v10;
	v12 =	vbroadcast v1, $0x6;
	v15 =	vld [tilespmem:s14+$0x13F30]  }
0x121: {  	[tilespmem:s14+$0x13ED0] =	vst v7;
	v7 =	vmul.f32 v13, v10;
	v10 =	vld [tilespmem:s14+$0x13F40]  }
0x122: {  	[tilespmem:s14+$0x13EE0] =	vst v8;
	v8 =	vmul.f32 v14, v12;
	v13 =	vld [tilespmem:s14+$0x13F50]  }
0x123: {  	[tilespmem:s14+$0x13EF0] =	vst v7;
	v7 =	vmul.f32 v9, v12;
	v9 =	vld [tilespmem:s14+$0x13F60]  }
0x124: {  	[tilespmem:s14+$0x13F00] =	vst v8;
	v8 =	vmul.f32 v11, v12;
	v11 =	vld [tilespmem:s14+$0x13F70]  }
0x125: {  	[tilespmem:s14+$0x13F10] =	vst v7;
	v7 =	vmul.f32 v15, v12;
	v14 =	vld [tilespmem:s14+$0x13F80]  }
0x126: {  	[tilespmem:s14+$0x13F20] =	vst v8;
	v8 =	vmul.f32 v10, v12;
	v10 =	vld [tilespmem:s14+$0x13F90]  }
0x127: {  	[tilespmem:s14+$0x13F30] =	vst v7;
	v7 =	vmul.f32 v13, v12;
	v13 =	vld [tilespmem:s14+$0x13FA0]  }
0x128: {  	[tilespmem:s14+$0x13F40] =	vst v8;
	v8 =	vmul.f32 v9, v12;
	v9 =	vbroadcast v1, $0x7;
	v15 =	vld [tilespmem:s14+$0x13FB0]  }
0x129: {  	[tilespmem:s14+$0x13F50] =	vst v7;
	v7 =	vmul.f32 v11, v12;
	v11 =	vld [tilespmem:s14+$0x13FC0]  }
0x12a: {  	[tilespmem:s14+$0x13F60] =	vst v8;
	v8 =	vmul.f32 v14, v9;
	v12 =	vld [tilespmem:s14+$0x13FD0]  }
0x12b: {  	[tilespmem:s14+$0x13F70] =	vst v7;
	v7 =	vmul.f32 v10, v9;
	v10 =	vld [tilespmem:s14+$0x13FE0]  }
0x12c: {  	[tilespmem:s14+$0x13F80] =	vst v8;
	v8 =	vmul.f32 v13, v9;
	v13 =	vld [tilespmem:s14+$0x13FF0]  }
0x12d: {  	[tilespmem:s14+$0x13F90] =	vst v7;
	v7 =	vmul.f32 v15, v9;
	v14 =	vld [tilespmem:s14+$0x14000]  }
0x12e: {  	[tilespmem:s14+$0x13FA0] =	vst v8;
	v8 =	vmul.f32 v11, v9;
	v11 =	vld [tilespmem:s14+$0x14010]  }
0x12f: {  	[tilespmem:s14+$0x13FB0] =	vst v7;
	v7 =	vmul.f32 v12, v9;
	v12 =	vld [tilespmem:s14+$0x14020]  }
0x130: {  	[tilespmem:s14+$0x13FC0] =	vst v8;
	v8 =	vmul.f32 v10, v9;
	v10 =	vbroadcast v1, $0x8;
	v15 =	vld [tilespmem:s14+$0x14030]  }
0x131: {  	[tilespmem:s14+$0x13FD0] =	vst v7;
	v7 =	vmul.f32 v13, v9;
	v9 =	vld [tilespmem:s14+$0x14040]  }
0x132: {  	[tilespmem:s14+$0x13FE0] =	vst v8;
	v8 =	vmul.f32 v14, v10;
	v13 =	vld [tilespmem:s14+$0x14050]  }
0x133: {  	[tilespmem:s14+$0x13FF0] =	vst v7;
	v7 =	vmul.f32 v11, v10;
	v11 =	vld [tilespmem:s14+$0x14060]  }
0x134: {  	[tilespmem:s14+$0x14000] =	vst v8;
	v8 =	vmul.f32 v12, v10;
	v12 =	vld [tilespmem:s14+$0x14070]  }
0x135: {  	[tilespmem:s14+$0x14010] =	vst v7;
	v7 =	vmul.f32 v15, v10;
	v14 =	vld [tilespmem:s14+$0x14080]  }
0x136: {  	[tilespmem:s14+$0x14020] =	vst v8;
	v8 =	vmul.f32 v9, v10;
	v9 =	vld [tilespmem:s14+$0x14090]  }
0x137: {  	[tilespmem:s14+$0x14030] =	vst v7;
	v7 =	vmul.f32 v13, v10;
	v13 =	vld [tilespmem:s14+$0x140A0]  }
0x138: {  	[tilespmem:s14+$0x14040] =	vst v8;
	v8 =	vmul.f32 v11, v10;
	v11 =	vbroadcast v1, $0x9;
	v15 =	vld [tilespmem:s14+$0x140B0]  }
0x139: {  	[tilespmem:s14+$0x14050] =	vst v7;
	v7 =	vmul.f32 v12, v10;
	v10 =	vld [tilespmem:s14+$0x140C0]  }
0x13a: {  	[tilespmem:s14+$0x14060] =	vst v8;
	v8 =	vmul.f32 v14, v11;
	v12 =	vld [tilespmem:s14+$0x140D0]  }
0x13b: {  	[tilespmem:s14+$0x14070] =	vst v7;
	v7 =	vmul.f32 v9, v11;
	v9 =	vld [tilespmem:s14+$0x140E0]  }
0x13c: {  	[tilespmem:s14+$0x14080] =	vst v8;
	v8 =	vmul.f32 v13, v11;
	v13 =	vld [tilespmem:s14+$0x140F0]  }
0x13d: {  	[tilespmem:s14+$0x14090] =	vst v7;
	v7 =	vmul.f32 v15, v11;
	v14 =	vld [tilespmem:s14+$0x14100]  }
0x13e: {  	[tilespmem:s14+$0x140A0] =	vst v8;
	v8 =	vmul.f32 v10, v11;
	v10 =	vld [tilespmem:s14+$0x14110]  }
0x13f: {  	[tilespmem:s14+$0x140B0] =	vst v7;
	v7 =	vmul.f32 v12, v11;
	v12 =	vld [tilespmem:s14+$0x14120]  }
0x140: {  	[tilespmem:s14+$0x140C0] =	vst v8;
	v8 =	vmul.f32 v9, v11;
	v9 =	vld [tilespmem:s14+$0x14130]  }
0x141: {  	[tilespmem:s14+$0x140D0] =	vst v7;
	v7 =	vmul.f32 v13, v11;
	v11 =	vld [tilespmem:s14+$0x14140]  }
0x142: {  	[tilespmem:s14+$0x140E0] =	vst v8;
	v8 =	vmul.f32 v14, v4;
	v13 =	vld [tilespmem:s14+$0x14150]  }
0x143: {  	[tilespmem:s14+$0x140F0] =	vst v7;
	v7 =	vmul.f32 v10, v4;
	v10 =	vld [tilespmem:s14+$0x14160]  }
0x144: {  	v14 =	vld [tilespmem:s14+$0x13C00];
	[tilespmem:s14+$0x14100] =	vst v8;
	v8 =	vmul.f32 v12, v4  }
0x145: {  	v12 =	vld [tilespmem:s14+$0x13C10];
	[tilespmem:s14+$0x14110] =	vst v7;
	v7 =	vmul.f32 v9, v4  }
0x146: {  	v9 =	vld [tilespmem:s14+$0x13C40];
	[tilespmem:s14+$0x14120] =	vst v8;
	v8 =	vmul.f32 v11, v4  }
0x147: {  	v11 =	vld [tilespmem:s14+$0x13C50];
	[tilespmem:s14+$0x14130] =	vst v7;
	v7 =	vmul.f32 v13, v4  }
0x148: {  	[tilespmem:s14+$0x14140] =	vst v8;
	v8 =	vmul.f32 v10, v4;
	v10 =	vbroadcast v1, $0xB;
	v13 =	vld [tilespmem:s14+$0x141A0]  }
0x149: {  	v4 =	vbroadcast v1, $0xF;
	v14 =	vmul.f32 v2, v14;
	[tilespmem:s14+$0x14150] =	vst v7;
	v7 =	vld [tilespmem:s14+$0x141B0]  }
0x14a: {  	v12 =	vmul.f32 v12, v2;
	[tilespmem:s14+$0x14160] =	vst v8;
	v5 =	vmul.f32 v5, v10;
	v8 =	vld [tilespmem:s14+$0x141C0]  }
0x14b: {  	v6 =	vmul.f32 v6, v10;
	[tilespmem:s14+$0x13C00] =	vst v14;
	v9 =	vmul.f32 v9, v2;
	v14 =	vld [tilespmem:s14+$0x141D0]  }
0x14c: {  	v3 =	vmul.f32 v3, v4;
	v11 =	vmul.f32 v11, v2;
	[tilespmem:s14+$0x14180] =	vst v5;
	v2 =	vld [tilespmem:s14+$0x141E0]  }
0x14d: {  	[tilespmem:s14+$0x14190] =	vst v6;
	v5 =	vmul.f32 v13, v10;
	v6 =	vld [tilespmem:s14+$0x141F0]  }
0x14e: {  	v7 =	vmul.f32 v7, v10;
	v13 =	vld [tilespmem:s14+$0x14200];
	[tilespmem:s14+$0x143D0] =	vst v3  }
0x14f: {  	[tilespmem:s14+$0x13C10] =	vst v12;
	v3 =	vmul.f32 v8, v10;
	v8 =	vld [tilespmem:s14+$0x14210]  }
0x150: {  	[tilespmem:s14+$0x13C40] =	vst v9;
	v9 =	vmul.f32 v14, v10;
	v12 =	vld [tilespmem:s14+$0x14220]  }
0x151: {  	v14 =	vbroadcast v1, $0xC;
	[tilespmem:s14+$0x141A0] =	vst v5;
	v5 =	vmul.f32 v2, v10;
	v15 =	vld [tilespmem:s14+$0x14230]  }
0x152: {  	[tilespmem:s14+$0x141D0] =	vst v9;
	v6 =	vmul.f32 v6, v10;
	v9 =	vld [tilespmem:s14+$0x14240]  }
0x153: {  	[tilespmem:s14+$0x141B0] =	vst v7;
	v2 =	vmul.f32 v13, v14;
	v7 =	vld [tilespmem:s14+$0x14250]  }
0x154: {  	[tilespmem:s14+$0x141C0] =	vst v3;
	v3 =	vmul.f32 v8, v14;
	v8 =	vld [tilespmem:s14+$0x14260]  }
0x155: {  	[tilespmem:s14+$0x14200] =	vst v2;
	v2 =	vmul.f32 v12, v14;
	v10 =	vld [tilespmem:s14+$0x14270]  }
0x156: {  	[tilespmem:s14+$0x14210] =	vst v3;
	v3 =	vld [tilespmem:s14+$0x14280]  }
0x157: {  	[tilespmem:s14+$0x13C50] =	vst v11;
	v9 =	vmul.f32 v9, v14;
	v11 =	vld [tilespmem:s14+$0x14290]  }
0x158: {  	[tilespmem:s14+$0x141E0] =	vst v5;
	v5 =	vmul.f32 v7, v14;
	v7 =	vld [tilespmem:s14+$0x142A0]  }
0x159: {  	[tilespmem:s14+$0x14240] =	vst v9;
	v8 =	vmul.f32 v8, v14;
	v9 =	vbroadcast v1, $0xD;
	v12 =	vld [tilespmem:s14+$0x142B0]  }
0x15a: {  	[tilespmem:s14+$0x14250] =	vst v5;
	v5 =	vmul.f32 v10, v14;
	v10 =	vld [tilespmem:s14+$0x142C0]  }
0x15b: {  	[tilespmem:s14+$0x14260] =	vst v8;
	v3 =	vmul.f32 v3, v9;
	v8 =	vld [tilespmem:s14+$0x142D0]  }
0x15c: {  	[tilespmem:s14+$0x14270] =	vst v5;
	v5 =	vmul.f32 v11, v9;
	v11 =	vld [tilespmem:s14+$0x142E0]  }
0x15d: {  	[tilespmem:s14+$0x14280] =	vst v3;
	v3 =	vmul.f32 v7, v9;
	v7 =	vld [tilespmem:s14+$0x142F0]  }
0x15e: {  	[tilespmem:s14+$0x14290] =	vst v5;
	v5 =	vmul.f32 v12, v9;
	v12 =	vld [tilespmem:s14+$0x14300]  }
0x15f: {  	[tilespmem:s14+$0x142A0] =	vst v3;
	v3 =	vmul.f32 v10, v9;
	v10 =	vld [tilespmem:s14+$0x14310]  }
0x160: {  	[tilespmem:s14+$0x142B0] =	vst v5;
	v5 =	vmul.f32 v8, v9;
	v8 =	vld [tilespmem:s14+$0x14320]  }
0x161: {  	v1 =	vbroadcast v1, $0xE;
	[tilespmem:s14+$0x141F0] =	vst v6;
	v6 =	vmul.f32 v11, v9;
	v11 =	vld [tilespmem:s14+$0x14330]  }
0x162: {  	[tilespmem:s14+$0x142D0] =	vst v5;
	v5 =	vmul.f32 v7, v9;
	v7 =	vld [tilespmem:s14+$0x14340]  }
0x163: {  	[tilespmem:s14+$0x142E0] =	vst v6;
	v6 =	vmul.f32 v12, v1;
	v9 =	vld [tilespmem:s14+$0x14350]  }
0x164: {  	[tilespmem:s14+$0x142F0] =	vst v5;
	v5 =	vmul.f32 v10, v1;
	v10 =	vld [tilespmem:s14+$0x14360]  }
0x165: {  	[tilespmem:s14+$0x14300] =	vst v6;
	v6 =	vmul.f32 v8, v1;
	v8 =	vld [tilespmem:s14+$0x14370]  }
0x166: {  	[tilespmem:s14+$0x14310] =	vst v5;
	v5 =	vmul.f32 v11, v1;
	v11 =	vld [tilespmem:s14+$0x14380]  }
0x167: {  	[tilespmem:s14+$0x14320] =	vst v6;
	v6 =	vmul.f32 v7, v1;
	v7 =	vld [tilespmem:s14+$0x14390]  }
0x168: {  	[tilespmem:s14+$0x14330] =	vst v5;
	v5 =	vmul.f32 v9, v1;
	v9 =	vld [tilespmem:s14+$0x143A0]  }
0x169: {  	[tilespmem:s14+$0x14340] =	vst v6;
	v6 =	vmul.f32 v10, v1;
	v10 =	vld [tilespmem:s14+$0x143B0]  }
0x16a: {  	[tilespmem:s14+$0x142C0] =	vst v3;
	v1 =	vmul.f32 v8, v1;
	v3 =	vld [tilespmem:s14+$0x143C0]  }
0x16b: {  	[tilespmem:s14+$0x14360] =	vst v6;
	v6 =	vmul.f32 v11, v4;
	v8 =	vld [tilespmem:s14+$0x143E0]  }
0x16c: {  	[tilespmem:s14+$0x14370] =	vst v1;
	v1 =	vmul.f32 v7, v4;
	v7 =	vld [tilespmem:s14+$0x143F0]  }
0x16d: {  	[tilespmem:s14+$0x14380] =	vst v6;
	v6 =	vmul.f32 v9, v4  }
0x16e: {  	[tilespmem:s14+$0x14390] =	vst v1;
	v1 =	vmul.f32 v10, v4  }
0x16f: {  	v9 =	vmul.f32 v15, v14;
	[tilespmem:s14+$0x143A0] =	vst v6  }
0x170: {  	[tilespmem:s14+$0x143B0] =	vst v1;
	v1 =	vmul.f32 v3, v4  }
.Ltmp3:
0x171: {  	[tilespmem:s14+$0x14230] =	vst v9;
	v3 =	vmul.f32 v7, v4;
	(pc) =	sbr.rel @p1 .LBB2_5-.Ltmp3, $4  }
0x172: {  	[tilespmem:s14+$0x143C0] =	vst v1  }
0x173: {  	v1 =	vmul.f32 v8, v4;
	[tilespmem:s14+$0x143F0] =	vst v3  }
0x174: {  	[tilespmem:s14+$0x14350] =	vst v5  }
0x175: {  	[tilespmem:s14+$0x143E0] =	vst v1  }
0x176: {  	s13 =	sadd.s32 $0x1, s13  }
0x177: {  	p1 =	sne.s32 s13, $0x4F  }
.Ltmp4:
0x178: {  	_ = 	snop;
	(pc) =	sbr.rel @p1 .LBB2_4-.Ltmp4, $3  }
0x179: {  	_ =	sdelay $0x1  }
0x17a: {  	[tilespmem:s14+$0x14220] =	vst v2  }
0x17b: {  	[spmem:s7] =	stream.indirect.scatter.add.f32 [tilespmem:s20], [sflag:$0x2], $0x80, s22, s23, $0xb8;
	[tilespmem:$0x1BD80] =	vst v63  }
.Ltmp5:
0x17c: {  	_ =	swait.ge [sflag:s25], $0x4000;
	(pc) =	sbr.rel .LBB2_8-.Ltmp5, $4  }
0x17d: {  	[sflag:s25] =	ssyncset.done $0x0  }
0x17e: {  	[sflag:s25] =	ssyncadd.s32 $0xFFFFC000  }
0x17f: {  	[bflag:$0x0] =	sbarrier.arrive $0xFFFF  }
0x180: {  	s2 =	simm.s32 $0x0  }
.LBB2_12:
0x181: {  	s2 =	sadd.s32 $0x1, s2  }
0x182: {  	p1 =	sne.s32 s2, $0x5  }
.Ltmp6:
0x183: {  	_ = 	snop;
	(pc) =	sbr.rel @!p1 .LBB2_13-.Ltmp6, $1  }
0x184: {  	_ =	sdelay $0x3  }
.LBB2_8:
0x185: {  	s13 =	sshll.u32 s2, $0x4  }
0x186: {  	s13 =	sor.u32 s9, s13  }
0x187: {  	p1 =	sgt.u32 s13, $0x4E  }
.Ltmp7:
0x188: {  	_ = 	snop;
	(pc) =	sbr.rel @p1 .LBB2_12-.Ltmp7, $1  }
0x189: {  	_ =	sdelay $0x3  }
0x18a: {  	s14 =	sshll.u32 s13, $0x4  }
0x18b: {  	s15 =	simm.s32 $0x0;
	s14 =	sadd.s32 s3, s14  }
0x18c: {  	[tilespmem:s24], [sflag:$0x4] =	stream.linear.gather [hbm4b:s14+s15], $0x80, $0x38;
	[tilespmem:$0x1BD80] =	vst v63  }
0x18d: {  	_ =	swait.ge [sflag:s29], $0x80  }
0x18e: {  	s13 =	sshll.u32 s13, $0xE;
	[sflag:s29] =	ssyncset.done $0x0  }
0x18f: {  	s16 =	sand.u32 $0x3FFFC000, s13;
	[sflag:s29] =	ssyncadd.s32 $0xFFFFFF80  }
0x190: {  	[tilespmem:s30], [sflag:$0x1] =	stream.indirect.gather [hbm4b:s1+s23], $0x80, s24, s23, $0xb8;
	[tilespmem:$0x1BD80] =	vst v63  }
0x191: {  	s14 =	sadd.s32 s16, s7  }
0x192: {  	[tilespmem:s20], [sflag:$0x4] =	stream.linear.gather [spmem:s14], $0x4000, $0x38;
	[tilespmem:$0x1BD80] =	vst v63  }
0x193: {  	_ =	swait.ge [sflag:s29], $0x4000  }
0x194: {  	[sflag:s29] =	ssyncset.done $0x0  }
0x195: {  	[sflag:s29] =	ssyncadd.s32 $0xFFFFC000  }
0x196: {  	_ =	swait.ge [sflag:s28], $0x4000  }
0x197: {  	[sflag:s28] =	ssyncset.done $0x0  }
0x198: {  	s14 =	simm.s32 $0x0;
	[sflag:s28] =	ssyncadd.s32 $0xFFFFC000  }
0x199: {  	v7 =	vld [tilespmem:s14+$0x17C00]  }
0x19a: {  	v8 =	vld [tilespmem:s14+$0x17C10]  }
0x19b: {  	v9 =	vld [tilespmem:s14+$0x17C20]  }
0x19c: {  	v10 =	vld [tilespmem:s14+$0x17C30]  }
0x19d: {  	v11 =	vld [tilespmem:s14+$0x17C40]  }
0x19e: {  	v12 =	vld [tilespmem:s14+$0x17C50]  }
0x19f: {  	v13 =	vld [tilespmem:s14+$0x17C60]  }
0x1a0: {  	v14 =	vld [tilespmem:s14+$0x17C70]  }
0x1a1: {  	v15 =	vld [tilespmem:s14+$0x17C80]  }
0x1a2: {  	v16 =	vld [tilespmem:s14+$0x17C90]  }
0x1a3: {  	v17 =	vld [tilespmem:s14+$0x17CA0]  }
0x1a4: {  	v18 =	vld [tilespmem:s14+$0x17CB0]  }
0x1a5: {  	v19 =	vld [tilespmem:s14+$0x17CC0]  }
0x1a6: {  	v20 =	vld [tilespmem:s14+$0x17CD0]  }
0x1a7: {  	v21 =	vld [tilespmem:s14+$0x17CE0]  }
0x1a8: {  	v22 =	vld [tilespmem:s14+$0x17CF0]  }
0x1a9: {  	v23 =	vld [tilespmem:s14+$0x17D00]  }
0x1aa: {  	v24 =	vld [tilespmem:s14+$0x17D10]  }
0x1ab: {  	v25 =	vld [tilespmem:s14+$0x17D20]  }
0x1ac: {  	v26 =	vld [tilespmem:s14+$0x17D30]  }
0x1ad: {  	v27 =	vld [tilespmem:s14+$0x17D40]  }
0x1ae: {  	v28 =	vld [tilespmem:s14+$0x17D50]  }
0x1af: {  	v29 =	vld [tilespmem:s14+$0x17D60]  }
0x1b0: {  	v30 =	vld [tilespmem:s14+$0x17D70]  }
0x1b1: {  	v31 =	vld [tilespmem:s14+$0x17D80]  }
0x1b2: {  	v32 =	vld [tilespmem:s14+$0x17D90]  }
0x1b3: {  	v6 =	vld [tilespmem:s14+$0x17DA0]  }
0x1b4: {  	v5 =	vld [tilespmem:s14+$0x17DB0]  }
0x1b5: {  	v4 =	vld [tilespmem:s14+$0x17DC0]  }
0x1b6: {  	v3 =	vld [tilespmem:s14+$0x17DD0]  }
0x1b7: {  	v2 =	vld [tilespmem:s14+$0x17DE0]  }
0x1b8: {  	v33 =	vld [tilespmem:s14+$0x13C00]  }
0x1b9: {  	v34 =	vld [tilespmem:s14+$0x13C10]  }
0x1ba: {  	v35 =	vld [tilespmem:s14+$0x13C20]  }
0x1bb: {  	v36 =	vld [tilespmem:s14+$0x13C30]  }
0x1bc: {  	v37 =	vld [tilespmem:s14+$0x13C40]  }
0x1bd: {  	v63 =	vld [tilespmem:s14+$0x13C50];
	v7 =	vmul.f32 v7, v33  }
0x1be: {  	v38 =	vld [tilespmem:s14+$0x13C60];
	v8 =	vmul.f32 v8, v34  }
0x1bf: {  	v9 =	vmul.f32 v9, v35;
	[tilespmem:s14+$0x13C00] =	vst v7;
	v7 =	vld [tilespmem:s14+$0x13C70]  }
0x1c0: {  	v10 =	vmul.f32 v10, v36;
	[tilespmem:s14+$0x13C10] =	vst v8;
	v8 =	vld [tilespmem:s14+$0x13C80]  }
0x1c1: {  	v11 =	vmul.f32 v11, v37;
	[tilespmem:s14+$0x13C20] =	vst v9;
	v9 =	vld [tilespmem:s14+$0x13C90]  }
0x1c2: {  	v12 =	vmul.f32 v12, v63;
	[tilespmem:s14+$0x13C30] =	vst v10;
	v10 =	vld [tilespmem:s14+$0x13CA0]  }
0x1c3: {  	v13 =	vmul.f32 v13, v38;
	[tilespmem:s14+$0x13C40] =	vst v11;
	v11 =	vld [tilespmem:s14+$0x13CB0]  }
0x1c4: {  	[tilespmem:s14+$0x13C50] =	vst v12;
	v12 =	vld [tilespmem:s14+$0x13CC0];
	v7 =	vmul.f32 v14, v7  }
0x1c5: {  	[tilespmem:s14+$0x13C60] =	vst v13;
	v13 =	vld [tilespmem:s14+$0x13CD0];
	v8 =	vmul.f32 v15, v8  }
0x1c6: {  	v9 =	vmul.f32 v16, v9;
	[tilespmem:s14+$0x13C70] =	vst v7;
	v7 =	vld [tilespmem:s14+$0x13CE0]  }
0x1c7: {  	v10 =	vmul.f32 v17, v10;
	[tilespmem:s14+$0x13C80] =	vst v8;
	v8 =	vld [tilespmem:s14+$0x13CF0]  }
0x1c8: {  	v11 =	vmul.f32 v18, v11;
	[tilespmem:s14+$0x13C90] =	vst v9;
	v9 =	vld [tilespmem:s14+$0x13D00]  }
0x1c9: {  	v12 =	vmul.f32 v19, v12;
	[tilespmem:s14+$0x13CA0] =	vst v10;
	v10 =	vld [tilespmem:s14+$0x13D10]  }
0x1ca: {  	v13 =	vmul.f32 v20, v13;
	[tilespmem:s14+$0x13CB0] =	vst v11;
	v11 =	vld [tilespmem:s14+$0x13D20]  }
0x1cb: {  	[tilespmem:s14+$0x13CC0] =	vst v12;
	v12 =	vld [tilespmem:s14+$0x13D30];
	v7 =	vmul.f32 v21, v7  }
0x1cc: {  	[tilespmem:s14+$0x13CD0] =	vst v13;
	v13 =	vld [tilespmem:s14+$0x13D40]  }
0x1cd: {  	v8 =	vmul.f32 v22, v8;
	[tilespmem:s14+$0x13CE0] =	vst v7;
	v7 =	vld [tilespmem:s14+$0x13D50]  }
0x1ce: {  	v1 =	vld [tilespmem:s14+$0x17DF0];
	v9 =	vmul.f32 v23, v9  }
0x1cf: {  	[tilespmem:s14+$0x13CF0] =	vst v8;
	v8 =	vmul.f32 v24, v10;
	v10 =	vld [tilespmem:s14+$0x13D70]  }
0x1d0: {  	v14 =	vld [tilespmem:s14+$0x13D60];
	[tilespmem:s14+$0x13D00] =	vst v9;
	v9 =	vmul.f32 v25, v11  }
0x1d1: {  	v11 =	vld [tilespmem:s14+$0x13D80];
	[tilespmem:s14+$0x13D10] =	vst v8;
	v8 =	vmul.f32 v26, v12  }
0x1d2: {  	[tilespmem:s14+$0x13D20] =	vst v9;
	v12 =	vld [tilespmem:s14+$0x13D90];
	v9 =	vmul.f32 v27, v13;
	v13 =	vmul.f32 v28, v7  }
0x1d3: {  	[tilespmem:s14+$0x13D30] =	vst v8;
	v8 =	vld [tilespmem:s14+$0x13DA0]  }
0x1d4: {  	v7 =	vld [tilespmem:s14+$0x13DB0];
	[tilespmem:s14+$0x13D50] =	vst v13;
	v13 =	vmul.f32 v30, v10  }
0x1d5: {  	v14 =	vmul.f32 v29, v14;
	[tilespmem:s14+$0x13D40] =	vst v9;
	v9 =	vld [tilespmem:s14+$0x13DC0]  }
0x1d6: {  	v10 =	vld [tilespmem:s14+$0x13DD0];
	[tilespmem:s14+$0x13D70] =	vst v13;
	v13 =	vmul.f32 v31, v11  }
0x1d7: {  	s15 =	simm.s32 $0x800;
	[tilespmem:s14+$0x13D60] =	vst v14;
	v12 =	vmul.f32 v32, v12;
	v11 =	vld [tilespmem:s14+$0x13DE0]  }
.LBB2_10:
0x1d8: {  	s16 =	sshra.s32 s15, $0x2;
	p1 =	sne.s32 s15, $0xF800;
	[tilespmem:s14+$0x13D80] =	vst v13;
	v6 =	vmul.f32 v6, v8;
	v8 =	vld [tilespmem:s14+$0x13DF0]  }
0x1d9: {  	v13 =	vld [tilespmem:s16+$0x17C00];
	[tilespmem:s14+$0x13D90] =	vst v12;
	v5 =	vmul.f32 v5, v7  }
0x1da: {  	v7 =	vld [tilespmem:s16+$0x17C10];
	[tilespmem:s14+$0x13DA0] =	vst v6;
	v4 =	vmul.f32 v4, v9  }
0x1db: {  	v9 =	vld [tilespmem:s16+$0x17C20];
	[tilespmem:s14+$0x13DB0] =	vst v5;
	v3 =	vmul.f32 v3, v10  }
0x1dc: {  	v10 =	vld [tilespmem:s16+$0x17C30];
	[tilespmem:s14+$0x13DC0] =	vst v4;
	v2 =	vmul.f32 v2, v11  }
0x1dd: {  	v11 =	vld [tilespmem:s16+$0x17C40];
	[tilespmem:s14+$0x13DD0] =	vst v3;
	v1 =	vmul.f32 v1, v8  }
0x1de: {  	v8 =	vld [tilespmem:s16+$0x17C50];
	[tilespmem:s14+$0x13DE0] =	vst v2  }
0x1df: {  	v12 =	vld [tilespmem:s16+$0x17C60];
	[tilespmem:s14+$0x13DF0] =	vst v1;
	s14 =	smov.u32 s16  }
0x1e0: {  	v14 =	vld [tilespmem:s14+$0x17C70]  }
0x1e1: {  	v15 =	vld [tilespmem:s14+$0x17C80]  }
0x1e2: {  	v16 =	vld [tilespmem:s14+$0x17C90]  }
0x1e3: {  	v17 =	vld [tilespmem:s14+$0x17CA0]  }
0x1e4: {  	v18 =	vld [tilespmem:s14+$0x17CB0]  }
0x1e5: {  	v19 =	vld [tilespmem:s14+$0x17CC0]  }
0x1e6: {  	v20 =	vld [tilespmem:s14+$0x17CD0]  }
0x1e7: {  	v21 =	vld [tilespmem:s14+$0x17CE0]  }
0x1e8: {  	v22 =	vld [tilespmem:s14+$0x17CF0]  }
0x1e9: {  	v23 =	vld [tilespmem:s14+$0x17D00]  }
0x1ea: {  	v24 =	vld [tilespmem:s14+$0x17D10]  }
0x1eb: {  	v25 =	vld [tilespmem:s14+$0x17D20]  }
0x1ec: {  	v26 =	vld [tilespmem:s14+$0x17D30]  }
0x1ed: {  	v27 =	vld [tilespmem:s14+$0x17D40]  }
0x1ee: {  	v28 =	vld [tilespmem:s14+$0x17D50]  }
0x1ef: {  	v29 =	vld [tilespmem:s14+$0x17D60]  }
0x1f0: {  	v30 =	vld [tilespmem:s14+$0x17D70]  }
0x1f1: {  	v31 =	vld [tilespmem:s14+$0x17D80]  }
0x1f2: {  	v32 =	vld [tilespmem:s14+$0x17D90]  }
0x1f3: {  	v6 =	vld [tilespmem:s14+$0x17DA0]  }
0x1f4: {  	v5 =	vld [tilespmem:s14+$0x17DB0]  }
0x1f5: {  	v4 =	vld [tilespmem:s14+$0x17DC0]  }
0x1f6: {  	v3 =	vld [tilespmem:s14+$0x17DD0]  }
0x1f7: {  	v2 =	vld [tilespmem:s14+$0x17DE0]  }
0x1f8: {  	v1 =	vld [tilespmem:s14+$0x17DF0]  }
0x1f9: {  	v33 =	vld [tilespmem:s14+$0x13C00]  }
0x1fa: {  	v34 =	vld [tilespmem:s14+$0x13C10]  }
0x1fb: {  	v35 =	vld [tilespmem:s14+$0x13C20]  }
0x1fc: {  	v36 =	vld [tilespmem:s14+$0x13C30]  }
0x1fd: {  	v37 =	vld [tilespmem:s14+$0x13C40]  }
0x1fe: {  	v13 =	vmul.f32 v13, v33;
	v33 =	vld [tilespmem:s14+$0x13C50]  }
0x1ff: {  	v7 =	vmul.f32 v7, v34;
	v34 =	vld [tilespmem:s14+$0x13C60]  }
0x200: {  	[tilespmem:s14+$0x13C00] =	vst v13;
	v9 =	vmul.f32 v9, v35;
	v13 =	vld [tilespmem:s14+$0x13C70]  }
0x201: {  	[tilespmem:s14+$0x13C10] =	vst v7;
	v7 =	vmul.f32 v10, v36;
	v10 =	vld [tilespmem:s14+$0x13C80]  }
0x202: {  	[tilespmem:s14+$0x13C20] =	vst v9;
	v9 =	vmul.f32 v11, v37;
	v11 =	vld [tilespmem:s14+$0x13C90]  }
0x203: {  	[tilespmem:s14+$0x13C30] =	vst v7;
	v7 =	vmul.f32 v8, v33;
	v8 =	vld [tilespmem:s14+$0x13CA0]  }
0x204: {  	[tilespmem:s14+$0x13C40] =	vst v9;
	v9 =	vmul.f32 v12, v34;
	v12 =	vld [tilespmem:s14+$0x13CB0]  }
0x205: {  	[tilespmem:s14+$0x13C50] =	vst v7;
	v7 =	vmul.f32 v14, v13;
	v13 =	vld [tilespmem:s14+$0x13CC0]  }
0x206: {  	[tilespmem:s14+$0x13C60] =	vst v9;
	v9 =	vmul.f32 v15, v10;
	v10 =	vld [tilespmem:s14+$0x13CD0]  }
0x207: {  	[tilespmem:s14+$0x13C70] =	vst v7;
	v7 =	vmul.f32 v16, v11;
	v11 =	vld [tilespmem:s14+$0x13CE0]  }
0x208: {  	[tilespmem:s14+$0x13C80] =	vst v9;
	v8 =	vmul.f32 v17, v8;
	v9 =	vld [tilespmem:s14+$0x13CF0]  }
0x209: {  	[tilespmem:s14+$0x13C90] =	vst v7;
	v7 =	vmul.f32 v18, v12;
	v12 =	vld [tilespmem:s14+$0x13D00]  }
0x20a: {  	[tilespmem:s14+$0x13CA0] =	vst v8;
	v8 =	vmul.f32 v19, v13;
	v13 =	vld [tilespmem:s14+$0x13D10]  }
0x20b: {  	[tilespmem:s14+$0x13CB0] =	vst v7;
	v7 =	vmul.f32 v20, v10;
	v10 =	vld [tilespmem:s14+$0x13D20]  }
0x20c: {  	[tilespmem:s14+$0x13CC0] =	vst v8;
	v8 =	vmul.f32 v21, v11;
	v11 =	vld [tilespmem:s14+$0x13D30]  }
0x20d: {  	[tilespmem:s14+$0x13CD0] =	vst v7;
	v7 =	vmul.f32 v22, v9;
	v9 =	vld [tilespmem:s14+$0x13D40]  }
0x20e: {  	[tilespmem:s14+$0x13CE0] =	vst v8;
	v8 =	vmul.f32 v23, v12;
	v12 =	vld [tilespmem:s14+$0x13D50]  }
0x20f: {  	[tilespmem:s14+$0x13CF0] =	vst v7;
	v7 =	vmul.f32 v24, v13;
	v13 =	vld [tilespmem:s14+$0x13D60]  }
0x210: {  	[tilespmem:s14+$0x13D00] =	vst v8;
	v8 =	vmul.f32 v25, v10;
	v10 =	vld [tilespmem:s14+$0x13D70]  }
0x211: {  	[tilespmem:s14+$0x13D10] =	vst v7;
	v7 =	vmul.f32 v26, v11;
	v11 =	vld [tilespmem:s14+$0x13D80]  }
0x212: {  	[tilespmem:s14+$0x13D20] =	vst v8;
	v9 =	vmul.f32 v27, v9;
	v14 =	vld [tilespmem:s14+$0x13D90]  }
.Ltmp8:
0x213: {  	[tilespmem:s14+$0x13D30] =	vst v7;
	v12 =	vmul.f32 v28, v12;
	v8 =	vld [tilespmem:s14+$0x13DA0];
	(pc) =	sbr.rel @p1 .LBB2_10-.Ltmp8, $4  }
0x214: {  	[tilespmem:s14+$0x13D40] =	vst v9;
	v13 =	vmul.f32 v29, v13;
	v7 =	vld [tilespmem:s14+$0x13DB0]  }
0x215: {  	[tilespmem:s14+$0x13D50] =	vst v12;
	v12 =	vmul.f32 v30, v10;
	v9 =	vld [tilespmem:s14+$0x13DC0]  }
0x216: {  	[tilespmem:s14+$0x13D60] =	vst v13;
	v13 =	vmul.f32 v31, v11;
	v10 =	vld [tilespmem:s14+$0x13DD0]  }
0x217: {  	s15 =	sadd.s32 $0x800, s15;
	[tilespmem:s14+$0x13D70] =	vst v12;
	v12 =	vmul.f32 v32, v14;
	v11 =	vld [tilespmem:s14+$0x13DE0]  }
0x218: {  	[tilespmem:s14+$0x13D80] =	vst v13;
	v6 =	vmul.f32 v6, v8;
	v63 =	vld [tilespmem:s14+$0x13DF0]  }
0x219: {  	[tilespmem:s14+$0x13D90] =	vst v12;
	v5 =	vmul.f32 v5, v7  }
0x21a: {  	[tilespmem:s14+$0x13DA0] =	vst v6;
	v4 =	vmul.f32 v4, v9  }
0x21b: {  	[tilespmem:s14+$0x13DB0] =	vst v5;
	v3 =	vmul.f32 v3, v10  }
0x21c: {  	[tilespmem:s14+$0x13DC0] =	vst v4;
	v2 =	vmul.f32 v2, v11  }
0x21d: {  	s13 =	sadd.s32 s18, s13;
	[tilespmem:s14+$0x13DD0] =	vst v3;
	v1 =	vmul.f32 v1, v63  }
0x21e: {  	s13 =	sshrl.u32 s13, $0x3;
	[tilespmem:s14+$0x13DE0] =	vst v2  }
.Ltmp9:
0x21f: {  	s13 =	sadd.s32 s10, s13;
	[tilespmem:s14+$0x13DF0] =	vst v1;
	(pc) =	sbr.rel .LBB2_12-.Ltmp9, $4  }
0x220: {  	[hbm4b:s13+s8] =	stream.linear.scatter [tilespmem:s20], [sflag:$0x3], $0x4000, $0x38;
	[tilespmem:$0x1BD80] =	vst v63  }
0x221: {  	_ =	swait.ge [sflag:s21], $0x4000  }
0x222: {  	[sflag:s21] =	ssyncset.done $0x0  }
0x223: {  	[sflag:s21] =	ssyncadd.s32 $0xFFFFC000  }
.LBB2_14:
0x224: {  	_ =	sfence.sel $0x180000  }
0x225: {  	[bflag:$0x0] =	sbarrier.arrive $0xFFFF  }
0x226: {  	_ =	strace $0x90000047  }
0x227: {  	[bflag:$0x2] =	sbarrier.arrive $0xFFFF  }
0x228: {  	p0 =	sne.s32 s9, $0x0;
	s0 =	rddreg [dreg:$0x8]  }
0x229: {  	s0 =	sadd.s32 @!p0 $0x100000, s0  }
0x22a: {  	[sflag:s0] =	ssyncadd.tile.s32 @!p0 $0x1;
	_ =	shalt  }
.Lfunc_end2:
_tile_overlayer_lowered:
.L_overlay_start_2:
0x22b: {  	(tag) =	ssettag $0x2  }
0x22c: {  	s0 =	rddreg [dreg:$0x0];
	s2 =	stileid.u32  }
0x22d: {  	s1 =	rddreg [dreg:$0x1];
	p0 =	sne.s32 s2, $0x0  }
0x22e: {  	s3 =	rddreg [dreg:$0x2];
	[bflag:$0x3] =	sbarrier.arrive $0xFFFF;
	s2 =	simm.s32 @!p0 $0x1C03  }
0x22f: {  	[timem:s3], [sflag:s2] =	dma.local @!p0 [hbm:s0], s1  }
0x230: {  	s0 =	simm.s32 @!p0 $0x3  }
0x231: {  	_ =	swait.ge @!p0 [sflag:s0], s1  }
0x232: {  	s1 =	ssub.s32 @!p0 $0x0, s1;
	[sflag:s0] =	ssyncset.done @!p0 $0x0  }
0x233: {  	[sflag:s0] =	ssyncadd.s32 @!p0 s1  }
0x234: {  	[bflag:$0x3] =	sbarrier.arrive $0xFFFF  }
0x235: {  	_ =	shalt  }

</sc_bundles>
